<compile_context>
chip_gen: v7x
topology: tpu7x:2x2x1
jax: 0.10.2.dev20260603
libtpu: 0.0.44.dev20260713+nightly
codegen_flags: <defaults>
</compile_context>

<pallas_src>
import jax
import jax.numpy as jnp
from jax import lax
from jax.experimental import pallas as pl
from jax.experimental.pallas import tpu as pltpu
from jax.experimental.pallas import tpu_sc as plsc

_N = 10000
_E = 320000
_D = 128
_L = 3
_G = 256
_EPS = 1e-5

_NC = 2
_NS = 16
_NW = _NC * _NS
_EPW = _E // _NW

_KE = 128
_SE = _EPW // _KE
_KT = _EPW - _SE * _KE

_KD = 80
_SD = _EPW // _KD
_BD = 4
_QD = _SD // _BD
_NPAD = 10240
_RPT = _NPAD // _NS
_DW = 16

_F32 = jnp.float32
_HI = lax.Precision.HIGHEST

_sc_mesh = plsc.VectorSubcoreMesh(
    core_axis_name="c", subcore_axis_name="s", num_cores=_NC, num_subcores=_NS
)


def _sc_deg_body(dstm_hbm, out_hbm, idx_v, zero_v, one_v, acc, sem):
    c = lax.axis_index("c")
    s = lax.axis_index("s")
    wid = c * _NS + s

    @pl.loop(0, _KD)
    def _fill(i):
        zero_v[i, :] = jnp.zeros((_DW,), _F32)
        one_v[i, :] = jnp.ones((_DW,), _F32)

    for t in range(_RPT // _KD):
        pltpu.sync_copy(zero_v, acc.at[pl.ds(s * _RPT + t * _KD, _KD)])
    plsc.subcore_barrier()

    pltpu.sync_copy(dstm_hbm.at[wid], idx_v)

    @pl.loop(0, _QD)
    def _scat(qq):
        j0 = _BD * qq
        ss = [pltpu.async_copy(one_v, acc.at[idx_v.at[j0 + q]], sem, add=True)
              for q in range(_BD)]
        for d in ss:
            d.wait()

    pltpu.sync_copy(one_v, acc.at[idx_v.at[_SD - 1]], add=True)

    plsc.subcore_barrier()
    pltpu.sync_copy(acc.at[pl.ds(s * _RPT, _RPT)], out_hbm.at[c, pl.ds(s * _RPT, _RPT)])


_deg_call = pl.kernel(
    _sc_deg_body,
    out_type=jax.ShapeDtypeStruct((_NC, _NPAD, _DW), _F32),
    mesh=_sc_mesh,
    scratch_types=[
        pltpu.VMEM((_SD, _KD), jnp.int32),
        pltpu.VMEM((_KD, _DW), _F32),
        pltpu.VMEM((_KD, _DW), _F32),
        pltpu.VMEM_SHARED((_NPAD, _DW), _F32),
        pltpu.SemaphoreType.DMA,
    ],
)


def _sc_edge_body(p_hbm, srcm_hbm, srct_hbm, dstm_hbm, dstt_hbm, out_hbm,
                  sidx, st_v, db0, db1, dt_v, buf0, buf1, acc,
                  gs0, gs1, ss0, ss1):
    c = lax.axis_index("c")
    s = lax.axis_index("s")
    wid = c * _NS + s

    @pl.loop(0, _KE)
    def _fill(i):
        for dd in range(_D // 16):
            buf0[i, pl.ds(dd * 16, 16)] = jnp.zeros((16,), _F32)

    for t in range(_RPT // _KE):
        pltpu.sync_copy(buf0, acc.at[pl.ds(s * _RPT + t * _KE, _KE)])
    plsc.subcore_barrier()

    pltpu.sync_copy(srcm_hbm.at[wid], sidx)
    pltpu.sync_copy(srct_hbm.at[wid], st_v)

    @pl.loop(0, _SE // 2)
    def _edge(jj):
        j0 = 2 * jj
        g0 = pltpu.async_copy(p_hbm.at[sidx.at[j0]], buf0, gs0)
        g1 = pltpu.async_copy(p_hbm.at[sidx.at[j0 + 1]], buf1, gs1)
        pltpu.sync_copy(dstm_hbm.at[wid, j0], db0)
        pltpu.sync_copy(dstm_hbm.at[wid, j0 + 1], db1)
        g0.wait()
        g1.wait()
        s0 = pltpu.async_copy(buf0, acc.at[db0], ss0, add=True)
        s1 = pltpu.async_copy(buf1, acc.at[db1], ss1, add=True)
        s0.wait()
        s1.wait()

    pltpu.sync_copy(dstt_hbm.at[wid], dt_v)
    pltpu.async_copy(p_hbm.at[st_v], buf0.at[pl.ds(0, _KT)], gs0).wait()
    pltpu.sync_copy(buf0.at[pl.ds(0, _KT)], acc.at[dt_v], add=True)

    plsc.subcore_barrier()
    pltpu.sync_copy(acc.at[pl.ds(s * _RPT, _RPT)], out_hbm.at[c, pl.ds(s * _RPT, _RPT)])


_edge_call = pl.kernel(
    _sc_edge_body,
    out_type=jax.ShapeDtypeStruct((_NC, _NPAD, _D), _F32),
    mesh=_sc_mesh,
    scratch_types=[
        pltpu.VMEM((_SE, _KE), jnp.int32),
        pltpu.VMEM((_KT,), jnp.int32),
        pltpu.VMEM((_KE,), jnp.int32),
        pltpu.VMEM((_KE,), jnp.int32),
        pltpu.VMEM((_KT,), jnp.int32),
        pltpu.VMEM((_KE, _D), _F32),
        pltpu.VMEM((_KE, _D), _F32),
        pltpu.VMEM_SHARED((_NPAD, _D), _F32),
        pltpu.SemaphoreType.DMA,
        pltpu.SemaphoreType.DMA,
        pltpu.SemaphoreType.DMA,
        pltpu.SemaphoreType.DMA,
    ],
)


def _dinv_from(deg2):
    deg = deg2[0, :_N] + deg2[1, :_N] + 1.0
    return (1.0 / jnp.sqrt(deg))[:, None]


def _tc_emb_body(x_ref, We_ref, be_ref, W0_ref, deg_ref, h_ref, p_ref):
    dinv = _dinv_from(deg_ref[...])
    h = jnp.dot(x_ref[...], We_ref[...], precision=_HI, preferred_element_type=_F32)
    h = h + be_ref[...][None, :]
    hw = jnp.dot(h, W0_ref[...], precision=_HI, preferred_element_type=_F32)
    h_ref[...] = h
    p_ref[...] = hw * dinv


_tc_emb = pl.pallas_call(
    _tc_emb_body,
    out_shape=(
        jax.ShapeDtypeStruct((_N, _D), _F32),
        jax.ShapeDtypeStruct((_N, _D), _F32),
    ),
    compiler_params=pltpu.CompilerParams(vmem_limit_bytes=100 * 1024 * 1024),
)


def _post_norm(sp_ref, p_ref, h_ref, deg_ref, b_ref, g_ref, bt_ref):
    dinv = _dinv_from(deg_ref[...])
    sp = sp_ref[...]
    agg = dinv * (sp[0, :_N, :] + sp[1, :_N, :] + p_ref[...]) + b_ref[...][None, :]
    mu = jnp.mean(agg, axis=0)
    xc = agg - mu[None, :]
    var = jnp.mean(xc * xc, axis=0)
    y = xc * lax.rsqrt(var + _EPS)[None, :] * g_ref[...][None, :] + bt_ref[...][None, :]
    return jnp.maximum(y, 0.0) + h_ref[...], dinv


def _tc_norm_body(sp_ref, p_ref, h_ref, deg_ref, b_ref, g_ref, bt_ref, Wn_ref,
                  hn_ref, pn_ref):
    hn, dinv = _post_norm(sp_ref, p_ref, h_ref, deg_ref, b_ref, g_ref, bt_ref)
    hn_ref[...] = hn
    hw = jnp.dot(hn, Wn_ref[...], precision=_HI, preferred_element_type=_F32)
    pn_ref[...] = hw * dinv


_tc_norm = pl.pallas_call(
    _tc_norm_body,
    out_shape=(
        jax.ShapeDtypeStruct((_N, _D), _F32),
        jax.ShapeDtypeStruct((_N, _D), _F32),
    ),
    compiler_params=pltpu.CompilerParams(vmem_limit_bytes=100 * 1024 * 1024),
)


def _tc_final_body(sp_ref, p_ref, h_ref, deg_ref, b_ref, g_ref, bt_ref,
                   batch_ref, W1_ref, b1_ref, W2_ref, b2_ref, out_ref):
    hn, _ = _post_norm(sp_ref, p_ref, h_ref, deg_ref, b_ref, g_ref, bt_ref)
    seg = lax.broadcasted_iota(jnp.int32, (_G, _N), 0)
    onehot = (seg == batch_ref[...]).astype(_F32)
    sums = jnp.dot(onehot, hn, precision=_HI, preferred_element_type=_F32)
    counts = jnp.sum(onehot, axis=1)
    pooled = sums / jnp.maximum(counts, 1.0)[:, None]
    o = jnp.dot(pooled, W1_ref[...], precision=_HI, preferred_element_type=_F32)
    o = jnp.maximum(o + b1_ref[...][None, :], 0.0)
    o = jnp.dot(o, W2_ref[...], precision=_HI, preferred_element_type=_F32)
    out_ref[...] = o + b2_ref[...][None, :]


_tc_final = pl.pallas_call(
    _tc_final_body,
    out_shape=jax.ShapeDtypeStruct((_G, 1), _F32),
    compiler_params=pltpu.CompilerParams(vmem_limit_bytes=100 * 1024 * 1024),
)


def kernel(x, edge_index, batch, W_emb, b_emb, W_convs, b_convs, gammas, betas,
           W1, b1, W2, b2):
    srcw = edge_index[0].reshape(_NW, _EPW)
    dstw = edge_index[1].reshape(_NW, _EPW)
    nmain = _SE * _KE
    srcm = srcw[:, :nmain].reshape(_NW, _SE, _KE)
    srct = srcw[:, nmain:]
    dstm = dstw[:, :nmain].reshape(_NW, _SE, _KE)
    dstt = dstw[:, nmain:]
    degp = _deg_call(dstw.reshape(_NW, _SD, _KD))
    deg2 = degp[:, :, 0]
    h, p = _tc_emb(x, W_emb, b_emb, W_convs[0], deg2)
    out = None
    for i in range(_L):
        sp = _edge_call(p, srcm, srct, dstm, dstt)
        if i < _L - 1:
            h, p = _tc_norm(sp, p, h, deg2, b_convs[i], gammas[i], betas[i],
                            W_convs[i + 1])
        else:
            out = _tc_final(sp, p, h, deg2, b_convs[i], gammas[i], betas[i],
                            batch.reshape(1, _N), W1, b1, W2, b2)
    return out

# --- scband reference (transcript-rebuilt; emitter-appended) ---
"""Pipeline reference for scband-molecular-gnn-81406810128840 (READ-ONLY COPY).

The authoritative reference and input builder live on the scoring server;
editing this copy changes nothing except your own understanding.
"""

import jax, jax.numpy as jnp
import numpy as np

N = 10000
E = 320000
D = 128
L = 3
G = 256
EPS = 1e-5

def setup_inputs(seed: int = 0) -> dict:
    key = jax.random.key(seed)
    ks = jax.random.split(key, 14)
    x = jax.random.normal(ks[0], (N, D), dtype=jnp.float32)
    edge_index = jax.random.randint(ks[1], (2, E), 0, N, dtype=jnp.int32)
    batch = jnp.sort(jax.random.randint(ks[2], (N,), 0, G, dtype=jnp.int32))
    W_emb = jax.random.normal(ks[3], (D, D), dtype=jnp.float32) * 0.05
    b_emb = jnp.zeros((D,), dtype=jnp.float32)
    W_convs = jax.random.normal(ks[4], (L, D, D), dtype=jnp.float32) * 0.05
    b_convs = jnp.zeros((L, D), dtype=jnp.float32)
    gammas = jnp.ones((L, D), dtype=jnp.float32)
    betas = jnp.zeros((L, D), dtype=jnp.float32)
    W1 = jax.random.normal(ks[5], (D, D // 2), dtype=jnp.float32) * 0.05
    b1 = jnp.zeros((D // 2,), dtype=jnp.float32)
    W2 = jax.random.normal(ks[6], (D // 2, 1), dtype=jnp.float32) * 0.05
    b2 = jnp.zeros((1,), dtype=jnp.float32)
    return {"x": x, "edge_index": edge_index, "batch": batch, "W_emb": W_emb, "b_emb": b_emb, "W_convs": W_convs, "b_convs": b_convs, "gammas": gammas, "betas": betas, "W1": W1, "b1": b1, "W2": W2, "b2": b2}

def reference(x, edge_index, batch, W_emb, b_emb, W_convs, b_convs, gammas, betas, W1, b1, W2, b2):
    Nn = x.shape[0]
    src, dst = edge_index[0], edge_index[1]
    loop = jnp.arange(Nn, dtype=src.dtype)
    src_f = jnp.concatenate([src, loop])
    dst_f = jnp.concatenate([dst, loop])
    deg = jnp.zeros((Nn,), dtype=jnp.float32).at[dst_f].add(1.0)
    dinv = 1.0 / jnp.sqrt(deg)
    norm = dinv[src_f] * dinv[dst_f]
    h = x @ W_emb + b_emb
    for i in range(L):
        identity = h
        hw = h @ W_convs[i]
        msg = hw[src_f] * norm[:, None]
        agg = jnp.zeros((Nn, hw.shape[1]), dtype=jnp.float32).at[dst_f].add(msg) + b_convs[i]
        mu = agg.mean(axis=0)
        var = agg.var(axis=0)
        agg = (agg - mu) / jnp.sqrt(var + EPS) * gammas[i] + betas[i]
        agg = jax.nn.relu(agg)
        h = agg + identity
    sums = jax.ops.segment_sum(h, batch, num_segments=G)
    counts = jax.ops.segment_sum(jnp.ones((Nn,), dtype=jnp.float32), batch, num_segments=G)
    pooled = sums / jnp.maximum(counts, 1.0)[:, None]
    out = jax.nn.relu(pooled @ W1 + b1)
    out = out @ W2 + b2
    return out

if __name__ == "__main__":
    import jax
    _d = setup_inputs()
    print(jax.jit(kernel)(*tuple(_d.values())))

</pallas_src>

<mosaic_0001>
#map = affine_map<(d0, d1) -> (0, 0)>
#map1 = affine_map<(d0, d1) -> (0, 0, 0)>
module attributes {stable_mosaic.version = 14 : i64} {
  func.func @_sc_edge_body(%arg0: i32, %arg1: i32, %arg2: memref<10000x128xf32, #tpu.memory_space<hbm>>, %arg3: memref<32x78x128xi32, #tpu.memory_space<hbm>>, %arg4: memref<32x16xi32, #tpu.memory_space<hbm>>, %arg5: memref<32x78x128xi32, #tpu.memory_space<hbm>>, %arg6: memref<32x16xi32, #tpu.memory_space<hbm>>, %arg7: memref<2x10240x128xf32, #tpu.memory_space<hbm>>, %arg8: memref<78x128xi32, #tpu.memory_space<vmem>>, %arg9: memref<16xi32, #tpu.memory_space<vmem>>, %arg10: memref<128xi32, #tpu.memory_space<vmem>>, %arg11: memref<128xi32, #tpu.memory_space<vmem>>, %arg12: memref<16xi32, #tpu.memory_space<vmem>>, %arg13: memref<128x128xf32, #tpu.memory_space<vmem>>, %arg14: memref<128x128xf32, #tpu.memory_space<vmem>>, %arg15: memref<10240x128xf32, #tpu.memory_space<vmem_shared>>, %arg16: memref<!tpu.dma_semaphore, #tpu.memory_space<semaphore_mem>>, %arg17: memref<!tpu.dma_semaphore, #tpu.memory_space<semaphore_mem>>, %arg18: memref<!tpu.dma_semaphore, #tpu.memory_space<semaphore_mem>>, %arg19: memref<!tpu.dma_semaphore, #tpu.memory_space<semaphore_mem>>) attributes {dimension_semantics = [#tpu.dimension_semantics<core_parallel>, #tpu.dimension_semantics<subcore_parallel>], iteration_bounds = array<i64: 2, 16>, scalar_prefetch = 0 : i64, scratch_operands = 12 : i64, tpu.core_type = #tpu.core_type<sc_vector_subcore>, window_params = [{transform_indices = #map}, {transform_indices = #map1}, {transform_indices = #map}, {transform_indices = #map1}, {transform_indices = #map}, {transform_indices = #map1}]} {
    %mul3A = arith.constant 16 : i32
    %mul3A_0 = arith.muli %arg0, %mul3A : i32
    %add3A = arith.addi %mul3A_0, %arg1 : i32
    %scan3A = arith.constant 0 : i32
    %scan3A_1 = arith.constant 128 : i32
    %scan3A_2 = arith.addi %scan3A, %scan3A_1 : i32
    %scan3A_3 = arith.constant 1 : i32
    scf.for %scan3A_45 = %scan3A to %scan3A_2 step %scan3A_3  : i32 {
      %mul3A_46 = arith.constant 1 : i32
      %mul3A_47 = arith.muli %scan3A_45, %mul3A_46 : i32
      %add3A_48 = arith.constant 0 : i32
      %add3A_49 = arith.addi %add3A_48, %mul3A_47 : i32
      %broadcast_in_dim3A = arith.constant 0.000000e+00 : f32
      %broadcast_in_dim3A_50 = vector.broadcast %broadcast_in_dim3A : f32 to vector<16xf32>
      %swap3A = arith.index_cast %add3A_49 : i32 to index
      %swap3A_51 = arith.constant 0 : index
      %swap3A_52 = tpu.vector_load %arg13[%swap3A, %swap3A_51] {strides = array<i32>} : memref<128x128xf32, #tpu.memory_space<vmem>>, vector<1x16xf32>,
      %swap3A_53 = vector.shape_cast %swap3A_52 : vector<1x16xf32> to vector<16xf32>
      %swap3A_54 = vector.shape_cast %broadcast_in_dim3A_50 : vector<16xf32> to vector<1x16xf32>
      tpu.vector_store %arg13[%swap3A, %swap3A_51], %swap3A_54 {strides = array<i32>} : memref<128x128xf32, #tpu.memory_space<vmem>>, vector<1x16xf32>,
      %broadcast_in_dim3A_55 = arith.constant 0.000000e+00 : f32
      %broadcast_in_dim3A_56 = vector.broadcast %broadcast_in_dim3A_55 : f32 to vector<16xf32>
      %swap3A_57 = arith.index_cast %add3A_49 : i32 to index
      %swap3A_58 = arith.constant 16 : index
      %swap3A_59 = tpu.vector_load %arg13[%swap3A_57, %swap3A_58] {strides = array<i32>} : memref<128x128xf32, #tpu.memory_space<vmem>>, vector<1x16xf32>,
      %swap3A_60 = vector.shape_cast %swap3A_59 : vector<1x16xf32> to vector<16xf32>
      %swap3A_61 = vector.shape_cast %broadcast_in_dim3A_56 : vector<16xf32> to vector<1x16xf32>
      tpu.vector_store %arg13[%swap3A_57, %swap3A_58], %swap3A_61 {strides = array<i32>} : memref<128x128xf32, #tpu.memory_space<vmem>>, vector<1x16xf32>,
      %broadcast_in_dim3A_62 = arith.constant 0.000000e+00 : f32
      %broadcast_in_dim3A_63 = vector.broadcast %broadcast_in_dim3A_62 : f32 to vector<16xf32>
      %swap3A_64 = arith.index_cast %add3A_49 : i32 to index
      %swap3A_65 = arith.constant 32 : index
      %swap3A_66 = tpu.vector_load %arg13[%swap3A_64, %swap3A_65] {strides = array<i32>} : memref<128x128xf32, #tpu.memory_space<vmem>>, vector<1x16xf32>,
      %swap3A_67 = vector.shape_cast %swap3A_66 : vector<1x16xf32> to vector<16xf32>
      %swap3A_68 = vector.shape_cast %broadcast_in_dim3A_63 : vector<16xf32> to vector<1x16xf32>
      tpu.vector_store %arg13[%swap3A_64, %swap3A_65], %swap3A_68 {strides = array<i32>} : memref<128x128xf32, #tpu.memory_space<vmem>>, vector<1x16xf32>,
      %broadcast_in_dim3A_69 = arith.constant 0.000000e+00 : f32
      %broadcast_in_dim3A_70 = vector.broadcast %broadcast_in_dim3A_69 : f32 to vector<16xf32>
      %swap3A_71 = arith.index_cast %add3A_49 : i32 to index
      %swap3A_72 = arith.constant 48 : index
      %swap3A_73 = tpu.vector_load %arg13[%swap3A_71, %swap3A_72] {strides = array<i32>} : memref<128x128xf32, #tpu.memory_space<vmem>>, vector<1x16xf32>,
      %swap3A_74 = vector.shape_cast %swap3A_73 : vector<1x16xf32> to vector<16xf32>
      %swap3A_75 = vector.shape_cast %broadcast_in_dim3A_70 : vector<16xf32> to vector<1x16xf32>
      tpu.vector_store %arg13[%swap3A_71, %swap3A_72], %swap3A_75 {strides = array<i32>} : memref<128x128xf32, #tpu.memory_space<vmem>>, vector<1x16xf32>,
      %broadcast_in_dim3A_76 = arith.constant 0.000000e+00 : f32
      %broadcast_in_dim3A_77 = vector.broadcast %broadcast_in_dim3A_76 : f32 to vector<16xf32>
      %swap3A_78 = arith.index_cast %add3A_49 : i32 to index
      %swap3A_79 = arith.constant 64 : index
      %swap3A_80 = tpu.vector_load %arg13[%swap3A_78, %swap3A_79] {strides = array<i32>} : memref<128x128xf32, #tpu.memory_space<vmem>>, vector<1x16xf32>,
      %swap3A_81 = vector.shape_cast %swap3A_80 : vector<1x16xf32> to vector<16xf32>
      %swap3A_82 = vector.shape_cast %broadcast_in_dim3A_77 : vector<16xf32> to vector<1x16xf32>
      tpu.vector_store %arg13[%swap3A_78, %swap3A_79], %swap3A_82 {strides = array<i32>} : memref<128x128xf32, #tpu.memory_space<vmem>>, vector<1x16xf32>,
      %broadcast_in_dim3A_83 = arith.constant 0.000000e+00 : f32
      %broadcast_in_dim3A_84 = vector.broadcast %broadcast_in_dim3A_83 : f32 to vector<16xf32>
      %swap3A_85 = arith.index_cast %add3A_49 : i32 to index
      %swap3A_86 = arith.constant 80 : index
      %swap3A_87 = tpu.vector_load %arg13[%swap3A_85, %swap3A_86] {strides = array<i32>} : memref<128x128xf32, #tpu.memory_space<vmem>>, vector<1x16xf32>,
      %swap3A_88 = vector.shape_cast %swap3A_87 : vector<1x16xf32> to vector<16xf32>
      %swap3A_89 = vector.shape_cast %broadcast_in_dim3A_84 : vector<16xf32> to vector<1x16xf32>
      tpu.vector_store %arg13[%swap3A_85, %swap3A_86], %swap3A_89 {strides = array<i32>} : memref<128x128xf32, #tpu.memory_space<vmem>>, vector<1x16xf32>,
      %broadcast_in_dim3A_90 = arith.constant 0.000000e+00 : f32
      %broadcast_in_dim3A_91 = vector.broadcast %broadcast_in_dim3A_90 : f32 to vector<16xf32>
      %swap3A_92 = arith.index_cast %add3A_49 : i32 to index
      %swap3A_93 = arith.constant 96 : index
      %swap3A_94 = tpu.vector_load %arg13[%swap3A_92, %swap3A_93] {strides = array<i32>} : memref<128x128xf32, #tpu.memory_space<vmem>>, vector<1x16xf32>,
      %swap3A_95 = vector.shape_cast %swap3A_94 : vector<1x16xf32> to vector<16xf32>
      %swap3A_96 = vector.shape_cast %broadcast_in_dim3A_91 : vector<16xf32> to vector<1x16xf32>
      tpu.vector_store %arg13[%swap3A_92, %swap3A_93], %swap3A_96 {strides = array<i32>} : memref<128x128xf32, #tpu.memory_space<vmem>>, vector<1x16xf32>,
      %broadcast_in_dim3A_97 = arith.constant 0.000000e+00 : f32
      %broadcast_in_dim3A_98 = vector.broadcast %broadcast_in_dim3A_97 : f32 to vector<16xf32>
      %swap3A_99 = arith.index_cast %add3A_49 : i32 to index
      %swap3A_100 = arith.constant 112 : index
      %swap3A_101 = tpu.vector_load %arg13[%swap3A_99, %swap3A_100] {strides = array<i32>} : memref<128x128xf32, #tpu.memory_space<vmem>>, vector<1x16xf32>,
      %swap3A_102 = vector.shape_cast %swap3A_101 : vector<1x16xf32> to vector<16xf32>
      %swap3A_103 = vector.shape_cast %broadcast_in_dim3A_98 : vector<16xf32> to vector<1x16xf32>
      tpu.vector_store %arg13[%swap3A_99, %swap3A_100], %swap3A_103 {strides = array<i32>} : memref<128x128xf32, #tpu.memory_space<vmem>>, vector<1x16xf32>,
    }
    %scan3A_4 = arith.constant 128 : i32
    %mul3A_5 = arith.constant 640 : i32
    %mul3A_6 = arith.muli %arg1, %mul3A_5 : i32
    %add3A_7 = arith.constant 0 : i32
    %add3A_8 = arith.addi %mul3A_6, %add3A_7 : i32
    "tpu.region"() ({
      %run_scoped3A = tpu.sem_alloc : memref<!tpu.dma_semaphore, #tpu.memory_space<semaphore_mem>>
      %dma_start3A_45 = arith.constant 0 : i32
      %dma_start3A_46 = tpu.memref_slice %arg15[%add3A_8, %dma_start3A_45] : memref<10240x128xf32, #tpu.memory_space<vmem_shared>> -> memref<128x128xf32, #tpu.memory_space<vmem_shared>>
      %dma_start3A_47 = arith.constant 0 : i32
      %dma_start3A_48 = tpu.memref_slice %arg15[%add3A_8, %dma_start3A_47] : memref<10240x128xf32, #tpu.memory_space<vmem_shared>> -> memref<128x128xf32, #tpu.memory_space<vmem_shared>>
      tpu.enqueue_dma source(%arg13 : memref<128x128xf32, #tpu.memory_space<vmem>>) target(%dma_start3A_48 : memref<128x128xf32, #tpu.memory_space<vmem_shared>>) target_semaphore(%run_scoped3A : memref<!tpu.dma_semaphore, #tpu.memory_space<semaphore_mem>>)
      %dma_wait3A_49 = arith.constant 0 : i32
      %dma_wait3A_50 = tpu.memref_slice %arg15[%add3A_8, %dma_wait3A_49] : memref<10240x128xf32, #tpu.memory_space<vmem_shared>> -> memref<128x128xf32, #tpu.memory_space<vmem_shared>>
      %dma_wait3A_51 = arith.constant 0 : i32
      %dma_wait3A_52 = tpu.memref_slice %arg15[%add3A_8, %dma_wait3A_51] : memref<10240x128xf32, #tpu.memory_space<vmem_shared>> -> memref<128x128xf32, #tpu.memory_space<vmem_shared>>
      tpu.wait_dma2 semaphore(%run_scoped3A : memref<!tpu.dma_semaphore, #tpu.memory_space<semaphore_mem>>) src(%arg13 : memref<128x128xf32, #tpu.memory_space<vmem>>) dst(%dma_wait3A_52 : memref<128x128xf32, #tpu.memory_space<vmem_shared>>)
      tpu.yield
    }) : () -> ()
    %mul3A_9 = arith.constant 640 : i32
    %mul3A_10 = arith.muli %arg1, %mul3A_9 : i32
    %add3A_11 = arith.constant 128 : i32
    %add3A_12 = arith.addi %mul3A_10, %add3A_11 : i32
    "tpu.region"() ({
      %run_scoped3A = tpu.sem_alloc : memref<!tpu.dma_semaphore, #tpu.memory_space<semaphore_mem>>
      %dma_start3A_45 = arith.constant 0 : i32
      %dma_start3A_46 = tpu.memref_slice %arg15[%add3A_12, %dma_start3A_45] : memref<10240x128xf32, #tpu.memory_space<vmem_shared>> -> memref<128x128xf32, #tpu.memory_space<vmem_shared>>
      %dma_start3A_47 = arith.constant 0 : i32
      %dma_start3A_48 = tpu.memref_slice %arg15[%add3A_12, %dma_start3A_47] : memref<10240x128xf32, #tpu.memory_space<vmem_shared>> -> memref<128x128xf32, #tpu.memory_space<vmem_shared>>
      tpu.enqueue_dma source(%arg13 : memref<128x128xf32, #tpu.memory_space<vmem>>) target(%dma_start3A_48 : memref<128x128xf32, #tpu.memory_space<vmem_shared>>) target_semaphore(%run_scoped3A : memref<!tpu.dma_semaphore, #tpu.memory_space<semaphore_mem>>)
      %dma_wait3A_49 = arith.constant 0 : i32
      %dma_wait3A_50 = tpu.memref_slice %arg15[%add3A_12, %dma_wait3A_49] : memref<10240x128xf32, #tpu.memory_space<vmem_shared>> -> memref<128x128xf32, #tpu.memory_space<vmem_shared>>
      %dma_wait3A_51 = arith.constant 0 : i32
      %dma_wait3A_52 = tpu.memref_slice %arg15[%add3A_12, %dma_wait3A_51] : memref<10240x128xf32, #tpu.memory_space<vmem_shared>> -> memref<128x128xf32, #tpu.memory_space<vmem_shared>>
      tpu.wait_dma2 semaphore(%run_scoped3A : memref<!tpu.dma_semaphore, #tpu.memory_space<semaphore_mem>>) src(%arg13 : memref<128x128xf32, #tpu.memory_space<vmem>>) dst(%dma_wait3A_52 : memref<128x128xf32, #tpu.memory_space<vmem_shared>>)
      tpu.yield
    }) : () -> ()
    %mul3A_13 = arith.constant 640 : i32
    %mul3A_14 = arith.muli %arg1, %mul3A_13 : i32
    %add3A_15 = arith.constant 256 : i32
    %add3A_16 = arith.addi %mul3A_14, %add3A_15 : i32
    "tpu.region"() ({
      %run_scoped3A = tpu.sem_alloc : memref<!tpu.dma_semaphore, #tpu.memory_space<semaphore_mem>>
      %dma_start3A_45 = arith.constant 0 : i32
      %dma_start3A_46 = tpu.memref_slice %arg15[%add3A_16, %dma_start3A_45] : memref<10240x128xf32, #tpu.memory_space<vmem_shared>> -> memref<128x128xf32, #tpu.memory_space<vmem_shared>>
      %dma_start3A_47 = arith.constant 0 : i32
      %dma_start3A_48 = tpu.memref_slice %arg15[%add3A_16, %dma_start3A_47] : memref<10240x128xf32, #tpu.memory_space<vmem_shared>> -> memref<128x128xf32, #tpu.memory_space<vmem_shared>>
      tpu.enqueue_dma source(%arg13 : memref<128x128xf32, #tpu.memory_space<vmem>>) target(%dma_start3A_48 : memref<128x128xf32, #tpu.memory_space<vmem_shared>>) target_semaphore(%run_scoped3A : memref<!tpu.dma_semaphore, #tpu.memory_space<semaphore_mem>>)
      %dma_wait3A_49 = arith.constant 0 : i32
      %dma_wait3A_50 = tpu.memref_slice %arg15[%add3A_16, %dma_wait3A_49] : memref<10240x128xf32, #tpu.memory_space<vmem_shared>> -> memref<128x128xf32, #tpu.memory_space<vmem_shared>>
      %dma_wait3A_51 = arith.constant 0 : i32
      %dma_wait3A_52 = tpu.memref_slice %arg15[%add3A_16, %dma_wait3A_51] : memref<10240x128xf32, #tpu.memory_space<vmem_shared>> -> memref<128x128xf32, #tpu.memory_space<vmem_shared>>
      tpu.wait_dma2 semaphore(%run_scoped3A : memref<!tpu.dma_semaphore, #tpu.memory_space<semaphore_mem>>) src(%arg13 : memref<128x128xf32, #tpu.memory_space<vmem>>) dst(%dma_wait3A_52 : memref<128x128xf32, #tpu.memory_space<vmem_shared>>)
      tpu.yield
    }) : () -> ()
    %mul3A_17 = arith.constant 640 : i32
    %mul3A_18 = arith.muli %arg1, %mul3A_17 : i32
    %add3A_19 = arith.constant 384 : i32
    %add3A_20 = arith.addi %mul3A_18, %add3A_19 : i32
    "tpu.region"() ({
      %run_scoped3A = tpu.sem_alloc : memref<!tpu.dma_semaphore, #tpu.memory_space<semaphore_mem>>
      %dma_start3A_45 = arith.constant 0 : i32
      %dma_start3A_46 = tpu.memref_slice %arg15[%add3A_20, %dma_start3A_45] : memref<10240x128xf32, #tpu.memory_space<vmem_shared>> -> memref<128x128xf32, #tpu.memory_space<vmem_shared>>
      %dma_start3A_47 = arith.constant 0 : i32
      %dma_start3A_48 = tpu.memref_slice %arg15[%add3A_20, %dma_start3A_47] : memref<10240x128xf32, #tpu.memory_space<vmem_shared>> -> memref<128x128xf32, #tpu.memory_space<vmem_shared>>
      tpu.enqueue_dma source(%arg13 : memref<128x128xf32, #tpu.memory_space<vmem>>) target(%dma_start3A_48 : memref<128x128xf32, #tpu.memory_space<vmem_shared>>) target_semaphore(%run_scoped3A : memref<!tpu.dma_semaphore, #tpu.memory_space<semaphore_mem>>)
      %dma_wait3A_49 = arith.constant 0 : i32
      %dma_wait3A_50 = tpu.memref_slice %arg15[%add3A_20, %dma_wait3A_49] : memref<10240x128xf32, #tpu.memory_space<vmem_shared>> -> memref<128x128xf32, #tpu.memory_space<vmem_shared>>
      %dma_wait3A_51 = arith.constant 0 : i32
      %dma_wait3A_52 = tpu.memref_slice %arg15[%add3A_20, %dma_wait3A_51] : memref<10240x128xf32, #tpu.memory_space<vmem_shared>> -> memref<128x128xf32, #tpu.memory_space<vmem_shared>>
      tpu.wait_dma2 semaphore(%run_scoped3A : memref<!tpu.dma_semaphore, #tpu.memory_space<semaphore_mem>>) src(%arg13 : memref<128x128xf32, #tpu.memory_space<vmem>>) dst(%dma_wait3A_52 : memref<128x128xf32, #tpu.memory_space<vmem_shared>>)
      tpu.yield
    }) : () -> ()
    %mul3A_21 = arith.constant 640 : i32
    %mul3A_22 = arith.muli %arg1, %mul3A_21 : i32
    %add3A_23 = arith.constant 512 : i32
    %add3A_24 = arith.addi %mul3A_22, %add3A_23 : i32
    "tpu.region"() ({
      %run_scoped3A = tpu.sem_alloc : memref<!tpu.dma_semaphore, #tpu.memory_space<semaphore_mem>>
      %dma_start3A_45 = arith.constant 0 : i32
      %dma_start3A_46 = tpu.memref_slice %arg15[%add3A_24, %dma_start3A_45] : memref<10240x128xf32, #tpu.memory_space<vmem_shared>> -> memref<128x128xf32, #tpu.memory_space<vmem_shared>>
      %dma_start3A_47 = arith.constant 0 : i32
      %dma_start3A_48 = tpu.memref_slice %arg15[%add3A_24, %dma_start3A_47] : memref<10240x128xf32, #tpu.memory_space<vmem_shared>> -> memref<128x128xf32, #tpu.memory_space<vmem_shared>>
      tpu.enqueue_dma source(%arg13 : memref<128x128xf32, #tpu.memory_space<vmem>>) target(%dma_start3A_48 : memref<128x128xf32, #tpu.memory_space<vmem_shared>>) target_semaphore(%run_scoped3A : memref<!tpu.dma_semaphore, #tpu.memory_space<semaphore_mem>>)
      %dma_wait3A_49 = arith.constant 0 : i32
      %dma_wait3A_50 = tpu.memref_slice %arg15[%add3A_24, %dma_wait3A_49] : memref<10240x128xf32, #tpu.memory_space<vmem_shared>> -> memref<128x128xf32, #tpu.memory_space<vmem_shared>>
      %dma_wait3A_51 = arith.constant 0 : i32
      %dma_wait3A_52 = tpu.memref_slice %arg15[%add3A_24, %dma_wait3A_51] : memref<10240x128xf32, #tpu.memory_space<vmem_shared>> -> memref<128x128xf32, #tpu.memory_space<vmem_shared>>
      tpu.wait_dma2 semaphore(%run_scoped3A : memref<!tpu.dma_semaphore, #tpu.memory_space<semaphore_mem>>) src(%arg13 : memref<128x128xf32, #tpu.memory_space<vmem>>) dst(%dma_wait3A_52 : memref<128x128xf32, #tpu.memory_space<vmem_shared>>)
      tpu.yield
    }) : () -> ()
    %barrier3A = arith.constant 0 : index
    tpu.barrier barrier_id(%barrier3A)
    "tpu.region"() ({
      %run_scoped3A = tpu.sem_alloc : memref<!tpu.dma_semaphore, #tpu.memory_space<semaphore_mem>>
      %dma_start3A_45 = arith.constant 0 : i32
      %dma_start3A_46 = arith.constant 0 : i32
      %dma_start3A_47 = tpu.memref_slice %arg3[%add3A, %dma_start3A_45, %dma_start3A_46] : memref<32x78x128xi32, #tpu.memory_space<hbm>> -> memref<1x78x128xi32, #tpu.memory_space<hbm>>
      %dma_start3A_48 = tpu.memref_squeeze %dma_start3A_47 : memref<1x78x128xi32, #tpu.memory_space<hbm>> -> memref<78x128xi32, #tpu.memory_space<hbm>>
      %dma_start3A_49 = arith.constant 0 : i32
      %dma_start3A_50 = arith.constant 0 : i32
      %dma_start3A_51 = tpu.memref_slice %arg3[%add3A, %dma_start3A_49, %dma_start3A_50] : memref<32x78x128xi32, #tpu.memory_space<hbm>> -> memref<1x78x128xi32, #tpu.memory_space<hbm>>
      %dma_start3A_52 = tpu.memref_squeeze %dma_start3A_51 : memref<1x78x128xi32, #tpu.memory_space<hbm>> -> memref<78x128xi32, #tpu.memory_space<hbm>>
      tpu.enqueue_dma source(%dma_start3A_52 : memref<78x128xi32, #tpu.memory_space<hbm>>) target(%arg8 : memref<78x128xi32, #tpu.memory_space<vmem>>) target_semaphore(%run_scoped3A : memref<!tpu.dma_semaphore, #tpu.memory_space<semaphore_mem>>)
      %dma_wait3A_53 = arith.constant 0 : i32
      %dma_wait3A_54 = arith.constant 0 : i32
      %dma_wait3A_55 = tpu.memref_slice %arg3[%add3A, %dma_wait3A_53, %dma_wait3A_54] : memref<32x78x128xi32, #tpu.memory_space<hbm>> -> memref<1x78x128xi32, #tpu.memory_space<hbm>>
      %dma_wait3A_56 = tpu.memref_squeeze %dma_wait3A_55 : memref<1x78x128xi32, #tpu.memory_space<hbm>> -> memref<78x128xi32, #tpu.memory_space<hbm>>
      %dma_wait3A_57 = arith.constant 0 : i32
      %dma_wait3A_58 = arith.constant 0 : i32
      %dma_wait3A_59 = tpu.memref_slice %arg3[%add3A, %dma_wait3A_57, %dma_wait3A_58] : memref<32x78x128xi32, #tpu.memory_space<hbm>> -> memref<1x78x128xi32, #tpu.memory_space<hbm>>
      %dma_wait3A_60 = tpu.memref_squeeze %dma_wait3A_59 : memref<1x78x128xi32, #tpu.memory_space<hbm>> -> memref<78x128xi32, #tpu.memory_space<hbm>>
      tpu.wait_dma2 semaphore(%run_scoped3A : memref<!tpu.dma_semaphore, #tpu.memory_space<semaphore_mem>>) src(%dma_wait3A_60 : memref<78x128xi32, #tpu.memory_space<hbm>>) dst(%arg8 : memref<78x128xi32, #tpu.memory_space<vmem>>)
      tpu.yield
    }) : () -> ()
    "tpu.region"() ({
      %run_scoped3A = tpu.sem_alloc : memref<!tpu.dma_semaphore, #tpu.memory_space<semaphore_mem>>
      %dma_start3A_45 = arith.constant 0 : i32
      %dma_start3A_46 = tpu.memref_slice %arg4[%add3A, %dma_start3A_45] : memref<32x16xi32, #tpu.memory_space<hbm>> -> memref<1x16xi32, #tpu.memory_space<hbm>>
      %dma_start3A_47 = tpu.memref_squeeze %dma_start3A_46 : memref<1x16xi32, #tpu.memory_space<hbm>> -> memref<16xi32, #tpu.memory_space<hbm>>
      %dma_start3A_48 = arith.constant 0 : i32
      %dma_start3A_49 = tpu.memref_slice %arg4[%add3A, %dma_start3A_48] : memref<32x16xi32, #tpu.memory_space<hbm>> -> memref<1x16xi32, #tpu.memory_space<hbm>>
      %dma_start3A_50 = tpu.memref_squeeze %dma_start3A_49 : memref<1x16xi32, #tpu.memory_space<hbm>> -> memref<16xi32, #tpu.memory_space<hbm>>
      tpu.enqueue_dma source(%dma_start3A_50 : memref<16xi32, #tpu.memory_space<hbm>>) target(%arg9 : memref<16xi32, #tpu.memory_space<vmem>>) target_semaphore(%run_scoped3A : memref<!tpu.dma_semaphore, #tpu.memory_space<semaphore_mem>>)
      %dma_wait3A_51 = arith.constant 0 : i32
      %dma_wait3A_52 = tpu.memref_slice %arg4[%add3A, %dma_wait3A_51] : memref<32x16xi32, #tpu.memory_space<hbm>> -> memref<1x16xi32, #tpu.memory_space<hbm>>
      %dma_wait3A_53 = tpu.memref_squeeze %dma_wait3A_52 : memref<1x16xi32, #tpu.memory_space<hbm>> -> memref<16xi32, #tpu.memory_space<hbm>>
      %dma_wait3A_54 = arith.constant 0 : i32
      %dma_wait3A_55 = tpu.memref_slice %arg4[%add3A, %dma_wait3A_54] : memref<32x16xi32, #tpu.memory_space<hbm>> -> memref<1x16xi32, #tpu.memory_space<hbm>>
      %dma_wait3A_56 = tpu.memref_squeeze %dma_wait3A_55 : memref<1x16xi32, #tpu.memory_space<hbm>> -> memref<16xi32, #tpu.memory_space<hbm>>
      tpu.wait_dma2 semaphore(%run_scoped3A : memref<!tpu.dma_semaphore, #tpu.memory_space<semaphore_mem>>) src(%dma_wait3A_56 : memref<16xi32, #tpu.memory_space<hbm>>) dst(%arg9 : memref<16xi32, #tpu.memory_space<vmem>>)
      tpu.yield
    }) : () -> ()
    %scan3A_25 = arith.constant 0 : i32
    %scan3A_26 = arith.constant 39 : i32
    %scan3A_27 = arith.addi %scan3A_25, %scan3A_26 : i32
    %scan3A_28 = arith.constant 1 : i32
    scf.for %scan3A_45 = %scan3A_25 to %scan3A_27 step %scan3A_28  : i32 {
      %mul3A_46 = arith.constant 1 : i32
      %mul3A_47 = arith.muli %scan3A_45, %mul3A_46 : i32
      %add3A_48 = arith.constant 0 : i32
      %add3A_49 = arith.addi %add3A_48, %mul3A_47 : i32
      %mul3A_50 = arith.constant 2 : i32
      %mul3A_51 = arith.muli %mul3A_50, %add3A_49 : i32
      %dma_start3A_52 = arith.constant 0 : i32
      %dma_start3A_53 = tpu.memref_slice %arg8[%mul3A_51, %dma_start3A_52] : memref<78x128xi32, #tpu.memory_space<vmem>> -> memref<1x128xi32, #tpu.memory_space<vmem>>
      %dma_start3A_54 = tpu.memref_squeeze %dma_start3A_53 : memref<1x128xi32, #tpu.memory_space<vmem>> -> memref<128xi32, #tpu.memory_space<vmem>>
      %dma_start3A_55 = arith.constant 0 : i32
      %dma_start3A_56 = arith.constant 0 : i32
      %dma_start3A_57 = tpu.memref_slice %arg2[%dma_start3A_55, %dma_start3A_56] : memref<10000x128xf32, #tpu.memory_space<hbm>> -> memref<10000x128xf32, #tpu.memory_space<hbm>>
      tpu.enqueue_indirect_dma source(%dma_start3A_57 : memref<10000x128xf32, #tpu.memory_space<hbm>>) target(%arg13 : memref<128x128xf32, #tpu.memory_space<vmem>>) offsets(%dma_start3A_54 : memref<128xi32, #tpu.memory_space<vmem>>) semaphore(%arg16 : memref<!tpu.dma_semaphore, #tpu.memory_space<semaphore_mem>>)
      %add3A_58 = arith.constant 1 : i32
      %add3A_59 = arith.addi %mul3A_51, %add3A_58 : i32
      %dma_start3A_60 = arith.constant 0 : i32
      %dma_start3A_61 = tpu.memref_slice %arg8[%add3A_59, %dma_start3A_60] : memref<78x128xi32, #tpu.memory_space<vmem>> -> memref<1x128xi32, #tpu.memory_space<vmem>>
      %dma_start3A_62 = tpu.memref_squeeze %dma_start3A_61 : memref<1x128xi32, #tpu.memory_space<vmem>> -> memref<128xi32, #tpu.memory_space<vmem>>
      %dma_start3A_63 = arith.constant 0 : i32
      %dma_start3A_64 = arith.constant 0 : i32
      %dma_start3A_65 = tpu.memref_slice %arg2[%dma_start3A_63, %dma_start3A_64] : memref<10000x128xf32, #tpu.memory_space<hbm>> -> memref<10000x128xf32, #tpu.memory_space<hbm>>
      tpu.enqueue_indirect_dma source(%dma_start3A_65 : memref<10000x128xf32, #tpu.memory_space<hbm>>) target(%arg14 : memref<128x128xf32, #tpu.memory_space<vmem>>) offsets(%dma_start3A_62 : memref<128xi32, #tpu.memory_space<vmem>>) semaphore(%arg17 : memref<!tpu.dma_semaphore, #tpu.memory_space<semaphore_mem>>)
      "tpu.region"() ({
        %run_scoped3A = tpu.sem_alloc : memref<!tpu.dma_semaphore, #tpu.memory_space<semaphore_mem>>
        %dma_start3A_92 = arith.constant 0 : i32
        %dma_start3A_93 = tpu.memref_slice %arg5[%add3A, %mul3A_51, %dma_start3A_92] : memref<32x78x128xi32, #tpu.memory_space<hbm>> -> memref<1x1x128xi32, #tpu.memory_space<hbm>>
        %dma_start3A_94 = tpu.memref_squeeze %dma_start3A_93 : memref<1x1x128xi32, #tpu.memory_space<hbm>> -> memref<128xi32, #tpu.memory_space<hbm>>
        %dma_start3A_95 = arith.constant 0 : i32
        %dma_start3A_96 = tpu.memref_slice %arg5[%add3A, %mul3A_51, %dma_start3A_95] : memref<32x78x128xi32, #tpu.memory_space<hbm>> -> memref<1x1x128xi32, #tpu.memory_space<hbm>>
        %dma_start3A_97 = tpu.memref_squeeze %dma_start3A_96 : memref<1x1x128xi32, #tpu.memory_space<hbm>> -> memref<128xi32, #tpu.memory_space<hbm>>
        tpu.enqueue_dma source(%dma_start3A_97 : memref<128xi32, #tpu.memory_space<hbm>>) target(%arg10 : memref<128xi32, #tpu.memory_space<vmem>>) target_semaphore(%run_scoped3A : memref<!tpu.dma_semaphore, #tpu.memory_space<semaphore_mem>>)
        %dma_wait3A_98 = arith.constant 0 : i32
        %dma_wait3A_99 = tpu.memref_slice %arg5[%add3A, %mul3A_51, %dma_wait3A_98] : memref<32x78x128xi32, #tpu.memory_space<hbm>> -> memref<1x1x128xi32, #tpu.memory_space<hbm>>
        %dma_wait3A_100 = tpu.memref_squeeze %dma_wait3A_99 : memref<1x1x128xi32, #tpu.memory_space<hbm>> -> memref<128xi32, #tpu.memory_space<hbm>>
        %dma_wait3A_101 = arith.constant 0 : i32
        %dma_wait3A_102 = tpu.memref_slice %arg5[%add3A, %mul3A_51, %dma_wait3A_101] : memref<32x78x128xi32, #tpu.memory_space<hbm>> -> memref<1x1x128xi32, #tpu.memory_space<hbm>>
        %dma_wait3A_103 = tpu.memref_squeeze %dma_wait3A_102 : memref<1x1x128xi32, #tpu.memory_space<hbm>> -> memref<128xi32, #tpu.memory_space<hbm>>
        tpu.wait_dma2 semaphore(%run_scoped3A : memref<!tpu.dma_semaphore, #tpu.memory_space<semaphore_mem>>) src(%dma_wait3A_103 : memref<128xi32, #tpu.memory_space<hbm>>) dst(%arg10 : memref<128xi32, #tpu.memory_space<vmem>>)
        tpu.yield
      }) : () -> ()
      %add3A_66 = arith.constant 1 : i32
      %add3A_67 = arith.addi %mul3A_51, %add3A_66 : i32
      "tpu.region"() ({
        %run_scoped3A = tpu.sem_alloc : memref<!tpu.dma_semaphore, #tpu.memory_space<semaphore_mem>>
        %dma_start3A_92 = arith.constant 0 : i32
        %dma_start3A_93 = tpu.memref_slice %arg5[%add3A, %add3A_67, %dma_start3A_92] : memref<32x78x128xi32, #tpu.memory_space<hbm>> -> memref<1x1x128xi32, #tpu.memory_space<hbm>>
        %dma_start3A_94 = tpu.memref_squeeze %dma_start3A_93 : memref<1x1x128xi32, #tpu.memory_space<hbm>> -> memref<128xi32, #tpu.memory_space<hbm>>
        %dma_start3A_95 = arith.constant 0 : i32
        %dma_start3A_96 = tpu.memref_slice %arg5[%add3A, %add3A_67, %dma_start3A_95] : memref<32x78x128xi32, #tpu.memory_space<hbm>> -> memref<1x1x128xi32, #tpu.memory_space<hbm>>
        %dma_start3A_97 = tpu.memref_squeeze %dma_start3A_96 : memref<1x1x128xi32, #tpu.memory_space<hbm>> -> memref<128xi32, #tpu.memory_space<hbm>>
        tpu.enqueue_dma source(%dma_start3A_97 : memref<128xi32, #tpu.memory_space<hbm>>) target(%arg11 : memref<128xi32, #tpu.memory_space<vmem>>) target_semaphore(%run_scoped3A : memref<!tpu.dma_semaphore, #tpu.memory_space<semaphore_mem>>)
        %dma_wait3A_98 = arith.constant 0 : i32
        %dma_wait3A_99 = tpu.memref_slice %arg5[%add3A, %add3A_67, %dma_wait3A_98] : memref<32x78x128xi32, #tpu.memory_space<hbm>> -> memref<1x1x128xi32, #tpu.memory_space<hbm>>
        %dma_wait3A_100 = tpu.memref_squeeze %dma_wait3A_99 : memref<1x1x128xi32, #tpu.memory_space<hbm>> -> memref<128xi32, #tpu.memory_space<hbm>>
        %dma_wait3A_101 = arith.constant 0 : i32
        %dma_wait3A_102 = tpu.memref_slice %arg5[%add3A, %add3A_67, %dma_wait3A_101] : memref<32x78x128xi32, #tpu.memory_space<hbm>> -> memref<1x1x128xi32, #tpu.memory_space<hbm>>
        %dma_wait3A_103 = tpu.memref_squeeze %dma_wait3A_102 : memref<1x1x128xi32, #tpu.memory_space<hbm>> -> memref<128xi32, #tpu.memory_space<hbm>>
        tpu.wait_dma2 semaphore(%run_scoped3A : memref<!tpu.dma_semaphore, #tpu.memory_space<semaphore_mem>>) src(%dma_wait3A_103 : memref<128xi32, #tpu.memory_space<hbm>>) dst(%arg11 : memref<128xi32, #tpu.memory_space<vmem>>)
        tpu.yield
      }) : () -> ()
      %dma_wait3A_68 = arith.constant 0 : i32
      %dma_wait3A_69 = tpu.memref_slice %arg8[%mul3A_51, %dma_wait3A_68] : memref<78x128xi32, #tpu.memory_space<vmem>> -> memref<1x128xi32, #tpu.memory_space<vmem>>
      %dma_wait3A_70 = tpu.memref_squeeze %dma_wait3A_69 : memref<1x128xi32, #tpu.memory_space<vmem>> -> memref<128xi32, #tpu.memory_space<vmem>>
      %dma_wait3A_71 = arith.constant 0 : i32
      %dma_wait3A_72 = arith.constant 0 : i32
      %dma_wait3A_73 = tpu.memref_slice %arg2[%dma_wait3A_71, %dma_wait3A_72] : memref<10000x128xf32, #tpu.memory_space<hbm>> -> memref<10000x128xf32, #tpu.memory_space<hbm>>
      tpu.wait_indirect_dma semaphore(%arg16 : memref<!tpu.dma_semaphore, #tpu.memory_space<semaphore_mem>>) src(%dma_wait3A_73 : memref<10000x128xf32, #tpu.memory_space<hbm>>) dst(%arg13 : memref<128x128xf32, #tpu.memory_space<vmem>>)
      %dma_wait3A_74 = arith.constant 0 : i32
      %dma_wait3A_75 = tpu.memref_slice %arg8[%add3A_59, %dma_wait3A_74] : memref<78x128xi32, #tpu.memory_space<vmem>> -> memref<1x128xi32, #tpu.memory_space<vmem>>
      %dma_wait3A_76 = tpu.memref_squeeze %dma_wait3A_75 : memref<1x128xi32, #tpu.memory_space<vmem>> -> memref<128xi32, #tpu.memory_space<vmem>>
      %dma_wait3A_77 = arith.constant 0 : i32
      %dma_wait3A_78 = arith.constant 0 : i32
      %dma_wait3A_79 = tpu.memref_slice %arg2[%dma_wait3A_77, %dma_wait3A_78] : memref<10000x128xf32, #tpu.memory_space<hbm>> -> memref<10000x128xf32, #tpu.memory_space<hbm>>
      tpu.wait_indirect_dma semaphore(%arg17 : memref<!tpu.dma_semaphore, #tpu.memory_space<semaphore_mem>>) src(%dma_wait3A_79 : memref<10000x128xf32, #tpu.memory_space<hbm>>) dst(%arg14 : memref<128x128xf32, #tpu.memory_space<vmem>>)
      %dma_start3A_80 = arith.constant 0 : i32
      %dma_start3A_81 = arith.constant 0 : i32
      %dma_start3A_82 = tpu.memref_slice %arg15[%dma_start3A_80, %dma_start3A_81] : memref<10240x128xf32, #tpu.memory_space<vmem_shared>> -> memref<10240x128xf32, #tpu.memory_space<vmem_shared>>
      tpu.enqueue_indirect_dma source(%arg13 : memref<128x128xf32, #tpu.memory_space<vmem>>) target(%dma_start3A_82 : memref<10240x128xf32, #tpu.memory_space<vmem_shared>>) offsets(%arg10 : memref<128xi32, #tpu.memory_space<vmem>>) semaphore(%arg18 : memref<!tpu.dma_semaphore, #tpu.memory_space<semaphore_mem>>) {add = true}
      %dma_start3A_83 = arith.constant 0 : i32
      %dma_start3A_84 = arith.constant 0 : i32
      %dma_start3A_85 = tpu.memref_slice %arg15[%dma_start3A_83, %dma_start3A_84] : memref<10240x128xf32, #tpu.memory_space<vmem_shared>> -> memref<10240x128xf32, #tpu.memory_space<vmem_shared>>
      tpu.enqueue_indirect_dma source(%arg14 : memref<128x128xf32, #tpu.memory_space<vmem>>) target(%dma_start3A_85 : memref<10240x128xf32, #tpu.memory_space<vmem_shared>>) offsets(%arg11 : memref<128xi32, #tpu.memory_space<vmem>>) semaphore(%arg19 : memref<!tpu.dma_semaphore, #tpu.memory_space<semaphore_mem>>) {add = true}
      %dma_wait3A_86 = arith.constant 0 : i32
      %dma_wait3A_87 = arith.constant 0 : i32
      %dma_wait3A_88 = tpu.memref_slice %arg15[%dma_wait3A_86, %dma_wait3A_87] : memref<10240x128xf32, #tpu.memory_space<vmem_shared>> -> memref<10240x128xf32, #tpu.memory_space<vmem_shared>>
      tpu.wait_indirect_dma semaphore(%arg18 : memref<!tpu.dma_semaphore, #tpu.memory_space<semaphore_mem>>) src(%arg13 : memref<128x128xf32, #tpu.memory_space<vmem>>) dst(%dma_wait3A_88 : memref<10240x128xf32, #tpu.memory_space<vmem_shared>>)
      %dma_wait3A_89 = arith.constant 0 : i32
      %dma_wait3A_90 = arith.constant 0 : i32
      %dma_wait3A_91 = tpu.memref_slice %arg15[%dma_wait3A_89, %dma_wait3A_90] : memref<10240x128xf32, #tpu.memory_space<vmem_shared>> -> memref<10240x128xf32, #tpu.memory_space<vmem_shared>>
      tpu.wait_indirect_dma semaphore(%arg19 : memref<!tpu.dma_semaphore, #tpu.memory_space<semaphore_mem>>) src(%arg14 : memref<128x128xf32, #tpu.memory_space<vmem>>) dst(%dma_wait3A_91 : memref<10240x128xf32, #tpu.memory_space<vmem_shared>>)
    }
    %scan3A_29 = arith.constant 39 : i32
    "tpu.region"() ({
      %run_scoped3A = tpu.sem_alloc : memref<!tpu.dma_semaphore, #tpu.memory_space<semaphore_mem>>
      %dma_start3A_45 = arith.constant 0 : i32
      %dma_start3A_46 = tpu.memref_slice %arg6[%add3A, %dma_start3A_45] : memref<32x16xi32, #tpu.memory_space<hbm>> -> memref<1x16xi32, #tpu.memory_space<hbm>>
      %dma_start3A_47 = tpu.memref_squeeze %dma_start3A_46 : memref<1x16xi32, #tpu.memory_space<hbm>> -> memref<16xi32, #tpu.memory_space<hbm>>
      %dma_start3A_48 = arith.constant 0 : i32
      %dma_start3A_49 = tpu.memref_slice %arg6[%add3A, %dma_start3A_48] : memref<32x16xi32, #tpu.memory_space<hbm>> -> memref<1x16xi32, #tpu.memory_space<hbm>>
      %dma_start3A_50 = tpu.memref_squeeze %dma_start3A_49 : memref<1x16xi32, #tpu.memory_space<hbm>> -> memref<16xi32, #tpu.memory_space<hbm>>
      tpu.enqueue_dma source(%dma_start3A_50 : memref<16xi32, #tpu.memory_space<hbm>>) target(%arg12 : memref<16xi32, #tpu.memory_space<vmem>>) target_semaphore(%run_scoped3A : memref<!tpu.dma_semaphore, #tpu.memory_space<semaphore_mem>>)
      %dma_wait3A_51 = arith.constant 0 : i32
      %dma_wait3A_52 = tpu.memref_slice %arg6[%add3A, %dma_wait3A_51] : memref<32x16xi32, #tpu.memory_space<hbm>> -> memref<1x16xi32, #tpu.memory_space<hbm>>
      %dma_wait3A_53 = tpu.memref_squeeze %dma_wait3A_52 : memref<1x16xi32, #tpu.memory_space<hbm>> -> memref<16xi32, #tpu.memory_space<hbm>>
      %dma_wait3A_54 = arith.constant 0 : i32
      %dma_wait3A_55 = tpu.memref_slice %arg6[%add3A, %dma_wait3A_54] : memref<32x16xi32, #tpu.memory_space<hbm>> -> memref<1x16xi32, #tpu.memory_space<hbm>>
      %dma_wait3A_56 = tpu.memref_squeeze %dma_wait3A_55 : memref<1x16xi32, #tpu.memory_space<hbm>> -> memref<16xi32, #tpu.memory_space<hbm>>
      tpu.wait_dma2 semaphore(%run_scoped3A : memref<!tpu.dma_semaphore, #tpu.memory_space<semaphore_mem>>) src(%dma_wait3A_56 : memref<16xi32, #tpu.memory_space<hbm>>) dst(%arg12 : memref<16xi32, #tpu.memory_space<vmem>>)
      tpu.yield
    }) : () -> ()
    %dma_start3A = arith.constant 0 : i32
    %dma_start3A_30 = arith.constant 0 : i32
    %dma_start3A_31 = tpu.memref_slice %arg13[%dma_start3A, %dma_start3A_30] : memref<128x128xf32, #tpu.memory_space<vmem>> -> memref<16x128xf32, #tpu.memory_space<vmem>>
    %dma_start3A_32 = arith.constant 0 : i32
    %dma_start3A_33 = arith.constant 0 : i32
    %dma_start3A_34 = tpu.memref_slice %arg2[%dma_start3A_32, %dma_start3A_33] : memref<10000x128xf32, #tpu.memory_space<hbm>> -> memref<10000x128xf32, #tpu.memory_space<hbm>>
    tpu.enqueue_indirect_dma source(%dma_start3A_34 : memref<10000x128xf32, #tpu.memory_space<hbm>>) target(%dma_start3A_31 : memref<16x128xf32, #tpu.memory_space<vmem>>) offsets(%arg9 : memref<16xi32, #tpu.memory_space<vmem>>) semaphore(%arg16 : memref<!tpu.dma_semaphore, #tpu.memory_space<semaphore_mem>>)
    %dma_wait3A = arith.constant 0 : i32
    %dma_wait3A_35 = arith.constant 0 : i32
    %dma_wait3A_36 = tpu.memref_slice %arg13[%dma_wait3A, %dma_wait3A_35] : memref<128x128xf32, #tpu.memory_space<vmem>> -> memref<16x128xf32, #tpu.memory_space<vmem>>
    %dma_wait3A_37 = arith.constant 0 : i32
    %dma_wait3A_38 = arith.constant 0 : i32
    %dma_wait3A_39 = tpu.memref_slice %arg2[%dma_wait3A_37, %dma_wait3A_38] : memref<10000x128xf32, #tpu.memory_space<hbm>> -> memref<10000x128xf32, #tpu.memory_space<hbm>>
    tpu.wait_indirect_dma semaphore(%arg16 : memref<!tpu.dma_semaphore, #tpu.memory_space<semaphore_mem>>) src(%dma_wait3A_39 : memref<10000x128xf32, #tpu.memory_space<hbm>>) dst(%dma_wait3A_36 : memref<16x128xf32, #tpu.memory_space<vmem>>)
    "tpu.region"() ({
      %run_scoped3A = tpu.sem_alloc : memref<!tpu.dma_semaphore, #tpu.memory_space<semaphore_mem>>
      %dma_start3A_45 = arith.constant 0 : i32
      %dma_start3A_46 = arith.constant 0 : i32
      %dma_start3A_47 = tpu.memref_slice %arg13[%dma_start3A_45, %dma_start3A_46] : memref<128x128xf32, #tpu.memory_space<vmem>> -> memref<16x128xf32, #tpu.memory_space<vmem>>
      %dma_start3A_48 = arith.constant 0 : i32
      %dma_start3A_49 = arith.constant 0 : i32
      %dma_start3A_50 = tpu.memref_slice %arg15[%dma_start3A_48, %dma_start3A_49] : memref<10240x128xf32, #tpu.memory_space<vmem_shared>> -> memref<10240x128xf32, #tpu.memory_space<vmem_shared>>
      tpu.enqueue_indirect_dma source(%dma_start3A_47 : memref<16x128xf32, #tpu.memory_space<vmem>>) target(%dma_start3A_50 : memref<10240x128xf32, #tpu.memory_space<vmem_shared>>) offsets(%arg12 : memref<16xi32, #tpu.memory_space<vmem>>) semaphore(%run_scoped3A : memref<!tpu.dma_semaphore, #tpu.memory_space<semaphore_mem>>) {add = true}
      %dma_wait3A_51 = arith.constant 0 : i32
      %dma_wait3A_52 = arith.constant 0 : i32
      %dma_wait3A_53 = tpu.memref_slice %arg13[%dma_wait3A_51, %dma_wait3A_52] : memref<128x128xf32, #tpu.memory_space<vmem>> -> memref<16x128xf32, #tpu.memory_space<vmem>>
      %dma_wait3A_54 = arith.constant 0 : i32
      %dma_wait3A_55 = arith.constant 0 : i32
      %dma_wait3A_56 = tpu.memref_slice %arg15[%dma_wait3A_54, %dma_wait3A_55] : memref<10240x128xf32, #tpu.memory_space<vmem_shared>> -> memref<10240x128xf32, #tpu.memory_space<vmem_shared>>
      tpu.wait_indirect_dma semaphore(%run_scoped3A : memref<!tpu.dma_semaphore, #tpu.memory_space<semaphore_mem>>) src(%dma_wait3A_53 : memref<16x128xf32, #tpu.memory_space<vmem>>) dst(%dma_wait3A_56 : memref<10240x128xf32, #tpu.memory_space<vmem_shared>>)
      tpu.yield
    }) : () -> ()
    %barrier3A_40 = arith.constant 0 : index
    tpu.barrier barrier_id(%barrier3A_40)
    %mul3A_41 = arith.constant 640 : i32
    %mul3A_42 = arith.muli %arg1, %mul3A_41 : i32
    %mul3A_43 = arith.constant 640 : i32
    %mul3A_44 = arith.muli %arg1, %mul3A_43 : i32
    "tpu.region"() ({
      %run_scoped3A = tpu.sem_alloc : memref<!tpu.dma_semaphore, #tpu.memory_space<semaphore_mem>>
      %dma_start3A_45 = arith.constant 0 : i32
      %dma_start3A_46 = tpu.memref_slice %arg7[%arg0, %mul3A_44, %dma_start3A_45] : memref<2x10240x128xf32, #tpu.memory_space<hbm>> -> memref<1x640x128xf32, #tpu.memory_space<hbm>>
      %dma_start3A_47 = tpu.memref_squeeze %dma_start3A_46 : memref<1x640x128xf32, #tpu.memory_space<hbm>> -> memref<640x128xf32, #tpu.memory_space<hbm>>
      %dma_start3A_48 = arith.constant 0 : i32
      %dma_start3A_49 = tpu.memref_slice %arg15[%mul3A_42, %dma_start3A_48] : memref<10240x128xf32, #tpu.memory_space<vmem_shared>> -> memref<640x128xf32, #tpu.memory_space<vmem_shared>>
      tpu.enqueue_dma source(%dma_start3A_49 : memref<640x128xf32, #tpu.memory_space<vmem_shared>>) target(%dma_start3A_47 : memref<640x128xf32, #tpu.memory_space<hbm>>) target_semaphore(%run_scoped3A : memref<!tpu.dma_semaphore, #tpu.memory_space<semaphore_mem>>)
      %dma_wait3A_50 = arith.constant 0 : i32
      %dma_wait3A_51 = tpu.memref_slice %arg7[%arg0, %mul3A_44, %dma_wait3A_50] : memref<2x10240x128xf32, #tpu.memory_space<hbm>> -> memref<1x640x128xf32, #tpu.memory_space<hbm>>
      %dma_wait3A_52 = tpu.memref_squeeze %dma_wait3A_51 : memref<1x640x128xf32, #tpu.memory_space<hbm>> -> memref<640x128xf32, #tpu.memory_space<hbm>>
      %dma_wait3A_53 = arith.constant 0 : i32
      %dma_wait3A_54 = tpu.memref_slice %arg15[%mul3A_42, %dma_wait3A_53] : memref<10240x128xf32, #tpu.memory_space<vmem_shared>> -> memref<640x128xf32, #tpu.memory_space<vmem_shared>>
      tpu.wait_dma2 semaphore(%run_scoped3A : memref<!tpu.dma_semaphore, #tpu.memory_space<semaphore_mem>>) src(%dma_wait3A_54 : memref<640x128xf32, #tpu.memory_space<vmem_shared>>) dst(%dma_wait3A_52 : memref<640x128xf32, #tpu.memory_space<hbm>>)
      tpu.yield
    }) : () -> ()
    return
  }
}

#map = affine_map<(d0, d1) -> (0, 0, 0)>
module attributes {stable_mosaic.version = 14 : i64} {
  func.func @_sc_deg_body(%arg0: i32, %arg1: i32, %arg2: memref<32x125x80xi32, #tpu.memory_space<hbm>>, %arg3: memref<2x10240x16xf32, #tpu.memory_space<hbm>>, %arg4: memref<125x80xi32, #tpu.memory_space<vmem>>, %arg5: memref<80x16xf32, #tpu.memory_space<vmem>>, %arg6: memref<80x16xf32, #tpu.memory_space<vmem>>, %arg7: memref<10240x16xf32, #tpu.memory_space<vmem_shared>>, %arg8: memref<!tpu.dma_semaphore, #tpu.memory_space<semaphore_mem>>) attributes {dimension_semantics = [#tpu.dimension_semantics<core_parallel>, #tpu.dimension_semantics<subcore_parallel>], iteration_bounds = array<i64: 2, 16>, scalar_prefetch = 0 : i64, scratch_operands = 5 : i64, tpu.core_type = #tpu.core_type<sc_vector_subcore>, window_params = [{transform_indices = #map}, {transform_indices = #map}]} {
    %mul3A = arith.constant 16 : i32
    %mul3A_0 = arith.muli %arg0, %mul3A : i32
    %add3A = arith.addi %mul3A_0, %arg1 : i32
    %scan3A = arith.constant 0 : i32
    %scan3A_1 = arith.constant 80 : i32
    %scan3A_2 = arith.addi %scan3A, %scan3A_1 : i32
    %scan3A_3 = arith.constant 1 : i32
    scf.for %scan3A_47 = %scan3A to %scan3A_2 step %scan3A_3  : i32 {
      %mul3A_48 = arith.constant 1 : i32
      %mul3A_49 = arith.muli %scan3A_47, %mul3A_48 : i32
      %add3A_50 = arith.constant 0 : i32
      %add3A_51 = arith.addi %add3A_50, %mul3A_49 : i32
      %broadcast_in_dim3A = arith.constant 0.000000e+00 : f32
      %broadcast_in_dim3A_52 = vector.broadcast %broadcast_in_dim3A : f32 to vector<16xf32>
      %swap3A = arith.index_cast %add3A_51 : i32 to index
      %swap3A_53 = arith.constant 0 : index
      %swap3A_54 = tpu.vector_load %arg5[%swap3A, %swap3A_53] {strides = array<i32>} : memref<80x16xf32, #tpu.memory_space<vmem>>, vector<1x16xf32>,
      %swap3A_55 = vector.shape_cast %swap3A_54 : vector<1x16xf32> to vector<16xf32>
      %swap3A_56 = vector.shape_cast %broadcast_in_dim3A_52 : vector<16xf32> to vector<1x16xf32>
      tpu.vector_store %arg5[%swap3A, %swap3A_53], %swap3A_56 {strides = array<i32>} : memref<80x16xf32, #tpu.memory_space<vmem>>, vector<1x16xf32>,
      %broadcast_in_dim3A_57 = arith.constant 1.000000e+00 : f32
      %broadcast_in_dim3A_58 = vector.broadcast %broadcast_in_dim3A_57 : f32 to vector<16xf32>
      %swap3A_59 = arith.index_cast %add3A_51 : i32 to index
      %swap3A_60 = arith.constant 0 : index
      %swap3A_61 = tpu.vector_load %arg6[%swap3A_59, %swap3A_60] {strides = array<i32>} : memref<80x16xf32, #tpu.memory_space<vmem>>, vector<1x16xf32>,
      %swap3A_62 = vector.shape_cast %swap3A_61 : vector<1x16xf32> to vector<16xf32>
      %swap3A_63 = vector.shape_cast %broadcast_in_dim3A_58 : vector<16xf32> to vector<1x16xf32>
      tpu.vector_store %arg6[%swap3A_59, %swap3A_60], %swap3A_63 {strides = array<i32>} : memref<80x16xf32, #tpu.memory_space<vmem>>, vector<1x16xf32>,
    }
    %scan3A_4 = arith.constant 80 : i32
    %mul3A_5 = arith.constant 640 : i32
    %mul3A_6 = arith.muli %arg1, %mul3A_5 : i32
    %add3A_7 = arith.constant 0 : i32
    %add3A_8 = arith.addi %mul3A_6, %add3A_7 : i32
    "tpu.region"() ({
      %run_scoped3A_47 = tpu.sem_alloc : memref<!tpu.dma_semaphore, #tpu.memory_space<semaphore_mem>>
      %dma_start3A = arith.constant 0 : i32
      %dma_start3A_48 = tpu.memref_slice %arg7[%add3A_8, %dma_start3A] : memref<10240x16xf32, #tpu.memory_space<vmem_shared>> -> memref<80x16xf32, #tpu.memory_space<vmem_shared>>
      %dma_start3A_49 = arith.constant 0 : i32
      %dma_start3A_50 = tpu.memref_slice %arg7[%add3A_8, %dma_start3A_49] : memref<10240x16xf32, #tpu.memory_space<vmem_shared>> -> memref<80x16xf32, #tpu.memory_space<vmem_shared>>
      tpu.enqueue_dma source(%arg5 : memref<80x16xf32, #tpu.memory_space<vmem>>) target(%dma_start3A_50 : memref<80x16xf32, #tpu.memory_space<vmem_shared>>) target_semaphore(%run_scoped3A_47 : memref<!tpu.dma_semaphore, #tpu.memory_space<semaphore_mem>>)
      %dma_wait3A = arith.constant 0 : i32
      %dma_wait3A_51 = tpu.memref_slice %arg7[%add3A_8, %dma_wait3A] : memref<10240x16xf32, #tpu.memory_space<vmem_shared>> -> memref<80x16xf32, #tpu.memory_space<vmem_shared>>
      %dma_wait3A_52 = arith.constant 0 : i32
      %dma_wait3A_53 = tpu.memref_slice %arg7[%add3A_8, %dma_wait3A_52] : memref<10240x16xf32, #tpu.memory_space<vmem_shared>> -> memref<80x16xf32, #tpu.memory_space<vmem_shared>>
      tpu.wait_dma2 semaphore(%run_scoped3A_47 : memref<!tpu.dma_semaphore, #tpu.memory_space<semaphore_mem>>) src(%arg5 : memref<80x16xf32, #tpu.memory_space<vmem>>) dst(%dma_wait3A_53 : memref<80x16xf32, #tpu.memory_space<vmem_shared>>)
      tpu.yield
    }) : () -> ()
    %mul3A_9 = arith.constant 640 : i32
    %mul3A_10 = arith.muli %arg1, %mul3A_9 : i32
    %add3A_11 = arith.constant 80 : i32
    %add3A_12 = arith.addi %mul3A_10, %add3A_11 : i32
    "tpu.region"() ({
      %run_scoped3A_47 = tpu.sem_alloc : memref<!tpu.dma_semaphore, #tpu.memory_space<semaphore_mem>>
      %dma_start3A = arith.constant 0 : i32
      %dma_start3A_48 = tpu.memref_slice %arg7[%add3A_12, %dma_start3A] : memref<10240x16xf32, #tpu.memory_space<vmem_shared>> -> memref<80x16xf32, #tpu.memory_space<vmem_shared>>
      %dma_start3A_49 = arith.constant 0 : i32
      %dma_start3A_50 = tpu.memref_slice %arg7[%add3A_12, %dma_start3A_49] : memref<10240x16xf32, #tpu.memory_space<vmem_shared>> -> memref<80x16xf32, #tpu.memory_space<vmem_shared>>
      tpu.enqueue_dma source(%arg5 : memref<80x16xf32, #tpu.memory_space<vmem>>) target(%dma_start3A_50 : memref<80x16xf32, #tpu.memory_space<vmem_shared>>) target_semaphore(%run_scoped3A_47 : memref<!tpu.dma_semaphore, #tpu.memory_space<semaphore_mem>>)
      %dma_wait3A = arith.constant 0 : i32
      %dma_wait3A_51 = tpu.memref_slice %arg7[%add3A_12, %dma_wait3A] : memref<10240x16xf32, #tpu.memory_space<vmem_shared>> -> memref<80x16xf32, #tpu.memory_space<vmem_shared>>
      %dma_wait3A_52 = arith.constant 0 : i32
      %dma_wait3A_53 = tpu.memref_slice %arg7[%add3A_12, %dma_wait3A_52] : memref<10240x16xf32, #tpu.memory_space<vmem_shared>> -> memref<80x16xf32, #tpu.memory_space<vmem_shared>>
      tpu.wait_dma2 semaphore(%run_scoped3A_47 : memref<!tpu.dma_semaphore, #tpu.memory_space<semaphore_mem>>) src(%arg5 : memref<80x16xf32, #tpu.memory_space<vmem>>) dst(%dma_wait3A_53 : memref<80x16xf32, #tpu.memory_space<vmem_shared>>)
      tpu.yield
    }) : () -> ()
    %mul3A_13 = arith.constant 640 : i32
    %mul3A_14 = arith.muli %arg1, %mul3A_13 : i32
    %add3A_15 = arith.constant 160 : i32
    %add3A_16 = arith.addi %mul3A_14, %add3A_15 : i32
    "tpu.region"() ({
      %run_scoped3A_47 = tpu.sem_alloc : memref<!tpu.dma_semaphore, #tpu.memory_space<semaphore_mem>>
      %dma_start3A = arith.constant 0 : i32
      %dma_start3A_48 = tpu.memref_slice %arg7[%add3A_16, %dma_start3A] : memref<10240x16xf32, #tpu.memory_space<vmem_shared>> -> memref<80x16xf32, #tpu.memory_space<vmem_shared>>
      %dma_start3A_49 = arith.constant 0 : i32
      %dma_start3A_50 = tpu.memref_slice %arg7[%add3A_16, %dma_start3A_49] : memref<10240x16xf32, #tpu.memory_space<vmem_shared>> -> memref<80x16xf32, #tpu.memory_space<vmem_shared>>
      tpu.enqueue_dma source(%arg5 : memref<80x16xf32, #tpu.memory_space<vmem>>) target(%dma_start3A_50 : memref<80x16xf32, #tpu.memory_space<vmem_shared>>) target_semaphore(%run_scoped3A_47 : memref<!tpu.dma_semaphore, #tpu.memory_space<semaphore_mem>>)
      %dma_wait3A = arith.constant 0 : i32
      %dma_wait3A_51 = tpu.memref_slice %arg7[%add3A_16, %dma_wait3A] : memref<10240x16xf32, #tpu.memory_space<vmem_shared>> -> memref<80x16xf32, #tpu.memory_space<vmem_shared>>
      %dma_wait3A_52 = arith.constant 0 : i32
      %dma_wait3A_53 = tpu.memref_slice %arg7[%add3A_16, %dma_wait3A_52] : memref<10240x16xf32, #tpu.memory_space<vmem_shared>> -> memref<80x16xf32, #tpu.memory_space<vmem_shared>>
      tpu.wait_dma2 semaphore(%run_scoped3A_47 : memref<!tpu.dma_semaphore, #tpu.memory_space<semaphore_mem>>) src(%arg5 : memref<80x16xf32, #tpu.memory_space<vmem>>) dst(%dma_wait3A_53 : memref<80x16xf32, #tpu.memory_space<vmem_shared>>)
      tpu.yield
    }) : () -> ()
    %mul3A_17 = arith.constant 640 : i32
    %mul3A_18 = arith.muli %arg1, %mul3A_17 : i32
    %add3A_19 = arith.constant 240 : i32
    %add3A_20 = arith.addi %mul3A_18, %add3A_19 : i32
    "tpu.region"() ({
      %run_scoped3A_47 = tpu.sem_alloc : memref<!tpu.dma_semaphore, #tpu.memory_space<semaphore_mem>>
      %dma_start3A = arith.constant 0 : i32
      %dma_start3A_48 = tpu.memref_slice %arg7[%add3A_20, %dma_start3A] : memref<10240x16xf32, #tpu.memory_space<vmem_shared>> -> memref<80x16xf32, #tpu.memory_space<vmem_shared>>
      %dma_start3A_49 = arith.constant 0 : i32
      %dma_start3A_50 = tpu.memref_slice %arg7[%add3A_20, %dma_start3A_49] : memref<10240x16xf32, #tpu.memory_space<vmem_shared>> -> memref<80x16xf32, #tpu.memory_space<vmem_shared>>
      tpu.enqueue_dma source(%arg5 : memref<80x16xf32, #tpu.memory_space<vmem>>) target(%dma_start3A_50 : memref<80x16xf32, #tpu.memory_space<vmem_shared>>) target_semaphore(%run_scoped3A_47 : memref<!tpu.dma_semaphore, #tpu.memory_space<semaphore_mem>>)
      %dma_wait3A = arith.constant 0 : i32
      %dma_wait3A_51 = tpu.memref_slice %arg7[%add3A_20, %dma_wait3A] : memref<10240x16xf32, #tpu.memory_space<vmem_shared>> -> memref<80x16xf32, #tpu.memory_space<vmem_shared>>
      %dma_wait3A_52 = arith.constant 0 : i32
      %dma_wait3A_53 = tpu.memref_slice %arg7[%add3A_20, %dma_wait3A_52] : memref<10240x16xf32, #tpu.memory_space<vmem_shared>> -> memref<80x16xf32, #tpu.memory_space<vmem_shared>>
      tpu.wait_dma2 semaphore(%run_scoped3A_47 : memref<!tpu.dma_semaphore, #tpu.memory_space<semaphore_mem>>) src(%arg5 : memref<80x16xf32, #tpu.memory_space<vmem>>) dst(%dma_wait3A_53 : memref<80x16xf32, #tpu.memory_space<vmem_shared>>)
      tpu.yield
    }) : () -> ()
    %mul3A_21 = arith.constant 640 : i32
    %mul3A_22 = arith.muli %arg1, %mul3A_21 : i32
    %add3A_23 = arith.constant 320 : i32
    %add3A_24 = arith.addi %mul3A_22, %add3A_23 : i32
    "tpu.region"() ({
      %run_scoped3A_47 = tpu.sem_alloc : memref<!tpu.dma_semaphore, #tpu.memory_space<semaphore_mem>>
      %dma_start3A = arith.constant 0 : i32
      %dma_start3A_48 = tpu.memref_slice %arg7[%add3A_24, %dma_start3A] : memref<10240x16xf32, #tpu.memory_space<vmem_shared>> -> memref<80x16xf32, #tpu.memory_space<vmem_shared>>
      %dma_start3A_49 = arith.constant 0 : i32
      %dma_start3A_50 = tpu.memref_slice %arg7[%add3A_24, %dma_start3A_49] : memref<10240x16xf32, #tpu.memory_space<vmem_shared>> -> memref<80x16xf32, #tpu.memory_space<vmem_shared>>
      tpu.enqueue_dma source(%arg5 : memref<80x16xf32, #tpu.memory_space<vmem>>) target(%dma_start3A_50 : memref<80x16xf32, #tpu.memory_space<vmem_shared>>) target_semaphore(%run_scoped3A_47 : memref<!tpu.dma_semaphore, #tpu.memory_space<semaphore_mem>>)
      %dma_wait3A = arith.constant 0 : i32
      %dma_wait3A_51 = tpu.memref_slice %arg7[%add3A_24, %dma_wait3A] : memref<10240x16xf32, #tpu.memory_space<vmem_shared>> -> memref<80x16xf32, #tpu.memory_space<vmem_shared>>
      %dma_wait3A_52 = arith.constant 0 : i32
      %dma_wait3A_53 = tpu.memref_slice %arg7[%add3A_24, %dma_wait3A_52] : memref<10240x16xf32, #tpu.memory_space<vmem_shared>> -> memref<80x16xf32, #tpu.memory_space<vmem_shared>>
      tpu.wait_dma2 semaphore(%run_scoped3A_47 : memref<!tpu.dma_semaphore, #tpu.memory_space<semaphore_mem>>) src(%arg5 : memref<80x16xf32, #tpu.memory_space<vmem>>) dst(%dma_wait3A_53 : memref<80x16xf32, #tpu.memory_space<vmem_shared>>)
      tpu.yield
    }) : () -> ()
    %mul3A_25 = arith.constant 640 : i32
    %mul3A_26 = arith.muli %arg1, %mul3A_25 : i32
    %add3A_27 = arith.constant 400 : i32
    %add3A_28 = arith.addi %mul3A_26, %add3A_27 : i32
    "tpu.region"() ({
      %run_scoped3A_47 = tpu.sem_alloc : memref<!tpu.dma_semaphore, #tpu.memory_space<semaphore_mem>>
      %dma_start3A = arith.constant 0 : i32
      %dma_start3A_48 = tpu.memref_slice %arg7[%add3A_28, %dma_start3A] : memref<10240x16xf32, #tpu.memory_space<vmem_shared>> -> memref<80x16xf32, #tpu.memory_space<vmem_shared>>
      %dma_start3A_49 = arith.constant 0 : i32
      %dma_start3A_50 = tpu.memref_slice %arg7[%add3A_28, %dma_start3A_49] : memref<10240x16xf32, #tpu.memory_space<vmem_shared>> -> memref<80x16xf32, #tpu.memory_space<vmem_shared>>
      tpu.enqueue_dma source(%arg5 : memref<80x16xf32, #tpu.memory_space<vmem>>) target(%dma_start3A_50 : memref<80x16xf32, #tpu.memory_space<vmem_shared>>) target_semaphore(%run_scoped3A_47 : memref<!tpu.dma_semaphore, #tpu.memory_space<semaphore_mem>>)
      %dma_wait3A = arith.constant 0 : i32
      %dma_wait3A_51 = tpu.memref_slice %arg7[%add3A_28, %dma_wait3A] : memref<10240x16xf32, #tpu.memory_space<vmem_shared>> -> memref<80x16xf32, #tpu.memory_space<vmem_shared>>
      %dma_wait3A_52 = arith.constant 0 : i32
      %dma_wait3A_53 = tpu.memref_slice %arg7[%add3A_28, %dma_wait3A_52] : memref<10240x16xf32, #tpu.memory_space<vmem_shared>> -> memref<80x16xf32, #tpu.memory_space<vmem_shared>>
      tpu.wait_dma2 semaphore(%run_scoped3A_47 : memref<!tpu.dma_semaphore, #tpu.memory_space<semaphore_mem>>) src(%arg5 : memref<80x16xf32, #tpu.memory_space<vmem>>) dst(%dma_wait3A_53 : memref<80x16xf32, #tpu.memory_space<vmem_shared>>)
      tpu.yield
    }) : () -> ()
    %mul3A_29 = arith.constant 640 : i32
    %mul3A_30 = arith.muli %arg1, %mul3A_29 : i32
    %add3A_31 = arith.constant 480 : i32
    %add3A_32 = arith.addi %mul3A_30, %add3A_31 : i32
    "tpu.region"() ({
      %run_scoped3A_47 = tpu.sem_alloc : memref<!tpu.dma_semaphore, #tpu.memory_space<semaphore_mem>>
      %dma_start3A = arith.constant 0 : i32
      %dma_start3A_48 = tpu.memref_slice %arg7[%add3A_32, %dma_start3A] : memref<10240x16xf32, #tpu.memory_space<vmem_shared>> -> memref<80x16xf32, #tpu.memory_space<vmem_shared>>
      %dma_start3A_49 = arith.constant 0 : i32
      %dma_start3A_50 = tpu.memref_slice %arg7[%add3A_32, %dma_start3A_49] : memref<10240x16xf32, #tpu.memory_space<vmem_shared>> -> memref<80x16xf32, #tpu.memory_space<vmem_shared>>
      tpu.enqueue_dma source(%arg5 : memref<80x16xf32, #tpu.memory_space<vmem>>) target(%dma_start3A_50 : memref<80x16xf32, #tpu.memory_space<vmem_shared>>) target_semaphore(%run_scoped3A_47 : memref<!tpu.dma_semaphore, #tpu.memory_space<semaphore_mem>>)
      %dma_wait3A = arith.constant 0 : i32
      %dma_wait3A_51 = tpu.memref_slice %arg7[%add3A_32, %dma_wait3A] : memref<10240x16xf32, #tpu.memory_space<vmem_shared>> -> memref<80x16xf32, #tpu.memory_space<vmem_shared>>
      %dma_wait3A_52 = arith.constant 0 : i32
      %dma_wait3A_53 = tpu.memref_slice %arg7[%add3A_32, %dma_wait3A_52] : memref<10240x16xf32, #tpu.memory_space<vmem_shared>> -> memref<80x16xf32, #tpu.memory_space<vmem_shared>>
      tpu.wait_dma2 semaphore(%run_scoped3A_47 : memref<!tpu.dma_semaphore, #tpu.memory_space<semaphore_mem>>) src(%arg5 : memref<80x16xf32, #tpu.memory_space<vmem>>) dst(%dma_wait3A_53 : memref<80x16xf32, #tpu.memory_space<vmem_shared>>)
      tpu.yield
    }) : () -> ()
    %mul3A_33 = arith.constant 640 : i32
    %mul3A_34 = arith.muli %arg1, %mul3A_33 : i32
    %add3A_35 = arith.constant 560 : i32
    %add3A_36 = arith.addi %mul3A_34, %add3A_35 : i32
    "tpu.region"() ({
      %run_scoped3A_47 = tpu.sem_alloc : memref<!tpu.dma_semaphore, #tpu.memory_space<semaphore_mem>>
      %dma_start3A = arith.constant 0 : i32
      %dma_start3A_48 = tpu.memref_slice %arg7[%add3A_36, %dma_start3A] : memref<10240x16xf32, #tpu.memory_space<vmem_shared>> -> memref<80x16xf32, #tpu.memory_space<vmem_shared>>
      %dma_start3A_49 = arith.constant 0 : i32
      %dma_start3A_50 = tpu.memref_slice %arg7[%add3A_36, %dma_start3A_49] : memref<10240x16xf32, #tpu.memory_space<vmem_shared>> -> memref<80x16xf32, #tpu.memory_space<vmem_shared>>
      tpu.enqueue_dma source(%arg5 : memref<80x16xf32, #tpu.memory_space<vmem>>) target(%dma_start3A_50 : memref<80x16xf32, #tpu.memory_space<vmem_shared>>) target_semaphore(%run_scoped3A_47 : memref<!tpu.dma_semaphore, #tpu.memory_space<semaphore_mem>>)
      %dma_wait3A = arith.constant 0 : i32
      %dma_wait3A_51 = tpu.memref_slice %arg7[%add3A_36, %dma_wait3A] : memref<10240x16xf32, #tpu.memory_space<vmem_shared>> -> memref<80x16xf32, #tpu.memory_space<vmem_shared>>
      %dma_wait3A_52 = arith.constant 0 : i32
      %dma_wait3A_53 = tpu.memref_slice %arg7[%add3A_36, %dma_wait3A_52] : memref<10240x16xf32, #tpu.memory_space<vmem_shared>> -> memref<80x16xf32, #tpu.memory_space<vmem_shared>>
      tpu.wait_dma2 semaphore(%run_scoped3A_47 : memref<!tpu.dma_semaphore, #tpu.memory_space<semaphore_mem>>) src(%arg5 : memref<80x16xf32, #tpu.memory_space<vmem>>) dst(%dma_wait3A_53 : memref<80x16xf32, #tpu.memory_space<vmem_shared>>)
      tpu.yield
    }) : () -> ()
    %barrier3A = arith.constant 0 : index
    tpu.barrier barrier_id(%barrier3A)
    "tpu.region"() ({
      %run_scoped3A_47 = tpu.sem_alloc : memref<!tpu.dma_semaphore, #tpu.memory_space<semaphore_mem>>
      %dma_start3A = arith.constant 0 : i32
      %dma_start3A_48 = arith.constant 0 : i32
      %dma_start3A_49 = tpu.memref_slice %arg2[%add3A, %dma_start3A, %dma_start3A_48] : memref<32x125x80xi32, #tpu.memory_space<hbm>> -> memref<1x125x80xi32, #tpu.memory_space<hbm>>
      %dma_start3A_50 = tpu.memref_squeeze %dma_start3A_49 : memref<1x125x80xi32, #tpu.memory_space<hbm>> -> memref<125x80xi32, #tpu.memory_space<hbm>>
      %dma_start3A_51 = arith.constant 0 : i32
      %dma_start3A_52 = arith.constant 0 : i32
      %dma_start3A_53 = tpu.memref_slice %arg2[%add3A, %dma_start3A_51, %dma_start3A_52] : memref<32x125x80xi32, #tpu.memory_space<hbm>> -> memref<1x125x80xi32, #tpu.memory_space<hbm>>
      %dma_start3A_54 = tpu.memref_squeeze %dma_start3A_53 : memref<1x125x80xi32, #tpu.memory_space<hbm>> -> memref<125x80xi32, #tpu.memory_space<hbm>>
      tpu.enqueue_dma source(%dma_start3A_54 : memref<125x80xi32, #tpu.memory_space<hbm>>) target(%arg4 : memref<125x80xi32, #tpu.memory_space<vmem>>) target_semaphore(%run_scoped3A_47 : memref<!tpu.dma_semaphore, #tpu.memory_space<semaphore_mem>>)
      %dma_wait3A = arith.constant 0 : i32
      %dma_wait3A_55 = arith.constant 0 : i32
      %dma_wait3A_56 = tpu.memref_slice %arg2[%add3A, %dma_wait3A, %dma_wait3A_55] : memref<32x125x80xi32, #tpu.memory_space<hbm>> -> memref<1x125x80xi32, #tpu.memory_space<hbm>>
      %dma_wait3A_57 = tpu.memref_squeeze %dma_wait3A_56 : memref<1x125x80xi32, #tpu.memory_space<hbm>> -> memref<125x80xi32, #tpu.memory_space<hbm>>
      %dma_wait3A_58 = arith.constant 0 : i32
      %dma_wait3A_59 = arith.constant 0 : i32
      %dma_wait3A_60 = tpu.memref_slice %arg2[%add3A, %dma_wait3A_58, %dma_wait3A_59] : memref<32x125x80xi32, #tpu.memory_space<hbm>> -> memref<1x125x80xi32, #tpu.memory_space<hbm>>
      %dma_wait3A_61 = tpu.memref_squeeze %dma_wait3A_60 : memref<1x125x80xi32, #tpu.memory_space<hbm>> -> memref<125x80xi32, #tpu.memory_space<hbm>>
      tpu.wait_dma2 semaphore(%run_scoped3A_47 : memref<!tpu.dma_semaphore, #tpu.memory_space<semaphore_mem>>) src(%dma_wait3A_61 : memref<125x80xi32, #tpu.memory_space<hbm>>) dst(%arg4 : memref<125x80xi32, #tpu.memory_space<vmem>>)
      tpu.yield
    }) : () -> ()
    %scan3A_37 = arith.constant 0 : i32
    %scan3A_38 = arith.constant 31 : i32
    %scan3A_39 = arith.addi %scan3A_37, %scan3A_38 : i32
    %scan3A_40 = arith.constant 1 : i32
    scf.for %scan3A_47 = %scan3A_37 to %scan3A_39 step %scan3A_40  : i32 {
      %mul3A_48 = arith.constant 1 : i32
      %mul3A_49 = arith.muli %scan3A_47, %mul3A_48 : i32
      %add3A_50 = arith.constant 0 : i32
      %add3A_51 = arith.addi %add3A_50, %mul3A_49 : i32
      %mul3A_52 = arith.constant 4 : i32
      %mul3A_53 = arith.muli %mul3A_52, %add3A_51 : i32
      %add3A_54 = arith.constant 0 : i32
      %add3A_55 = arith.addi %mul3A_53, %add3A_54 : i32
      %dma_start3A = arith.constant 0 : i32
      %dma_start3A_56 = tpu.memref_slice %arg4[%add3A_55, %dma_start3A] : memref<125x80xi32, #tpu.memory_space<vmem>> -> memref<1x80xi32, #tpu.memory_space<vmem>>
      %dma_start3A_57 = tpu.memref_squeeze %dma_start3A_56 : memref<1x80xi32, #tpu.memory_space<vmem>> -> memref<80xi32, #tpu.memory_space<vmem>>
      %dma_start3A_58 = arith.constant 0 : i32
      %dma_start3A_59 = arith.constant 0 : i32
      %dma_start3A_60 = tpu.memref_slice %arg7[%dma_start3A_58, %dma_start3A_59] : memref<10240x16xf32, #tpu.memory_space<vmem_shared>> -> memref<10240x16xf32, #tpu.memory_space<vmem_shared>>
      tpu.enqueue_indirect_dma source(%arg6 : memref<80x16xf32, #tpu.memory_space<vmem>>) target(%dma_start3A_60 : memref<10240x16xf32, #tpu.memory_space<vmem_shared>>) offsets(%dma_start3A_57 : memref<80xi32, #tpu.memory_space<vmem>>) semaphore(%arg8 : memref<!tpu.dma_semaphore, #tpu.memory_space<semaphore_mem>>) {add = true}
      %add3A_61 = arith.constant 1 : i32
      %add3A_62 = arith.addi %mul3A_53, %add3A_61 : i32
      %dma_start3A_63 = arith.constant 0 : i32
      %dma_start3A_64 = tpu.memref_slice %arg4[%add3A_62, %dma_start3A_63] : memref<125x80xi32, #tpu.memory_space<vmem>> -> memref<1x80xi32, #tpu.memory_space<vmem>>
      %dma_start3A_65 = tpu.memref_squeeze %dma_start3A_64 : memref<1x80xi32, #tpu.memory_space<vmem>> -> memref<80xi32, #tpu.memory_space<vmem>>
      %dma_start3A_66 = arith.constant 0 : i32
      %dma_start3A_67 = arith.constant 0 : i32
      %dma_start3A_68 = tpu.memref_slice %arg7[%dma_start3A_66, %dma_start3A_67] : memref<10240x16xf32, #tpu.memory_space<vmem_shared>> -> memref<10240x16xf32, #tpu.memory_space<vmem_shared>>
      tpu.enqueue_indirect_dma source(%arg6 : memref<80x16xf32, #tpu.memory_space<vmem>>) target(%dma_start3A_68 : memref<10240x16xf32, #tpu.memory_space<vmem_shared>>) offsets(%dma_start3A_65 : memref<80xi32, #tpu.memory_space<vmem>>) semaphore(%arg8 : memref<!tpu.dma_semaphore, #tpu.memory_space<semaphore_mem>>) {add = true}
      %add3A_69 = arith.constant 2 : i32
      %add3A_70 = arith.addi %mul3A_53, %add3A_69 : i32
      %dma_start3A_71 = arith.constant 0 : i32
      %dma_start3A_72 = tpu.memref_slice %arg4[%add3A_70, %dma_start3A_71] : memref<125x80xi32, #tpu.memory_space<vmem>> -> memref<1x80xi32, #tpu.memory_space<vmem>>
      %dma_start3A_73 = tpu.memref_squeeze %dma_start3A_72 : memref<1x80xi32, #tpu.memory_space<vmem>> -> memref<80xi32, #tpu.memory_space<vmem>>
      %dma_start3A_74 = arith.constant 0 : i32
      %dma_start3A_75 = arith.constant 0 : i32
      %dma_start3A_76 = tpu.memref_slice %arg7[%dma_start3A_74, %dma_start3A_75] : memref<10240x16xf32, #tpu.memory_space<vmem_shared>> -> memref<10240x16xf32, #tpu.memory_space<vmem_shared>>
      tpu.enqueue_indirect_dma source(%arg6 : memref<80x16xf32, #tpu.memory_space<vmem>>) target(%dma_start3A_76 : memref<10240x16xf32, #tpu.memory_space<vmem_shared>>) offsets(%dma_start3A_73 : memref<80xi32, #tpu.memory_space<vmem>>) semaphore(%arg8 : memref<!tpu.dma_semaphore, #tpu.memory_space<semaphore_mem>>) {add = true}
      %add3A_77 = arith.constant 3 : i32
      %add3A_78 = arith.addi %mul3A_53, %add3A_77 : i32
      %dma_start3A_79 = arith.constant 0 : i32
      %dma_start3A_80 = tpu.memref_slice %arg4[%add3A_78, %dma_start3A_79] : memref<125x80xi32, #tpu.memory_space<vmem>> -> memref<1x80xi32, #tpu.memory_space<vmem>>
      %dma_start3A_81 = tpu.memref_squeeze %dma_start3A_80 : memref<1x80xi32, #tpu.memory_space<vmem>> -> memref<80xi32, #tpu.memory_space<vmem>>
      %dma_start3A_82 = arith.constant 0 : i32
      %dma_start3A_83 = arith.constant 0 : i32
      %dma_start3A_84 = tpu.memref_slice %arg7[%dma_start3A_82, %dma_start3A_83] : memref<10240x16xf32, #tpu.memory_space<vmem_shared>> -> memref<10240x16xf32, #tpu.memory_space<vmem_shared>>
      tpu.enqueue_indirect_dma source(%arg6 : memref<80x16xf32, #tpu.memory_space<vmem>>) target(%dma_start3A_84 : memref<10240x16xf32, #tpu.memory_space<vmem_shared>>) offsets(%dma_start3A_81 : memref<80xi32, #tpu.memory_space<vmem>>) semaphore(%arg8 : memref<!tpu.dma_semaphore, #tpu.memory_space<semaphore_mem>>) {add = true}
      %dma_wait3A = arith.constant 0 : i32
      %dma_wait3A_85 = tpu.memref_slice %arg4[%add3A_55, %dma_wait3A] : memref<125x80xi32, #tpu.memory_space<vmem>> -> memref<1x80xi32, #tpu.memory_space<vmem>>
      %dma_wait3A_86 = tpu.memref_squeeze %dma_wait3A_85 : memref<1x80xi32, #tpu.memory_space<vmem>> -> memref<80xi32, #tpu.memory_space<vmem>>
      %dma_wait3A_87 = arith.constant 0 : i32
      %dma_wait3A_88 = arith.constant 0 : i32
      %dma_wait3A_89 = tpu.memref_slice %arg7[%dma_wait3A_87, %dma_wait3A_88] : memref<10240x16xf32, #tpu.memory_space<vmem_shared>> -> memref<10240x16xf32, #tpu.memory_space<vmem_shared>>
      tpu.wait_indirect_dma semaphore(%arg8 : memref<!tpu.dma_semaphore, #tpu.memory_space<semaphore_mem>>) src(%arg6 : memref<80x16xf32, #tpu.memory_space<vmem>>) dst(%dma_wait3A_89 : memref<10240x16xf32, #tpu.memory_space<vmem_shared>>)
      %dma_wait3A_90 = arith.constant 0 : i32
      %dma_wait3A_91 = tpu.memref_slice %arg4[%add3A_62, %dma_wait3A_90] : memref<125x80xi32, #tpu.memory_space<vmem>> -> memref<1x80xi32, #tpu.memory_space<vmem>>
      %dma_wait3A_92 = tpu.memref_squeeze %dma_wait3A_91 : memref<1x80xi32, #tpu.memory_space<vmem>> -> memref<80xi32, #tpu.memory_space<vmem>>
      %dma_wait3A_93 = arith.constant 0 : i32
      %dma_wait3A_94 = arith.constant 0 : i32
      %dma_wait3A_95 = tpu.memref_slice %arg7[%dma_wait3A_93, %dma_wait3A_94] : memref<10240x16xf32, #tpu.memory_space<vmem_shared>> -> memref<10240x16xf32, #tpu.memory_space<vmem_shared>>
      tpu.wait_indirect_dma semaphore(%arg8 : memref<!tpu.dma_semaphore, #tpu.memory_space<semaphore_mem>>) src(%arg6 : memref<80x16xf32, #tpu.memory_space<vmem>>) dst(%dma_wait3A_95 : memref<10240x16xf32, #tpu.memory_space<vmem_shared>>)
      %dma_wait3A_96 = arith.constant 0 : i32
      %dma_wait3A_97 = tpu.memref_slice %arg4[%add3A_70, %dma_wait3A_96] : memref<125x80xi32, #tpu.memory_space<vmem>> -> memref<1x80xi32, #tpu.memory_space<vmem>>
      %dma_wait3A_98 = tpu.memref_squeeze %dma_wait3A_97 : memref<1x80xi32, #tpu.memory_space<vmem>> -> memref<80xi32, #tpu.memory_space<vmem>>
      %dma_wait3A_99 = arith.constant 0 : i32
      %dma_wait3A_100 = arith.constant 0 : i32
      %dma_wait3A_101 = tpu.memref_slice %arg7[%dma_wait3A_99, %dma_wait3A_100] : memref<10240x16xf32, #tpu.memory_space<vmem_shared>> -> memref<10240x16xf32, #tpu.memory_space<vmem_shared>>
      tpu.wait_indirect_dma semaphore(%arg8 : memref<!tpu.dma_semaphore, #tpu.memory_space<semaphore_mem>>) src(%arg6 : memref<80x16xf32, #tpu.memory_space<vmem>>) dst(%dma_wait3A_101 : memref<10240x16xf32, #tpu.memory_space<vmem_shared>>)
      %dma_wait3A_102 = arith.constant 0 : i32
      %dma_wait3A_103 = tpu.memref_slice %arg4[%add3A_78, %dma_wait3A_102] : memref<125x80xi32, #tpu.memory_space<vmem>> -> memref<1x80xi32, #tpu.memory_space<vmem>>
      %dma_wait3A_104 = tpu.memref_squeeze %dma_wait3A_103 : memref<1x80xi32, #tpu.memory_space<vmem>> -> memref<80xi32, #tpu.memory_space<vmem>>
      %dma_wait3A_105 = arith.constant 0 : i32
      %dma_wait3A_106 = arith.constant 0 : i32
      %dma_wait3A_107 = tpu.memref_slice %arg7[%dma_wait3A_105, %dma_wait3A_106] : memref<10240x16xf32, #tpu.memory_space<vmem_shared>> -> memref<10240x16xf32, #tpu.memory_space<vmem_shared>>
      tpu.wait_indirect_dma semaphore(%arg8 : memref<!tpu.dma_semaphore, #tpu.memory_space<semaphore_mem>>) src(%arg6 : memref<80x16xf32, #tpu.memory_space<vmem>>) dst(%dma_wait3A_107 : memref<10240x16xf32, #tpu.memory_space<vmem_shared>>)
    }
    %scan3A_41 = arith.constant 31 : i32
    %run_scoped3A = arith.constant 124 : i32
    "tpu.region"() ({
      %run_scoped3A_47 = tpu.sem_alloc : memref<!tpu.dma_semaphore, #tpu.memory_space<semaphore_mem>>
      %dma_start3A = arith.constant 0 : i32
      %dma_start3A_48 = tpu.memref_slice %arg4[%run_scoped3A, %dma_start3A] : memref<125x80xi32, #tpu.memory_space<vmem>> -> memref<1x80xi32, #tpu.memory_space<vmem>>
      %dma_start3A_49 = tpu.memref_squeeze %dma_start3A_48 : memref<1x80xi32, #tpu.memory_space<vmem>> -> memref<80xi32, #tpu.memory_space<vmem>>
      %dma_start3A_50 = arith.constant 0 : i32
      %dma_start3A_51 = arith.constant 0 : i32
      %dma_start3A_52 = tpu.memref_slice %arg7[%dma_start3A_50, %dma_start3A_51] : memref<10240x16xf32, #tpu.memory_space<vmem_shared>> -> memref<10240x16xf32, #tpu.memory_space<vmem_shared>>
      tpu.enqueue_indirect_dma source(%arg6 : memref<80x16xf32, #tpu.memory_space<vmem>>) target(%dma_start3A_52 : memref<10240x16xf32, #tpu.memory_space<vmem_shared>>) offsets(%dma_start3A_49 : memref<80xi32, #tpu.memory_space<vmem>>) semaphore(%run_scoped3A_47 : memref<!tpu.dma_semaphore, #tpu.memory_space<semaphore_mem>>) {add = true}
      %dma_wait3A = arith.constant 0 : i32
      %dma_wait3A_53 = tpu.memref_slice %arg4[%run_scoped3A, %dma_wait3A] : memref<125x80xi32, #tpu.memory_space<vmem>> -> memref<1x80xi32, #tpu.memory_space<vmem>>
      %dma_wait3A_54 = tpu.memref_squeeze %dma_wait3A_53 : memref<1x80xi32, #tpu.memory_space<vmem>> -> memref<80xi32, #tpu.memory_space<vmem>>
      %dma_wait3A_55 = arith.constant 0 : i32
      %dma_wait3A_56 = arith.constant 0 : i32
      %dma_wait3A_57 = tpu.memref_slice %arg7[%dma_wait3A_55, %dma_wait3A_56] : memref<10240x16xf32, #tpu.memory_space<vmem_shared>> -> memref<10240x16xf32, #tpu.memory_space<vmem_shared>>
      tpu.wait_indirect_dma semaphore(%run_scoped3A_47 : memref<!tpu.dma_semaphore, #tpu.memory_space<semaphore_mem>>) src(%arg6 : memref<80x16xf32, #tpu.memory_space<vmem>>) dst(%dma_wait3A_57 : memref<10240x16xf32, #tpu.memory_space<vmem_shared>>)
      tpu.yield
    }) : () -> ()
    %barrier3A_42 = arith.constant 0 : index
    tpu.barrier barrier_id(%barrier3A_42)
    %mul3A_43 = arith.constant 640 : i32
    %mul3A_44 = arith.muli %arg1, %mul3A_43 : i32
    %mul3A_45 = arith.constant 640 : i32
    %mul3A_46 = arith.muli %arg1, %mul3A_45 : i32
    "tpu.region"() ({
      %run_scoped3A_47 = tpu.sem_alloc : memref<!tpu.dma_semaphore, #tpu.memory_space<semaphore_mem>>
      %dma_start3A = arith.constant 0 : i32
      %dma_start3A_48 = tpu.memref_slice %arg3[%arg0, %mul3A_46, %dma_start3A] : memref<2x10240x16xf32, #tpu.memory_space<hbm>> -> memref<1x640x16xf32, #tpu.memory_space<hbm>>
      %dma_start3A_49 = tpu.memref_squeeze %dma_start3A_48 : memref<1x640x16xf32, #tpu.memory_space<hbm>> -> memref<640x16xf32, #tpu.memory_space<hbm>>
      %dma_start3A_50 = arith.constant 0 : i32
      %dma_start3A_51 = tpu.memref_slice %arg7[%mul3A_44, %dma_start3A_50] : memref<10240x16xf32, #tpu.memory_space<vmem_shared>> -> memref<640x16xf32, #tpu.memory_space<vmem_shared>>
      tpu.enqueue_dma source(%dma_start3A_51 : memref<640x16xf32, #tpu.memory_space<vmem_shared>>) target(%dma_start3A_49 : memref<640x16xf32, #tpu.memory_space<hbm>>) target_semaphore(%run_scoped3A_47 : memref<!tpu.dma_semaphore, #tpu.memory_space<semaphore_mem>>)
      %dma_wait3A = arith.constant 0 : i32
      %dma_wait3A_52 = tpu.memref_slice %arg3[%arg0, %mul3A_46, %dma_wait3A] : memref<2x10240x16xf32, #tpu.memory_space<hbm>> -> memref<1x640x16xf32, #tpu.memory_space<hbm>>
      %dma_wait3A_53 = tpu.memref_squeeze %dma_wait3A_52 : memref<1x640x16xf32, #tpu.memory_space<hbm>> -> memref<640x16xf32, #tpu.memory_space<hbm>>
      %dma_wait3A_54 = arith.constant 0 : i32
      %dma_wait3A_55 = tpu.memref_slice %arg7[%mul3A_44, %dma_wait3A_54] : memref<10240x16xf32, #tpu.memory_space<vmem_shared>> -> memref<640x16xf32, #tpu.memory_space<vmem_shared>>
      tpu.wait_dma2 semaphore(%run_scoped3A_47 : memref<!tpu.dma_semaphore, #tpu.memory_space<semaphore_mem>>) src(%dma_wait3A_55 : memref<640x16xf32, #tpu.memory_space<vmem_shared>>) dst(%dma_wait3A_53 : memref<640x16xf32, #tpu.memory_space<hbm>>)
      tpu.yield
    }) : () -> ()
    return
  }
}

#map = affine_map<(d0, d1) -> (0, 0)>
#map1 = affine_map<(d0, d1) -> (0, 0, 0)>
module attributes {stable_mosaic.version = 14 : i64} {
  func.func @_sc_edge_body(%arg0: i32, %arg1: i32, %arg2: memref<10000x128xf32, #tpu.memory_space<hbm>>, %arg3: memref<32x78x128xi32, #tpu.memory_space<hbm>>, %arg4: memref<32x16xi32, #tpu.memory_space<hbm>>, %arg5: memref<32x78x128xi32, #tpu.memory_space<hbm>>, %arg6: memref<32x16xi32, #tpu.memory_space<hbm>>, %arg7: memref<2x10240x128xf32, #tpu.memory_space<hbm>>, %arg8: memref<78x128xi32, #tpu.memory_space<vmem>>, %arg9: memref<16xi32, #tpu.memory_space<vmem>>, %arg10: memref<128xi32, #tpu.memory_space<vmem>>, %arg11: memref<128xi32, #tpu.memory_space<vmem>>, %arg12: memref<16xi32, #tpu.memory_space<vmem>>, %arg13: memref<128x128xf32, #tpu.memory_space<vmem>>, %arg14: memref<128x128xf32, #tpu.memory_space<vmem>>, %arg15: memref<10240x128xf32, #tpu.memory_space<vmem_shared>>, %arg16: memref<!tpu.dma_semaphore, #tpu.memory_space<semaphore_mem>>, %arg17: memref<!tpu.dma_semaphore, #tpu.memory_space<semaphore_mem>>, %arg18: memref<!tpu.dma_semaphore, #tpu.memory_space<semaphore_mem>>, %arg19: memref<!tpu.dma_semaphore, #tpu.memory_space<semaphore_mem>>) attributes {dimension_semantics = [#tpu.dimension_semantics<core_parallel>, #tpu.dimension_semantics<subcore_parallel>], iteration_bounds = array<i64: 2, 16>, scalar_prefetch = 0 : i64, scratch_operands = 12 : i64, tpu.core_type = #tpu.core_type<sc_vector_subcore>, window_params = [{transform_indices = #map}, {transform_indices = #map1}, {transform_indices = #map}, {transform_indices = #map1}, {transform_indices = #map}, {transform_indices = #map1}]} {
    %mul3A = arith.constant 16 : i32
    %mul3A_0 = arith.muli %arg0, %mul3A : i32
    %add3A = arith.addi %mul3A_0, %arg1 : i32
    %scan3A = arith.constant 0 : i32
    %scan3A_1 = arith.constant 128 : i32
    %scan3A_2 = arith.addi %scan3A, %scan3A_1 : i32
    %scan3A_3 = arith.constant 1 : i32
    scf.for %scan3A_45 = %scan3A to %scan3A_2 step %scan3A_3  : i32 {
      %mul3A_46 = arith.constant 1 : i32
      %mul3A_47 = arith.muli %scan3A_45, %mul3A_46 : i32
      %add3A_48 = arith.constant 0 : i32
      %add3A_49 = arith.addi %add3A_48, %mul3A_47 : i32
      %broadcast_in_dim3A = arith.constant 0.000000e+00 : f32
      %broadcast_in_dim3A_50 = vector.broadcast %broadcast_in_dim3A : f32 to vector<16xf32>
      %swap3A = arith.index_cast %add3A_49 : i32 to index
      %swap3A_51 = arith.constant 0 : index
      %swap3A_52 = tpu.vector_load %arg13[%swap3A, %swap3A_51] {strides = array<i32>} : memref<128x128xf32, #tpu.memory_space<vmem>>, vector<1x16xf32>,
      %swap3A_53 = vector.shape_cast %swap3A_52 : vector<1x16xf32> to vector<16xf32>
      %swap3A_54 = vector.shape_cast %broadcast_in_dim3A_50 : vector<16xf32> to vector<1x16xf32>
      tpu.vector_store %arg13[%swap3A, %swap3A_51], %swap3A_54 {strides = array<i32>} : memref<128x128xf32, #tpu.memory_space<vmem>>, vector<1x16xf32>,
      %broadcast_in_dim3A_55 = arith.constant 0.000000e+00 : f32
      %broadcast_in_dim3A_56 = vector.broadcast %broadcast_in_dim3A_55 : f32 to vector<16xf32>
      %swap3A_57 = arith.index_cast %add3A_49 : i32 to index
      %swap3A_58 = arith.constant 16 : index
      %swap3A_59 = tpu.vector_load %arg13[%swap3A_57, %swap3A_58] {strides = array<i32>} : memref<128x128xf32, #tpu.memory_space<vmem>>, vector<1x16xf32>,
      %swap3A_60 = vector.shape_cast %swap3A_59 : vector<1x16xf32> to vector<16xf32>
      %swap3A_61 = vector.shape_cast %broadcast_in_dim3A_56 : vector<16xf32> to vector<1x16xf32>
      tpu.vector_store %arg13[%swap3A_57, %swap3A_58], %swap3A_61 {strides = array<i32>} : memref<128x128xf32, #tpu.memory_space<vmem>>, vector<1x16xf32>,
      %broadcast_in_dim3A_62 = arith.constant 0.000000e+00 : f32
      %broadcast_in_dim3A_63 = vector.broadcast %broadcast_in_dim3A_62 : f32 to vector<16xf32>
      %swap3A_64 = arith.index_cast %add3A_49 : i32 to index
      %swap3A_65 = arith.constant 32 : index
      %swap3A_66 = tpu.vector_load %arg13[%swap3A_64, %swap3A_65] {strides = array<i32>} : memref<128x128xf32, #tpu.memory_space<vmem>>, vector<1x16xf32>,
      %swap3A_67 = vector.shape_cast %swap3A_66 : vector<1x16xf32> to vector<16xf32>
      %swap3A_68 = vector.shape_cast %broadcast_in_dim3A_63 : vector<16xf32> to vector<1x16xf32>
      tpu.vector_store %arg13[%swap3A_64, %swap3A_65], %swap3A_68 {strides = array<i32>} : memref<128x128xf32, #tpu.memory_space<vmem>>, vector<1x16xf32>,
      %broadcast_in_dim3A_69 = arith.constant 0.000000e+00 : f32
      %broadcast_in_dim3A_70 = vector.broadcast %broadcast_in_dim3A_69 : f32 to vector<16xf32>
      %swap3A_71 = arith.index_cast %add3A_49 : i32 to index
      %swap3A_72 = arith.constant 48 : index
      %swap3A_73 = tpu.vector_load %arg13[%swap3A_71, %swap3A_72] {strides = array<i32>} : memref<128x128xf32, #tpu.memory_space<vmem>>, vector<1x16xf32>,
      %swap3A_74 = vector.shape_cast %swap3A_73 : vector<1x16xf32> to vector<16xf32>
      %swap3A_75 = vector.shape_cast %broadcast_in_dim3A_70 : vector<16xf32> to vector<1x16xf32>
      tpu.vector_store %arg13[%swap3A_71, %swap3A_72], %swap3A_75 {strides = array<i32>} : memref<128x128xf32, #tpu.memory_space<vmem>>, vector<1x16xf32>,
      %broadcast_in_dim3A_76 = arith.constant 0.000000e+00 : f32
      %broadcast_in_dim3A_77 = vector.broadcast %broadcast_in_dim3A_76 : f32 to vector<16xf32>
      %swap3A_78 = arith.index_cast %add3A_49 : i32 to index
      %swap3A_79 = arith.constant 64 : index
      %swap3A_80 = tpu.vector_load %arg13[%swap3A_78, %swap3A_79] {strides = array<i32>} : memref<128x128xf32, #tpu.memory_space<vmem>>, vector<1x16xf32>,
      %swap3A_81 = vector.shape_cast %swap3A_80 : vector<1x16xf32> to vector<16xf32>
      %swap3A_82 = vector.shape_cast %broadcast_in_dim3A_77 : vector<16xf32> to vector<1x16xf32>
      tpu.vector_store %arg13[%swap3A_78, %swap3A_79], %swap3A_82 {strides = array<i32>} : memref<128x128xf32, #tpu.memory_space<vmem>>, vector<1x16xf32>,
      %broadcast_in_dim3A_83 = arith.constant 0.000000e+00 : f32
      %broadcast_in_dim3A_84 = vector.broadcast %broadcast_in_dim3A_83 : f32 to vector<16xf32>
      %swap3A_85 = arith.index_cast %add3A_49 : i32 to index
      %swap3A_86 = arith.constant 80 : index
      %swap3A_87 = tpu.vector_load %arg13[%swap3A_85, %swap3A_86] {strides = array<i32>} : memref<128x128xf32, #tpu.memory_space<vmem>>, vector<1x16xf32>,
      %swap3A_88 = vector.shape_cast %swap3A_87 : vector<1x16xf32> to vector<16xf32>
      %swap3A_89 = vector.shape_cast %broadcast_in_dim3A_84 : vector<16xf32> to vector<1x16xf32>
      tpu.vector_store %arg13[%swap3A_85, %swap3A_86], %swap3A_89 {strides = array<i32>} : memref<128x128xf32, #tpu.memory_space<vmem>>, vector<1x16xf32>,
      %broadcast_in_dim3A_90 = arith.constant 0.000000e+00 : f32
      %broadcast_in_dim3A_91 = vector.broadcast %broadcast_in_dim3A_90 : f32 to vector<16xf32>
      %swap3A_92 = arith.index_cast %add3A_49 : i32 to index
      %swap3A_93 = arith.constant 96 : index
      %swap3A_94 = tpu.vector_load %arg13[%swap3A_92, %swap3A_93] {strides = array<i32>} : memref<128x128xf32, #tpu.memory_space<vmem>>, vector<1x16xf32>,
      %swap3A_95 = vector.shape_cast %swap3A_94 : vector<1x16xf32> to vector<16xf32>
      %swap3A_96 = vector.shape_cast %broadcast_in_dim3A_91 : vector<16xf32> to vector<1x16xf32>
      tpu.vector_store %arg13[%swap3A_92, %swap3A_93], %swap3A_96 {strides = array<i32>} : memref<128x128xf32, #tpu.memory_space<vmem>>, vector<1x16xf32>,
      %broadcast_in_dim3A_97 = arith.constant 0.000000e+00 : f32
      %broadcast_in_dim3A_98 = vector.broadcast %broadcast_in_dim3A_97 : f32 to vector<16xf32>
      %swap3A_99 = arith.index_cast %add3A_49 : i32 to index
      %swap3A_100 = arith.constant 112 : index
      %swap3A_101 = tpu.vector_load %arg13[%swap3A_99, %swap3A_100] {strides = array<i32>} : memref<128x128xf32, #tpu.memory_space<vmem>>, vector<1x16xf32>,
      %swap3A_102 = vector.shape_cast %swap3A_101 : vector<1x16xf32> to vector<16xf32>
      %swap3A_103 = vector.shape_cast %broadcast_in_dim3A_98 : vector<16xf32> to vector<1x16xf32>
      tpu.vector_store %arg13[%swap3A_99, %swap3A_100], %swap3A_103 {strides = array<i32>} : memref<128x128xf32, #tpu.memory_space<vmem>>, vector<1x16xf32>,
    }
    %scan3A_4 = arith.constant 128 : i32
    %mul3A_5 = arith.constant 640 : i32
    %mul3A_6 = arith.muli %arg1, %mul3A_5 : i32
    %add3A_7 = arith.constant 0 : i32
    %add3A_8 = arith.addi %mul3A_6, %add3A_7 : i32
    "tpu.region"() ({
      %run_scoped3A = tpu.sem_alloc : memref<!tpu.dma_semaphore, #tpu.memory_space<semaphore_mem>>
      %dma_start3A_45 = arith.constant 0 : i32
      %dma_start3A_46 = tpu.memref_slice %arg15[%add3A_8, %dma_start3A_45] : memref<10240x128xf32, #tpu.memory_space<vmem_shared>> -> memref<128x128xf32, #tpu.memory_space<vmem_shared>>
      %dma_start3A_47 = arith.constant 0 : i32
      %dma_start3A_48 = tpu.memref_slice %arg15[%add3A_8, %dma_start3A_47] : memref<10240x128xf32, #tpu.memory_space<vmem_shared>> -> memref<128x128xf32, #tpu.memory_space<vmem_shared>>
      tpu.enqueue_dma source(%arg13 : memref<128x128xf32, #tpu.memory_space<vmem>>) target(%dma_start3A_48 : memref<128x128xf32, #tpu.memory_space<vmem_shared>>) target_semaphore(%run_scoped3A : memref<!tpu.dma_semaphore, #tpu.memory_space<semaphore_mem>>)
      %dma_wait3A_49 = arith.constant 0 : i32
      %dma_wait3A_50 = tpu.memref_slice %arg15[%add3A_8, %dma_wait3A_49] : memref<10240x128xf32, #tpu.memory_space<vmem_shared>> -> memref<128x128xf32, #tpu.memory_space<vmem_shared>>
      %dma_wait3A_51 = arith.constant 0 : i32
      %dma_wait3A_52 = tpu.memref_slice %arg15[%add3A_8, %dma_wait3A_51] : memref<10240x128xf32, #tpu.memory_space<vmem_shared>> -> memref<128x128xf32, #tpu.memory_space<vmem_shared>>
      tpu.wait_dma2 semaphore(%run_scoped3A : memref<!tpu.dma_semaphore, #tpu.memory_space<semaphore_mem>>) src(%arg13 : memref<128x128xf32, #tpu.memory_space<vmem>>) dst(%dma_wait3A_52 : memref<128x128xf32, #tpu.memory_space<vmem_shared>>)
      tpu.yield
    }) : () -> ()
    %mul3A_9 = arith.constant 640 : i32
    %mul3A_10 = arith.muli %arg1, %mul3A_9 : i32
    %add3A_11 = arith.constant 128 : i32
    %add3A_12 = arith.addi %mul3A_10, %add3A_11 : i32
    "tpu.region"() ({
      %run_scoped3A = tpu.sem_alloc : memref<!tpu.dma_semaphore, #tpu.memory_space<semaphore_mem>>
      %dma_start3A_45 = arith.constant 0 : i32
      %dma_start3A_46 = tpu.memref_slice %arg15[%add3A_12, %dma_start3A_45] : memref<10240x128xf32, #tpu.memory_space<vmem_shared>> -> memref<128x128xf32, #tpu.memory_space<vmem_shared>>
      %dma_start3A_47 = arith.constant 0 : i32
      %dma_start3A_48 = tpu.memref_slice %arg15[%add3A_12, %dma_start3A_47] : memref<10240x128xf32, #tpu.memory_space<vmem_shared>> -> memref<128x128xf32, #tpu.memory_space<vmem_shared>>
      tpu.enqueue_dma source(%arg13 : memref<128x128xf32, #tpu.memory_space<vmem>>) target(%dma_start3A_48 : memref<128x128xf32, #tpu.memory_space<vmem_shared>>) target_semaphore(%run_scoped3A : memref<!tpu.dma_semaphore, #tpu.memory_space<semaphore_mem>>)
      %dma_wait3A_49 = arith.constant 0 : i32
      %dma_wait3A_50 = tpu.memref_slice %arg15[%add3A_12, %dma_wait3A_49] : memref<10240x128xf32, #tpu.memory_space<vmem_shared>> -> memref<128x128xf32, #tpu.memory_space<vmem_shared>>
      %dma_wait3A_51 = arith.constant 0 : i32
      %dma_wait3A_52 = tpu.memref_slice %arg15[%add3A_12, %dma_wait3A_51] : memref<10240x128xf32, #tpu.memory_space<vmem_shared>> -> memref<128x128xf32, #tpu.memory_space<vmem_shared>>
      tpu.wait_dma2 semaphore(%run_scoped3A : memref<!tpu.dma_semaphore, #tpu.memory_space<semaphore_mem>>) src(%arg13 : memref<128x128xf32, #tpu.memory_space<vmem>>) dst(%dma_wait3A_52 : memref<128x128xf32, #tpu.memory_space<vmem_shared>>)
      tpu.yield
    }) : () -> ()
    %mul3A_13 = arith.constant 640 : i32
    %mul3A_14 = arith.muli %arg1, %mul3A_13 : i32
    %add3A_15 = arith.constant 256 : i32
    %add3A_16 = arith.addi %mul3A_14, %add3A_15 : i32
    "tpu.region"() ({
      %run_scoped3A = tpu.sem_alloc : memref<!tpu.dma_semaphore, #tpu.memory_space<semaphore_mem>>
      %dma_start3A_45 = arith.constant 0 : i32
      %dma_start3A_46 = tpu.memref_slice %arg15[%add3A_16, %dma_start3A_45] : memref<10240x128xf32, #tpu.memory_space<vmem_shared>> -> memref<128x128xf32, #tpu.memory_space<vmem_shared>>
      %dma_start3A_47 = arith.constant 0 : i32
      %dma_start3A_48 = tpu.memref_slice %arg15[%add3A_16, %dma_start3A_47] : memref<10240x128xf32, #tpu.memory_space<vmem_shared>> -> memref<128x128xf32, #tpu.memory_space<vmem_shared>>
      tpu.enqueue_dma source(%arg13 : memref<128x128xf32, #tpu.memory_space<vmem>>) target(%dma_start3A_48 : memref<128x128xf32, #tpu.memory_space<vmem_shared>>) target_semaphore(%run_scoped3A : memref<!tpu.dma_semaphore, #tpu.memory_space<semaphore_mem>>)
      %dma_wait3A_49 = arith.constant 0 : i32
      %dma_wait3A_50 = tpu.memref_slice %arg15[%add3A_16, %dma_wait3A_49] : memref<10240x128xf32, #tpu.memory_space<vmem_shared>> -> memref<128x128xf32, #tpu.memory_space<vmem_shared>>
      %dma_wait3A_51 = arith.constant 0 : i32
      %dma_wait3A_52 = tpu.memref_slice %arg15[%add3A_16, %dma_wait3A_51] : memref<10240x128xf32, #tpu.memory_space<vmem_shared>> -> memref<128x128xf32, #tpu.memory_space<vmem_shared>>
      tpu.wait_dma2 semaphore(%run_scoped3A : memref<!tpu.dma_semaphore, #tpu.memory_space<semaphore_mem>>) src(%arg13 : memref<128x128xf32, #tpu.memory_space<vmem>>) dst(%dma_wait3A_52 : memref<128x128xf32, #tpu.memory_space<vmem_shared>>)
      tpu.yield
    }) : () -> ()
    %mul3A_17 = arith.constant 640 : i32
    %mul3A_18 = arith.muli %arg1, %mul3A_17 : i32
    %add3A_19 = arith.constant 384 : i32
    %add3A_20 = arith.addi %mul3A_18, %add3A_19 : i32
    "tpu.region"() ({
      %run_scoped3A = tpu.sem_alloc : memref<!tpu.dma_semaphore, #tpu.memory_space<semaphore_mem>>
      %dma_start3A_45 = arith.constant 0 : i32
      %dma_start3A_46 = tpu.memref_slice %arg15[%add3A_20, %dma_start3A_45] : memref<10240x128xf32, #tpu.memory_space<vmem_shared>> -> memref<128x128xf32, #tpu.memory_space<vmem_shared>>
      %dma_start3A_47 = arith.constant 0 : i32
      %dma_start3A_48 = tpu.memref_slice %arg15[%add3A_20, %dma_start3A_47] : memref<10240x128xf32, #tpu.memory_space<vmem_shared>> -> memref<128x128xf32, #tpu.memory_space<vmem_shared>>
      tpu.enqueue_dma source(%arg13 : memref<128x128xf32, #tpu.memory_space<vmem>>) target(%dma_start3A_48 : memref<128x128xf32, #tpu.memory_space<vmem_shared>>) target_semaphore(%run_scoped3A : memref<!tpu.dma_semaphore, #tpu.memory_space<semaphore_mem>>)
      %dma_wait3A_49 = arith.constant 0 : i32
      %dma_wait3A_50 = tpu.memref_slice %arg15[%add3A_20, %dma_wait3A_49] : memref<10240x128xf32, #tpu.memory_space<vmem_shared>> -> memref<128x128xf32, #tpu.memory_space<vmem_shared>>
      %dma_wait3A_51 = arith.constant 0 : i32
      %dma_wait3A_52 = tpu.memref_slice %arg15[%add3A_20, %dma_wait3A_51] : memref<10240x128xf32, #tpu.memory_space<vmem_shared>> -> memref<128x128xf32, #tpu.memory_space<vmem_shared>>
      tpu.wait_dma2 semaphore(%run_scoped3A : memref<!tpu.dma_semaphore, #tpu.memory_space<semaphore_mem>>) src(%arg13 : memref<128x128xf32, #tpu.memory_space<vmem>>) dst(%dma_wait3A_52 : memref<128x128xf32, #tpu.memory_space<vmem_shared>>)
      tpu.yield
    }) : () -> ()
    %mul3A_21 = arith.constant 640 : i32
    %mul3A_22 = arith.muli %arg1, %mul3A_21 : i32
    %add3A_23 = arith.constant 512 : i32
    %add3A_24 = arith.addi %mul3A_22, %add3A_23 : i32
    "tpu.region"() ({
      %run_scoped3A = tpu.sem_alloc : memref<!tpu.dma_semaphore, #tpu.memory_space<semaphore_mem>>
      %dma_start3A_45 = arith.constant 0 : i32
      %dma_start3A_46 = tpu.memref_slice %arg15[%add3A_24, %dma_start3A_45] : memref<10240x128xf32, #tpu.memory_space<vmem_shared>> -> memref<128x128xf32, #tpu.memory_space<vmem_shared>>
      %dma_start3A_47 = arith.constant 0 : i32
      %dma_start3A_48 = tpu.memref_slice %arg15[%add3A_24, %dma_start3A_47] : memref<10240x128xf32, #tpu.memory_space<vmem_shared>> -> memref<128x128xf32, #tpu.memory_space<vmem_shared>>
      tpu.enqueue_dma source(%arg13 : memref<128x128xf32, #tpu.memory_space<vmem>>) target(%dma_start3A_48 : memref<128x128xf32, #tpu.memory_space<vmem_shared>>) target_semaphore(%run_scoped3A : memref<!tpu.dma_semaphore, #tpu.memory_space<semaphore_mem>>)
      %dma_wait3A_49 = arith.constant 0 : i32
      %dma_wait3A_50 = tpu.memref_slice %arg15[%add3A_24, %dma_wait3A_49] : memref<10240x128xf32, #tpu.memory_space<vmem_shared>> -> memref<128x128xf32, #tpu.memory_space<vmem_shared>>
      %dma_wait3A_51 = arith.constant 0 : i32
      %dma_wait3A_52 = tpu.memref_slice %arg15[%add3A_24, %dma_wait3A_51] : memref<10240x128xf32, #tpu.memory_space<vmem_shared>> -> memref<128x128xf32, #tpu.memory_space<vmem_shared>>
      tpu.wait_dma2 semaphore(%run_scoped3A : memref<!tpu.dma_semaphore, #tpu.memory_space<semaphore_mem>>) src(%arg13 : memref<128x128xf32, #tpu.memory_space<vmem>>) dst(%dma_wait3A_52 : memref<128x128xf32, #tpu.memory_space<vmem_shared>>)
      tpu.yield
    }) : () -> ()
    %barrier3A = arith.constant 0 : index
    tpu.barrier barrier_id(%barrier3A)
    "tpu.region"() ({
      %run_scoped3A = tpu.sem_alloc : memref<!tpu.dma_semaphore, #tpu.memory_space<semaphore_mem>>
      %dma_start3A_45 = arith.constant 0 : i32
      %dma_start3A_46 = arith.constant 0 : i32
      %dma_start3A_47 = tpu.memref_slice %arg3[%add3A, %dma_start3A_45, %dma_start3A_46] : memref<32x78x128xi32, #tpu.memory_space<hbm>> -> memref<1x78x128xi32, #tpu.memory_space<hbm>>
      %dma_start3A_48 = tpu.memref_squeeze %dma_start3A_47 : memref<1x78x128xi32, #tpu.memory_space<hbm>> -> memref<78x128xi32, #tpu.memory_space<hbm>>
      %dma_start3A_49 = arith.constant 0 : i32
      %dma_start3A_50 = arith.constant 0 : i32
      %dma_start3A_51 = tpu.memref_slice %arg3[%add3A, %dma_start3A_49, %dma_start3A_50] : memref<32x78x128xi32, #tpu.memory_space<hbm>> -> memref<1x78x128xi32, #tpu.memory_space<hbm>>
      %dma_start3A_52 = tpu.memref_squeeze %dma_start3A_51 : memref<1x78x128xi32, #tpu.memory_space<hbm>> -> memref<78x128xi32, #tpu.memory_space<hbm>>
      tpu.enqueue_dma source(%dma_start3A_52 : memref<78x128xi32, #tpu.memory_space<hbm>>) target(%arg8 : memref<78x128xi32, #tpu.memory_space<vmem>>) target_semaphore(%run_scoped3A : memref<!tpu.dma_semaphore, #tpu.memory_space<semaphore_mem>>)
      %dma_wait3A_53 = arith.constant 0 : i32
      %dma_wait3A_54 = arith.constant 0 : i32
      %dma_wait3A_55 = tpu.memref_slice %arg3[%add3A, %dma_wait3A_53, %dma_wait3A_54] : memref<32x78x128xi32, #tpu.memory_space<hbm>> -> memref<1x78x128xi32, #tpu.memory_space<hbm>>
      %dma_wait3A_56 = tpu.memref_squeeze %dma_wait3A_55 : memref<1x78x128xi32, #tpu.memory_space<hbm>> -> memref<78x128xi32, #tpu.memory_space<hbm>>
      %dma_wait3A_57 = arith.constant 0 : i32
      %dma_wait3A_58 = arith.constant 0 : i32
      %dma_wait3A_59 = tpu.memref_slice %arg3[%add3A, %dma_wait3A_57, %dma_wait3A_58] : memref<32x78x128xi32, #tpu.memory_space<hbm>> -> memref<1x78x128xi32, #tpu.memory_space<hbm>>
      %dma_wait3A_60 = tpu.memref_squeeze %dma_wait3A_59 : memref<1x78x128xi32, #tpu.memory_space<hbm>> -> memref<78x128xi32, #tpu.memory_space<hbm>>
      tpu.wait_dma2 semaphore(%run_scoped3A : memref<!tpu.dma_semaphore, #tpu.memory_space<semaphore_mem>>) src(%dma_wait3A_60 : memref<78x128xi32, #tpu.memory_space<hbm>>) dst(%arg8 : memref<78x128xi32, #tpu.memory_space<vmem>>)
      tpu.yield
    }) : () -> ()
    "tpu.region"() ({
      %run_scoped3A = tpu.sem_alloc : memref<!tpu.dma_semaphore, #tpu.memory_space<semaphore_mem>>
      %dma_start3A_45 = arith.constant 0 : i32
      %dma_start3A_46 = tpu.memref_slice %arg4[%add3A, %dma_start3A_45] : memref<32x16xi32, #tpu.memory_space<hbm>> -> memref<1x16xi32, #tpu.memory_space<hbm>>
      %dma_start3A_47 = tpu.memref_squeeze %dma_start3A_46 : memref<1x16xi32, #tpu.memory_space<hbm>> -> memref<16xi32, #tpu.memory_space<hbm>>
      %dma_start3A_48 = arith.constant 0 : i32
      %dma_start3A_49 = tpu.memref_slice %arg4[%add3A, %dma_start3A_48] : memref<32x16xi32, #tpu.memory_space<hbm>> -> memref<1x16xi32, #tpu.memory_space<hbm>>
      %dma_start3A_50 = tpu.memref_squeeze %dma_start3A_49 : memref<1x16xi32, #tpu.memory_space<hbm>> -> memref<16xi32, #tpu.memory_space<hbm>>
      tpu.enqueue_dma source(%dma_start3A_50 : memref<16xi32, #tpu.memory_space<hbm>>) target(%arg9 : memref<16xi32, #tpu.memory_space<vmem>>) target_semaphore(%run_scoped3A : memref<!tpu.dma_semaphore, #tpu.memory_space<semaphore_mem>>)
      %dma_wait3A_51 = arith.constant 0 : i32
      %dma_wait3A_52 = tpu.memref_slice %arg4[%add3A, %dma_wait3A_51] : memref<32x16xi32, #tpu.memory_space<hbm>> -> memref<1x16xi32, #tpu.memory_space<hbm>>
      %dma_wait3A_53 = tpu.memref_squeeze %dma_wait3A_52 : memref<1x16xi32, #tpu.memory_space<hbm>> -> memref<16xi32, #tpu.memory_space<hbm>>
      %dma_wait3A_54 = arith.constant 0 : i32
      %dma_wait3A_55 = tpu.memref_slice %arg4[%add3A, %dma_wait3A_54] : memref<32x16xi32, #tpu.memory_space<hbm>> -> memref<1x16xi32, #tpu.memory_space<hbm>>
      %dma_wait3A_56 = tpu.memref_squeeze %dma_wait3A_55 : memref<1x16xi32, #tpu.memory_space<hbm>> -> memref<16xi32, #tpu.memory_space<hbm>>
      tpu.wait_dma2 semaphore(%run_scoped3A : memref<!tpu.dma_semaphore, #tpu.memory_space<semaphore_mem>>) src(%dma_wait3A_56 : memref<16xi32, #tpu.memory_space<hbm>>) dst(%arg9 : memref<16xi32, #tpu.memory_space<vmem>>)
      tpu.yield
    }) : () -> ()
    %scan3A_25 = arith.constant 0 : i32
    %scan3A_26 = arith.constant 39 : i32
    %scan3A_27 = arith.addi %scan3A_25, %scan3A_26 : i32
    %scan3A_28 = arith.constant 1 : i32
    scf.for %scan3A_45 = %scan3A_25 to %scan3A_27 step %scan3A_28  : i32 {
      %mul3A_46 = arith.constant 1 : i32
      %mul3A_47 = arith.muli %scan3A_45, %mul3A_46 : i32
      %add3A_48 = arith.constant 0 : i32
      %add3A_49 = arith.addi %add3A_48, %mul3A_47 : i32
      %mul3A_50 = arith.constant 2 : i32
      %mul3A_51 = arith.muli %mul3A_50, %add3A_49 : i32
      %dma_start3A_52 = arith.constant 0 : i32
      %dma_start3A_53 = tpu.memref_slice %arg8[%mul3A_51, %dma_start3A_52] : memref<78x128xi32, #tpu.memory_space<vmem>> -> memref<1x128xi32, #tpu.memory_space<vmem>>
      %dma_start3A_54 = tpu.memref_squeeze %dma_start3A_53 : memref<1x128xi32, #tpu.memory_space<vmem>> -> memref<128xi32, #tpu.memory_space<vmem>>
      %dma_start3A_55 = arith.constant 0 : i32
      %dma_start3A_56 = arith.constant 0 : i32
      %dma_start3A_57 = tpu.memref_slice %arg2[%dma_start3A_55, %dma_start3A_56] : memref<10000x128xf32, #tpu.memory_space<hbm>> -> memref<10000x128xf32, #tpu.memory_space<hbm>>
      tpu.enqueue_indirect_dma source(%dma_start3A_57 : memref<10000x128xf32, #tpu.memory_space<hbm>>) target(%arg13 : memref<128x128xf32, #tpu.memory_space<vmem>>) offsets(%dma_start3A_54 : memref<128xi32, #tpu.memory_space<vmem>>) semaphore(%arg16 : memref<!tpu.dma_semaphore, #tpu.memory_space<semaphore_mem>>)
      %add3A_58 = arith.constant 1 : i32
      %add3A_59 = arith.addi %mul3A_51, %add3A_58 : i32
      %dma_start3A_60 = arith.constant 0 : i32
      %dma_start3A_61 = tpu.memref_slice %arg8[%add3A_59, %dma_start3A_60] : memref<78x128xi32, #tpu.memory_space<vmem>> -> memref<1x128xi32, #tpu.memory_space<vmem>>
      %dma_start3A_62 = tpu.memref_squeeze %dma_start3A_61 : memref<1x128xi32, #tpu.memory_space<vmem>> -> memref<128xi32, #tpu.memory_space<vmem>>
      %dma_start3A_63 = arith.constant 0 : i32
      %dma_start3A_64 = arith.constant 0 : i32
      %dma_start3A_65 = tpu.memref_slice %arg2[%dma_start3A_63, %dma_start3A_64] : memref<10000x128xf32, #tpu.memory_space<hbm>> -> memref<10000x128xf32, #tpu.memory_space<hbm>>
      tpu.enqueue_indirect_dma source(%dma_start3A_65 : memref<10000x128xf32, #tpu.memory_space<hbm>>) target(%arg14 : memref<128x128xf32, #tpu.memory_space<vmem>>) offsets(%dma_start3A_62 : memref<128xi32, #tpu.memory_space<vmem>>) semaphore(%arg17 : memref<!tpu.dma_semaphore, #tpu.memory_space<semaphore_mem>>)
      "tpu.region"() ({
        %run_scoped3A = tpu.sem_alloc : memref<!tpu.dma_semaphore, #tpu.memory_space<semaphore_mem>>
        %dma_start3A_92 = arith.constant 0 : i32
        %dma_start3A_93 = tpu.memref_slice %arg5[%add3A, %mul3A_51, %dma_start3A_92] : memref<32x78x128xi32, #tpu.memory_space<hbm>> -> memref<1x1x128xi32, #tpu.memory_space<hbm>>
        %dma_start3A_94 = tpu.memref_squeeze %dma_start3A_93 : memref<1x1x128xi32, #tpu.memory_space<hbm>> -> memref<128xi32, #tpu.memory_space<hbm>>
        %dma_start3A_95 = arith.constant 0 : i32
        %dma_start3A_96 = tpu.memref_slice %arg5[%add3A, %mul3A_51, %dma_start3A_95] : memref<32x78x128xi32, #tpu.memory_space<hbm>> -> memref<1x1x128xi32, #tpu.memory_space<hbm>>
        %dma_start3A_97 = tpu.memref_squeeze %dma_start3A_96 : memref<1x1x128xi32, #tpu.memory_space<hbm>> -> memref<128xi32, #tpu.memory_space<hbm>>
        tpu.enqueue_dma source(%dma_start3A_97 : memref<128xi32, #tpu.memory_space<hbm>>) target(%arg10 : memref<128xi32, #tpu.memory_space<vmem>>) target_semaphore(%run_scoped3A : memref<!tpu.dma_semaphore, #tpu.memory_space<semaphore_mem>>)
        %dma_wait3A_98 = arith.constant 0 : i32
        %dma_wait3A_99 = tpu.memref_slice %arg5[%add3A, %mul3A_51, %dma_wait3A_98] : memref<32x78x128xi32, #tpu.memory_space<hbm>> -> memref<1x1x128xi32, #tpu.memory_space<hbm>>
        %dma_wait3A_100 = tpu.memref_squeeze %dma_wait3A_99 : memref<1x1x128xi32, #tpu.memory_space<hbm>> -> memref<128xi32, #tpu.memory_space<hbm>>
        %dma_wait3A_101 = arith.constant 0 : i32
        %dma_wait3A_102 = tpu.memref_slice %arg5[%add3A, %mul3A_51, %dma_wait3A_101] : memref<32x78x128xi32, #tpu.memory_space<hbm>> -> memref<1x1x128xi32, #tpu.memory_space<hbm>>
        %dma_wait3A_103 = tpu.memref_squeeze %dma_wait3A_102 : memref<1x1x128xi32, #tpu.memory_space<hbm>> -> memref<128xi32, #tpu.memory_space<hbm>>
        tpu.wait_dma2 semaphore(%run_scoped3A : memref<!tpu.dma_semaphore, #tpu.memory_space<semaphore_mem>>) src(%dma_wait3A_103 : memref<128xi32, #tpu.memory_space<hbm>>) dst(%arg10 : memref<128xi32, #tpu.memory_space<vmem>>)
        tpu.yield
      }) : () -> ()
      %add3A_66 = arith.constant 1 : i32
      %add3A_67 = arith.addi %mul3A_51, %add3A_66 : i32
      "tpu.region"() ({
        %run_scoped3A = tpu.sem_alloc : memref<!tpu.dma_semaphore, #tpu.memory_space<semaphore_mem>>
        %dma_start3A_92 = arith.constant 0 : i32
        %dma_start3A_93 = tpu.memref_slice %arg5[%add3A, %add3A_67, %dma_start3A_92] : memref<32x78x128xi32, #tpu.memory_space<hbm>> -> memref<1x1x128xi32, #tpu.memory_space<hbm>>
        %dma_start3A_94 = tpu.memref_squeeze %dma_start3A_93 : memref<1x1x128xi32, #tpu.memory_space<hbm>> -> memref<128xi32, #tpu.memory_space<hbm>>
        %dma_start3A_95 = arith.constant 0 : i32
        %dma_start3A_96 = tpu.memref_slice %arg5[%add3A, %add3A_67, %dma_start3A_95] : memref<32x78x128xi32, #tpu.memory_space<hbm>> -> memref<1x1x128xi32, #tpu.memory_space<hbm>>
        %dma_start3A_97 = tpu.memref_squeeze %dma_start3A_96 : memref<1x1x128xi32, #tpu.memory_space<hbm>> -> memref<128xi32, #tpu.memory_space<hbm>>
        tpu.enqueue_dma source(%dma_start3A_97 : memref<128xi32, #tpu.memory_space<hbm>>) target(%arg11 : memref<128xi32, #tpu.memory_space<vmem>>) target_semaphore(%run_scoped3A : memref<!tpu.dma_semaphore, #tpu.memory_space<semaphore_mem>>)
        %dma_wait3A_98 = arith.constant 0 : i32
        %dma_wait3A_99 = tpu.memref_slice %arg5[%add3A, %add3A_67, %dma_wait3A_98] : memref<32x78x128xi32, #tpu.memory_space<hbm>> -> memref<1x1x128xi32, #tpu.memory_space<hbm>>
        %dma_wait3A_100 = tpu.memref_squeeze %dma_wait3A_99 : memref<1x1x128xi32, #tpu.memory_space<hbm>> -> memref<128xi32, #tpu.memory_space<hbm>>
        %dma_wait3A_101 = arith.constant 0 : i32
        %dma_wait3A_102 = tpu.memref_slice %arg5[%add3A, %add3A_67, %dma_wait3A_101] : memref<32x78x128xi32, #tpu.memory_space<hbm>> -> memref<1x1x128xi32, #tpu.memory_space<hbm>>
        %dma_wait3A_103 = tpu.memref_squeeze %dma_wait3A_102 : memref<1x1x128xi32, #tpu.memory_space<hbm>> -> memref<128xi32, #tpu.memory_space<hbm>>
        tpu.wait_dma2 semaphore(%run_scoped3A : memref<!tpu.dma_semaphore, #tpu.memory_space<semaphore_mem>>) src(%dma_wait3A_103 : memref<128xi32, #tpu.memory_space<hbm>>) dst(%arg11 : memref<128xi32, #tpu.memory_space<vmem>>)
        tpu.yield
      }) : () -> ()
      %dma_wait3A_68 = arith.constant 0 : i32
      %dma_wait3A_69 = tpu.memref_slice %arg8[%mul3A_51, %dma_wait3A_68] : memref<78x128xi32, #tpu.memory_space<vmem>> -> memref<1x128xi32, #tpu.memory_space<vmem>>
      %dma_wait3A_70 = tpu.memref_squeeze %dma_wait3A_69 : memref<1x128xi32, #tpu.memory_space<vmem>> -> memref<128xi32, #tpu.memory_space<vmem>>
      %dma_wait3A_71 = arith.constant 0 : i32
      %dma_wait3A_72 = arith.constant 0 : i32
      %dma_wait3A_73 = tpu.memref_slice %arg2[%dma_wait3A_71, %dma_wait3A_72] : memref<10000x128xf32, #tpu.memory_space<hbm>> -> memref<10000x128xf32, #tpu.memory_space<hbm>>
      tpu.wait_indirect_dma semaphore(%arg16 : memref<!tpu.dma_semaphore, #tpu.memory_space<semaphore_mem>>) src(%dma_wait3A_73 : memref<10000x128xf32, #tpu.memory_space<hbm>>) dst(%arg13 : memref<128x128xf32, #tpu.memory_space<vmem>>)
      %dma_wait3A_74 = arith.constant 0 : i32
      %dma_wait3A_75 = tpu.memref_slice %arg8[%add3A_59, %dma_wait3A_74] : memref<78x128xi32, #tpu.memory_space<vmem>> -> memref<1x128xi32, #tpu.memory_space<vmem>>
      %dma_wait3A_76 = tpu.memref_squeeze %dma_wait3A_75 : memref<1x128xi32, #tpu.memory_space<vmem>> -> memref<128xi32, #tpu.memory_space<vmem>>
      %dma_wait3A_77 = arith.constant 0 : i32
      %dma_wait3A_78 = arith.constant 0 : i32
      %dma_wait3A_79 = tpu.memref_slice %arg2[%dma_wait3A_77, %dma_wait3A_78] : memref<10000x128xf32, #tpu.memory_space<hbm>> -> memref<10000x128xf32, #tpu.memory_space<hbm>>
      tpu.wait_indirect_dma semaphore(%arg17 : memref<!tpu.dma_semaphore, #tpu.memory_space<semaphore_mem>>) src(%dma_wait3A_79 : memref<10000x128xf32, #tpu.memory_space<hbm>>) dst(%arg14 : memref<128x128xf32, #tpu.memory_space<vmem>>)
      %dma_start3A_80 = arith.constant 0 : i32
      %dma_start3A_81 = arith.constant 0 : i32
      %dma_start3A_82 = tpu.memref_slice %arg15[%dma_start3A_80, %dma_start3A_81] : memref<10240x128xf32, #tpu.memory_space<vmem_shared>> -> memref<10240x128xf32, #tpu.memory_space<vmem_shared>>
      tpu.enqueue_indirect_dma source(%arg13 : memref<128x128xf32, #tpu.memory_space<vmem>>) target(%dma_start3A_82 : memref<10240x128xf32, #tpu.memory_space<vmem_shared>>) offsets(%arg10 : memref<128xi32, #tpu.memory_space<vmem>>) semaphore(%arg18 : memref<!tpu.dma_semaphore, #tpu.memory_space<semaphore_mem>>) {add = true}
      %dma_start3A_83 = arith.constant 0 : i32
      %dma_start3A_84 = arith.constant 0 : i32
      %dma_start3A_85 = tpu.memref_slice %arg15[%dma_start3A_83, %dma_start3A_84] : memref<10240x128xf32, #tpu.memory_space<vmem_shared>> -> memref<10240x128xf32, #tpu.memory_space<vmem_shared>>
      tpu.enqueue_indirect_dma source(%arg14 : memref<128x128xf32, #tpu.memory_space<vmem>>) target(%dma_start3A_85 : memref<10240x128xf32, #tpu.memory_space<vmem_shared>>) offsets(%arg11 : memref<128xi32, #tpu.memory_space<vmem>>) semaphore(%arg19 : memref<!tpu.dma_semaphore, #tpu.memory_space<semaphore_mem>>) {add = true}
      %dma_wait3A_86 = arith.constant 0 : i32
      %dma_wait3A_87 = arith.constant 0 : i32
      %dma_wait3A_88 = tpu.memref_slice %arg15[%dma_wait3A_86, %dma_wait3A_87] : memref<10240x128xf32, #tpu.memory_space<vmem_shared>> -> memref<10240x128xf32, #tpu.memory_space<vmem_shared>>
      tpu.wait_indirect_dma semaphore(%arg18 : memref<!tpu.dma_semaphore, #tpu.memory_space<semaphore_mem>>) src(%arg13 : memref<128x128xf32, #tpu.memory_space<vmem>>) dst(%dma_wait3A_88 : memref<10240x128xf32, #tpu.memory_space<vmem_shared>>)
      %dma_wait3A_89 = arith.constant 0 : i32
      %dma_wait3A_90 = arith.constant 0 : i32
      %dma_wait3A_91 = tpu.memref_slice %arg15[%dma_wait3A_89, %dma_wait3A_90] : memref<10240x128xf32, #tpu.memory_space<vmem_shared>> -> memref<10240x128xf32, #tpu.memory_space<vmem_shared>>
      tpu.wait_indirect_dma semaphore(%arg19 : memref<!tpu.dma_semaphore, #tpu.memory_space<semaphore_mem>>) src(%arg14 : memref<128x128xf32, #tpu.memory_space<vmem>>) dst(%dma_wait3A_91 : memref<10240x128xf32, #tpu.memory_space<vmem_shared>>)
    }
    %scan3A_29 = arith.constant 39 : i32
    "tpu.region"() ({
      %run_scoped3A = tpu.sem_alloc : memref<!tpu.dma_semaphore, #tpu.memory_space<semaphore_mem>>
      %dma_start3A_45 = arith.constant 0 : i32
      %dma_start3A_46 = tpu.memref_slice %arg6[%add3A, %dma_start3A_45] : memref<32x16xi32, #tpu.memory_space<hbm>> -> memref<1x16xi32, #tpu.memory_space<hbm>>
      %dma_start3A_47 = tpu.memref_squeeze %dma_start3A_46 : memref<1x16xi32, #tpu.memory_space<hbm>> -> memref<16xi32, #tpu.memory_space<hbm>>
      %dma_start3A_48 = arith.constant 0 : i32
      %dma_start3A_49 = tpu.memref_slice %arg6[%add3A, %dma_start3A_48] : memref<32x16xi32, #tpu.memory_space<hbm>> -> memref<1x16xi32, #tpu.memory_space<hbm>>
      %dma_start3A_50 = tpu.memref_squeeze %dma_start3A_49 : memref<1x16xi32, #tpu.memory_space<hbm>> -> memref<16xi32, #tpu.memory_space<hbm>>
      tpu.enqueue_dma source(%dma_start3A_50 : memref<16xi32, #tpu.memory_space<hbm>>) target(%arg12 : memref<16xi32, #tpu.memory_space<vmem>>) target_semaphore(%run_scoped3A : memref<!tpu.dma_semaphore, #tpu.memory_space<semaphore_mem>>)
      %dma_wait3A_51 = arith.constant 0 : i32
      %dma_wait3A_52 = tpu.memref_slice %arg6[%add3A, %dma_wait3A_51] : memref<32x16xi32, #tpu.memory_space<hbm>> -> memref<1x16xi32, #tpu.memory_space<hbm>>
      %dma_wait3A_53 = tpu.memref_squeeze %dma_wait3A_52 : memref<1x16xi32, #tpu.memory_space<hbm>> -> memref<16xi32, #tpu.memory_space<hbm>>
      %dma_wait3A_54 = arith.constant 0 : i32
      %dma_wait3A_55 = tpu.memref_slice %arg6[%add3A, %dma_wait3A_54] : memref<32x16xi32, #tpu.memory_space<hbm>> -> memref<1x16xi32, #tpu.memory_space<hbm>>
      %dma_wait3A_56 = tpu.memref_squeeze %dma_wait3A_55 : memref<1x16xi32, #tpu.memory_space<hbm>> -> memref<16xi32, #tpu.memory_space<hbm>>
      tpu.wait_dma2 semaphore(%run_scoped3A : memref<!tpu.dma_semaphore, #tpu.memory_space<semaphore_mem>>) src(%dma_wait3A_56 : memref<16xi32, #tpu.memory_space<hbm>>) dst(%arg12 : memref<16xi32, #tpu.memory_space<vmem>>)
      tpu.yield
    }) : () -> ()
    %dma_start3A = arith.constant 0 : i32
    %dma_start3A_30 = arith.constant 0 : i32
    %dma_start3A_31 = tpu.memref_slice %arg13[%dma_start3A, %dma_start3A_30] : memref<128x128xf32, #tpu.memory_space<vmem>> -> memref<16x128xf32, #tpu.memory_space<vmem>>
    %dma_start3A_32 = arith.constant 0 : i32
    %dma_start3A_33 = arith.constant 0 : i32
    %dma_start3A_34 = tpu.memref_slice %arg2[%dma_start3A_32, %dma_start3A_33] : memref<10000x128xf32, #tpu.memory_space<hbm>> -> memref<10000x128xf32, #tpu.memory_space<hbm>>
    tpu.enqueue_indirect_dma source(%dma_start3A_34 : memref<10000x128xf32, #tpu.memory_space<hbm>>) target(%dma_start3A_31 : memref<16x128xf32, #tpu.memory_space<vmem>>) offsets(%arg9 : memref<16xi32, #tpu.memory_space<vmem>>) semaphore(%arg16 : memref<!tpu.dma_semaphore, #tpu.memory_space<semaphore_mem>>)
    %dma_wait3A = arith.constant 0 : i32
    %dma_wait3A_35 = arith.constant 0 : i32
    %dma_wait3A_36 = tpu.memref_slice %arg13[%dma_wait3A, %dma_wait3A_35] : memref<128x128xf32, #tpu.memory_space<vmem>> -> memref<16x128xf32, #tpu.memory_space<vmem>>
    %dma_wait3A_37 = arith.constant 0 : i32
    %dma_wait3A_38 = arith.constant 0 : i32
    %dma_wait3A_39 = tpu.memref_slice %arg2[%dma_wait3A_37, %dma_wait3A_38] : memref<10000x128xf32, #tpu.memory_space<hbm>> -> memref<10000x128xf32, #tpu.memory_space<hbm>>
    tpu.wait_indirect_dma semaphore(%arg16 : memref<!tpu.dma_semaphore, #tpu.memory_space<semaphore_mem>>) src(%dma_wait3A_39 : memref<10000x128xf32, #tpu.memory_space<hbm>>) dst(%dma_wait3A_36 : memref<16x128xf32, #tpu.memory_space<vmem>>)
    "tpu.region"() ({
      %run_scoped3A = tpu.sem_alloc : memref<!tpu.dma_semaphore, #tpu.memory_space<semaphore_mem>>
      %dma_start3A_45 = arith.constant 0 : i32
      %dma_start3A_46 = arith.constant 0 : i32
      %dma_start3A_47 = tpu.memref_slice %arg13[%dma_start3A_45, %dma_start3A_46] : memref<128x128xf32, #tpu.memory_space<vmem>> -> memref<16x128xf32, #tpu.memory_space<vmem>>
      %dma_start3A_48 = arith.constant 0 : i32
      %dma_start3A_49 = arith.constant 0 : i32
      %dma_start3A_50 = tpu.memref_slice %arg15[%dma_start3A_48, %dma_start3A_49] : memref<10240x128xf32, #tpu.memory_space<vmem_shared>> -> memref<10240x128xf32, #tpu.memory_space<vmem_shared>>
      tpu.enqueue_indirect_dma source(%dma_start3A_47 : memref<16x128xf32, #tpu.memory_space<vmem>>) target(%dma_start3A_50 : memref<10240x128xf32, #tpu.memory_space<vmem_shared>>) offsets(%arg12 : memref<16xi32, #tpu.memory_space<vmem>>) semaphore(%run_scoped3A : memref<!tpu.dma_semaphore, #tpu.memory_space<semaphore_mem>>) {add = true}
      %dma_wait3A_51 = arith.constant 0 : i32
      %dma_wait3A_52 = arith.constant 0 : i32
      %dma_wait3A_53 = tpu.memref_slice %arg13[%dma_wait3A_51, %dma_wait3A_52] : memref<128x128xf32, #tpu.memory_space<vmem>> -> memref<16x128xf32, #tpu.memory_space<vmem>>
      %dma_wait3A_54 = arith.constant 0 : i32
      %dma_wait3A_55 = arith.constant 0 : i32
      %dma_wait3A_56 = tpu.memref_slice %arg15[%dma_wait3A_54, %dma_wait3A_55] : memref<10240x128xf32, #tpu.memory_space<vmem_shared>> -> memref<10240x128xf32, #tpu.memory_space<vmem_shared>>
      tpu.wait_indirect_dma semaphore(%run_scoped3A : memref<!tpu.dma_semaphore, #tpu.memory_space<semaphore_mem>>) src(%dma_wait3A_53 : memref<16x128xf32, #tpu.memory_space<vmem>>) dst(%dma_wait3A_56 : memref<10240x128xf32, #tpu.memory_space<vmem_shared>>)
      tpu.yield
    }) : () -> ()
    %barrier3A_40 = arith.constant 0 : index
    tpu.barrier barrier_id(%barrier3A_40)
    %mul3A_41 = arith.constant 640 : i32
    %mul3A_42 = arith.muli %arg1, %mul3A_41 : i32
    %mul3A_43 = arith.constant 640 : i32
    %mul3A_44 = arith.muli %arg1, %mul3A_43 : i32
    "tpu.region"() ({
      %run_scoped3A = tpu.sem_alloc : memref<!tpu.dma_semaphore, #tpu.memory_space<semaphore_mem>>
      %dma_start3A_45 = arith.constant 0 : i32
      %dma_start3A_46 = tpu.memref_slice %arg7[%arg0, %mul3A_44, %dma_start3A_45] : memref<2x10240x128xf32, #tpu.memory_space<hbm>> -> memref<1x640x128xf32, #tpu.memory_space<hbm>>
      %dma_start3A_47 = tpu.memref_squeeze %dma_start3A_46 : memref<1x640x128xf32, #tpu.memory_space<hbm>> -> memref<640x128xf32, #tpu.memory_space<hbm>>
      %dma_start3A_48 = arith.constant 0 : i32
      %dma_start3A_49 = tpu.memref_slice %arg15[%mul3A_42, %dma_start3A_48] : memref<10240x128xf32, #tpu.memory_space<vmem_shared>> -> memref<640x128xf32, #tpu.memory_space<vmem_shared>>
      tpu.enqueue_dma source(%dma_start3A_49 : memref<640x128xf32, #tpu.memory_space<vmem_shared>>) target(%dma_start3A_47 : memref<640x128xf32, #tpu.memory_space<hbm>>) target_semaphore(%run_scoped3A : memref<!tpu.dma_semaphore, #tpu.memory_space<semaphore_mem>>)
      %dma_wait3A_50 = arith.constant 0 : i32
      %dma_wait3A_51 = tpu.memref_slice %arg7[%arg0, %mul3A_44, %dma_wait3A_50] : memref<2x10240x128xf32, #tpu.memory_space<hbm>> -> memref<1x640x128xf32, #tpu.memory_space<hbm>>
      %dma_wait3A_52 = tpu.memref_squeeze %dma_wait3A_51 : memref<1x640x128xf32, #tpu.memory_space<hbm>> -> memref<640x128xf32, #tpu.memory_space<hbm>>
      %dma_wait3A_53 = arith.constant 0 : i32
      %dma_wait3A_54 = tpu.memref_slice %arg15[%mul3A_42, %dma_wait3A_53] : memref<10240x128xf32, #tpu.memory_space<vmem_shared>> -> memref<640x128xf32, #tpu.memory_space<vmem_shared>>
      tpu.wait_dma2 semaphore(%run_scoped3A : memref<!tpu.dma_semaphore, #tpu.memory_space<semaphore_mem>>) src(%dma_wait3A_54 : memref<640x128xf32, #tpu.memory_space<vmem_shared>>) dst(%dma_wait3A_52 : memref<640x128xf32, #tpu.memory_space<hbm>>)
      tpu.yield
    }) : () -> ()
    return
  }
}

#map = affine_map<(d0, d1) -> (0, 0)>
#map1 = affine_map<(d0, d1) -> (0, 0, 0)>
module attributes {stable_mosaic.version = 14 : i64} {
  func.func @_sc_edge_body(%arg0: i32, %arg1: i32, %arg2: memref<10000x128xf32, #tpu.memory_space<hbm>>, %arg3: memref<32x78x128xi32, #tpu.memory_space<hbm>>, %arg4: memref<32x16xi32, #tpu.memory_space<hbm>>, %arg5: memref<32x78x128xi32, #tpu.memory_space<hbm>>, %arg6: memref<32x16xi32, #tpu.memory_space<hbm>>, %arg7: memref<2x10240x128xf32, #tpu.memory_space<hbm>>, %arg8: memref<78x128xi32, #tpu.memory_space<vmem>>, %arg9: memref<16xi32, #tpu.memory_space<vmem>>, %arg10: memref<128xi32, #tpu.memory_space<vmem>>, %arg11: memref<128xi32, #tpu.memory_space<vmem>>, %arg12: memref<16xi32, #tpu.memory_space<vmem>>, %arg13: memref<128x128xf32, #tpu.memory_space<vmem>>, %arg14: memref<128x128xf32, #tpu.memory_space<vmem>>, %arg15: memref<10240x128xf32, #tpu.memory_space<vmem_shared>>, %arg16: memref<!tpu.dma_semaphore, #tpu.memory_space<semaphore_mem>>, %arg17: memref<!tpu.dma_semaphore, #tpu.memory_space<semaphore_mem>>, %arg18: memref<!tpu.dma_semaphore, #tpu.memory_space<semaphore_mem>>, %arg19: memref<!tpu.dma_semaphore, #tpu.memory_space<semaphore_mem>>) attributes {dimension_semantics = [#tpu.dimension_semantics<core_parallel>, #tpu.dimension_semantics<subcore_parallel>], iteration_bounds = array<i64: 2, 16>, scalar_prefetch = 0 : i64, scratch_operands = 12 : i64, tpu.core_type = #tpu.core_type<sc_vector_subcore>, window_params = [{transform_indices = #map}, {transform_indices = #map1}, {transform_indices = #map}, {transform_indices = #map1}, {transform_indices = #map}, {transform_indices = #map1}]} {
    %mul3A = arith.constant 16 : i32
    %mul3A_0 = arith.muli %arg0, %mul3A : i32
    %add3A = arith.addi %mul3A_0, %arg1 : i32
    %scan3A = arith.constant 0 : i32
    %scan3A_1 = arith.constant 128 : i32
    %scan3A_2 = arith.addi %scan3A, %scan3A_1 : i32
    %scan3A_3 = arith.constant 1 : i32
    scf.for %scan3A_45 = %scan3A to %scan3A_2 step %scan3A_3  : i32 {
      %mul3A_46 = arith.constant 1 : i32
      %mul3A_47 = arith.muli %scan3A_45, %mul3A_46 : i32
      %add3A_48 = arith.constant 0 : i32
      %add3A_49 = arith.addi %add3A_48, %mul3A_47 : i32
      %broadcast_in_dim3A = arith.constant 0.000000e+00 : f32
      %broadcast_in_dim3A_50 = vector.broadcast %broadcast_in_dim3A : f32 to vector<16xf32>
      %swap3A = arith.index_cast %add3A_49 : i32 to index
      %swap3A_51 = arith.constant 0 : index
      %swap3A_52 = tpu.vector_load %arg13[%swap3A, %swap3A_51] {strides = array<i32>} : memref<128x128xf32, #tpu.memory_space<vmem>>, vector<1x16xf32>,
      %swap3A_53 = vector.shape_cast %swap3A_52 : vector<1x16xf32> to vector<16xf32>
      %swap3A_54 = vector.shape_cast %broadcast_in_dim3A_50 : vector<16xf32> to vector<1x16xf32>
      tpu.vector_store %arg13[%swap3A, %swap3A_51], %swap3A_54 {strides = array<i32>} : memref<128x128xf32, #tpu.memory_space<vmem>>, vector<1x16xf32>,
      %broadcast_in_dim3A_55 = arith.constant 0.000000e+00 : f32
      %broadcast_in_dim3A_56 = vector.broadcast %broadcast_in_dim3A_55 : f32 to vector<16xf32>
      %swap3A_57 = arith.index_cast %add3A_49 : i32 to index
      %swap3A_58 = arith.constant 16 : index
      %swap3A_59 = tpu.vector_load %arg13[%swap3A_57, %swap3A_58] {strides = array<i32>} : memref<128x128xf32, #tpu.memory_space<vmem>>, vector<1x16xf32>,
      %swap3A_60 = vector.shape_cast %swap3A_59 : vector<1x16xf32> to vector<16xf32>
      %swap3A_61 = vector.shape_cast %broadcast_in_dim3A_56 : vector<16xf32> to vector<1x16xf32>
      tpu.vector_store %arg13[%swap3A_57, %swap3A_58], %swap3A_61 {strides = array<i32>} : memref<128x128xf32, #tpu.memory_space<vmem>>, vector<1x16xf32>,
      %broadcast_in_dim3A_62 = arith.constant 0.000000e+00 : f32
      %broadcast_in_dim3A_63 = vector.broadcast %broadcast_in_dim3A_62 : f32 to vector<16xf32>
      %swap3A_64 = arith.index_cast %add3A_49 : i32 to index
      %swap3A_65 = arith.constant 32 : index
      %swap3A_66 = tpu.vector_load %arg13[%swap3A_64, %swap3A_65] {strides = array<i32>} : memref<128x128xf32, #tpu.memory_space<vmem>>, vector<1x16xf32>,
      %swap3A_67 = vector.shape_cast %swap3A_66 : vector<1x16xf32> to vector<16xf32>
      %swap3A_68 = vector.shape_cast %broadcast_in_dim3A_63 : vector<16xf32> to vector<1x16xf32>
      tpu.vector_store %arg13[%swap3A_64, %swap3A_65], %swap3A_68 {strides = array<i32>} : memref<128x128xf32, #tpu.memory_space<vmem>>, vector<1x16xf32>,
      %broadcast_in_dim3A_69 = arith.constant 0.000000e+00 : f32
      %broadcast_in_dim3A_70 = vector.broadcast %broadcast_in_dim3A_69 : f32 to vector<16xf32>
      %swap3A_71 = arith.index_cast %add3A_49 : i32 to index
      %swap3A_72 = arith.constant 48 : index
      %swap3A_73 = tpu.vector_load %arg13[%swap3A_71, %swap3A_72] {strides = array<i32>} : memref<128x128xf32, #tpu.memory_space<vmem>>, vector<1x16xf32>,
      %swap3A_74 = vector.shape_cast %swap3A_73 : vector<1x16xf32> to vector<16xf32>
      %swap3A_75 = vector.shape_cast %broadcast_in_dim3A_70 : vector<16xf32> to vector<1x16xf32>
      tpu.vector_store %arg13[%swap3A_71, %swap3A_72], %swap3A_75 {strides = array<i32>} : memref<128x128xf32, #tpu.memory_space<vmem>>, vector<1x16xf32>,
      %broadcast_in_dim3A_76 = arith.constant 0.000000e+00 : f32
      %broadcast_in_dim3A_77 = vector.broadcast %broadcast_in_dim3A_76 : f32 to vector<16xf32>
      %swap3A_78 = arith.index_cast %add3A_49 : i32 to index
      %swap3A_79 = arith.constant 64 : index
      %swap3A_80 = tpu.vector_load %arg13[%swap3A_78, %swap3A_79] {strides = array<i32>} : memref<128x128xf32, #tpu.memory_space<vmem>>, vector<1x16xf32>,
      %swap3A_81 = vector.shape_cast %swap3A_80 : vector<1x16xf32> to vector<16xf32>
      %swap3A_82 = vector.shape_cast %broadcast_in_dim3A_77 : vector<16xf32> to vector<1x16xf32>
      tpu.vector_store %arg13[%swap3A_78, %swap3A_79], %swap3A_82 {strides = array<i32>} : memref<128x128xf32, #tpu.memory_space<vmem>>, vector<1x16xf32>,
      %broadcast_in_dim3A_83 = arith.constant 0.000000e+00 : f32
      %broadcast_in_dim3A_84 = vector.broadcast %broadcast_in_dim3A_83 : f32 to vector<16xf32>
      %swap3A_85 = arith.index_cast %add3A_49 : i32 to index
      %swap3A_86 = arith.constant 80 : index
      %swap3A_87 = tpu.vector_load %arg13[%swap3A_85, %swap3A_86] {strides = array<i32>} : memref<128x128xf32, #tpu.memory_space<vmem>>, vector<1x16xf32>,
      %swap3A_88 = vector.shape_cast %swap3A_87 : vector<1x16xf32> to vector<16xf32>
      %swap3A_89 = vector.shape_cast %broadcast_in_dim3A_84 : vector<16xf32> to vector<1x16xf32>
      tpu.vector_store %arg13[%swap3A_85, %swap3A_86], %swap3A_89 {strides = array<i32>} : memref<128x128xf32, #tpu.memory_space<vmem>>, vector<1x16xf32>,
      %broadcast_in_dim3A_90 = arith.constant 0.000000e+00 : f32
      %broadcast_in_dim3A_91 = vector.broadcast %broadcast_in_dim3A_90 : f32 to vector<16xf32>
      %swap3A_92 = arith.index_cast %add3A_49 : i32 to index
      %swap3A_93 = arith.constant 96 : index
      %swap3A_94 = tpu.vector_load %arg13[%swap3A_92, %swap3A_93] {strides = array<i32>} : memref<128x128xf32, #tpu.memory_space<vmem>>, vector<1x16xf32>,
      %swap3A_95 = vector.shape_cast %swap3A_94 : vector<1x16xf32> to vector<16xf32>
      %swap3A_96 = vector.shape_cast %broadcast_in_dim3A_91 : vector<16xf32> to vector<1x16xf32>
      tpu.vector_store %arg13[%swap3A_92, %swap3A_93], %swap3A_96 {strides = array<i32>} : memref<128x128xf32, #tpu.memory_space<vmem>>, vector<1x16xf32>,
      %broadcast_in_dim3A_97 = arith.constant 0.000000e+00 : f32
      %broadcast_in_dim3A_98 = vector.broadcast %broadcast_in_dim3A_97 : f32 to vector<16xf32>
      %swap3A_99 = arith.index_cast %add3A_49 : i32 to index
      %swap3A_100 = arith.constant 112 : index
      %swap3A_101 = tpu.vector_load %arg13[%swap3A_99, %swap3A_100] {strides = array<i32>} : memref<128x128xf32, #tpu.memory_space<vmem>>, vector<1x16xf32>,
      %swap3A_102 = vector.shape_cast %swap3A_101 : vector<1x16xf32> to vector<16xf32>
      %swap3A_103 = vector.shape_cast %broadcast_in_dim3A_98 : vector<16xf32> to vector<1x16xf32>
      tpu.vector_store %arg13[%swap3A_99, %swap3A_100], %swap3A_103 {strides = array<i32>} : memref<128x128xf32, #tpu.memory_space<vmem>>, vector<1x16xf32>,
    }
    %scan3A_4 = arith.constant 128 : i32
    %mul3A_5 = arith.constant 640 : i32
    %mul3A_6 = arith.muli %arg1, %mul3A_5 : i32
    %add3A_7 = arith.constant 0 : i32
    %add3A_8 = arith.addi %mul3A_6, %add3A_7 : i32
    "tpu.region"() ({
      %run_scoped3A = tpu.sem_alloc : memref<!tpu.dma_semaphore, #tpu.memory_space<semaphore_mem>>
      %dma_start3A_45 = arith.constant 0 : i32
      %dma_start3A_46 = tpu.memref_slice %arg15[%add3A_8, %dma_start3A_45] : memref<10240x128xf32, #tpu.memory_space<vmem_shared>> -> memref<128x128xf32, #tpu.memory_space<vmem_shared>>
      %dma_start3A_47 = arith.constant 0 : i32
      %dma_start3A_48 = tpu.memref_slice %arg15[%add3A_8, %dma_start3A_47] : memref<10240x128xf32, #tpu.memory_space<vmem_shared>> -> memref<128x128xf32, #tpu.memory_space<vmem_shared>>
      tpu.enqueue_dma source(%arg13 : memref<128x128xf32, #tpu.memory_space<vmem>>) target(%dma_start3A_48 : memref<128x128xf32, #tpu.memory_space<vmem_shared>>) target_semaphore(%run_scoped3A : memref<!tpu.dma_semaphore, #tpu.memory_space<semaphore_mem>>)
      %dma_wait3A_49 = arith.constant 0 : i32
      %dma_wait3A_50 = tpu.memref_slice %arg15[%add3A_8, %dma_wait3A_49] : memref<10240x128xf32, #tpu.memory_space<vmem_shared>> -> memref<128x128xf32, #tpu.memory_space<vmem_shared>>
      %dma_wait3A_51 = arith.constant 0 : i32
      %dma_wait3A_52 = tpu.memref_slice %arg15[%add3A_8, %dma_wait3A_51] : memref<10240x128xf32, #tpu.memory_space<vmem_shared>> -> memref<128x128xf32, #tpu.memory_space<vmem_shared>>
      tpu.wait_dma2 semaphore(%run_scoped3A : memref<!tpu.dma_semaphore, #tpu.memory_space<semaphore_mem>>) src(%arg13 : memref<128x128xf32, #tpu.memory_space<vmem>>) dst(%dma_wait3A_52 : memref<128x128xf32, #tpu.memory_space<vmem_shared>>)
      tpu.yield
    }) : () -> ()
    %mul3A_9 = arith.constant 640 : i32
    %mul3A_10 = arith.muli %arg1, %mul3A_9 : i32
    %add3A_11 = arith.constant 128 : i32
    %add3A_12 = arith.addi %mul3A_10, %add3A_11 : i32
    "tpu.region"() ({
      %run_scoped3A = tpu.sem_alloc : memref<!tpu.dma_semaphore, #tpu.memory_space<semaphore_mem>>
      %dma_start3A_45 = arith.constant 0 : i32
      %dma_start3A_46 = tpu.memref_slice %arg15[%add3A_12, %dma_start3A_45] : memref<10240x128xf32, #tpu.memory_space<vmem_shared>> -> memref<128x128xf32, #tpu.memory_space<vmem_shared>>
      %dma_start3A_47 = arith.constant 0 : i32
      %dma_start3A_48 = tpu.memref_slice %arg15[%add3A_12, %dma_start3A_47] : memref<10240x128xf32, #tpu.memory_space<vmem_shared>> -> memref<128x128xf32, #tpu.memory_space<vmem_shared>>
      tpu.enqueue_dma source(%arg13 : memref<128x128xf32, #tpu.memory_space<vmem>>) target(%dma_start3A_48 : memref<128x128xf32, #tpu.memory_space<vmem_shared>>) target_semaphore(%run_scoped3A : memref<!tpu.dma_semaphore, #tpu.memory_space<semaphore_mem>>)
      %dma_wait3A_49 = arith.constant 0 : i32
      %dma_wait3A_50 = tpu.memref_slice %arg15[%add3A_12, %dma_wait3A_49] : memref<10240x128xf32, #tpu.memory_space<vmem_shared>> -> memref<128x128xf32, #tpu.memory_space<vmem_shared>>
      %dma_wait3A_51 = arith.constant 0 : i32
      %dma_wait3A_52 = tpu.memref_slice %arg15[%add3A_12, %dma_wait3A_51] : memref<10240x128xf32, #tpu.memory_space<vmem_shared>> -> memref<128x128xf32, #tpu.memory_space<vmem_shared>>
      tpu.wait_dma2 semaphore(%run_scoped3A : memref<!tpu.dma_semaphore, #tpu.memory_space<semaphore_mem>>) src(%arg13 : memref<128x128xf32, #tpu.memory_space<vmem>>) dst(%dma_wait3A_52 : memref<128x128xf32, #tpu.memory_space<vmem_shared>>)
      tpu.yield
    }) : () -> ()
    %mul3A_13 = arith.constant 640 : i32
    %mul3A_14 = arith.muli %arg1, %mul3A_13 : i32
    %add3A_15 = arith.constant 256 : i32
    %add3A_16 = arith.addi %mul3A_14, %add3A_15 : i32
    "tpu.region"() ({
      %run_scoped3A = tpu.sem_alloc : memref<!tpu.dma_semaphore, #tpu.memory_space<semaphore_mem>>
      %dma_start3A_45 = arith.constant 0 : i32
      %dma_start3A_46 = tpu.memref_slice %arg15[%add3A_16, %dma_start3A_45] : memref<10240x128xf32, #tpu.memory_space<vmem_shared>> -> memref<128x128xf32, #tpu.memory_space<vmem_shared>>
      %dma_start3A_47 = arith.constant 0 : i32
      %dma_start3A_48 = tpu.memref_slice %arg15[%add3A_16, %dma_start3A_47] : memref<10240x128xf32, #tpu.memory_space<vmem_shared>> -> memref<128x128xf32, #tpu.memory_space<vmem_shared>>
      tpu.enqueue_dma source(%arg13 : memref<128x128xf32, #tpu.memory_space<vmem>>) target(%dma_start3A_48 : memref<128x128xf32, #tpu.memory_space<vmem_shared>>) target_semaphore(%run_scoped3A : memref<!tpu.dma_semaphore, #tpu.memory_space<semaphore_mem>>)
      %dma_wait3A_49 = arith.constant 0 : i32
      %dma_wait3A_50 = tpu.memref_slice %arg15[%add3A_16, %dma_wait3A_49] : memref<10240x128xf32, #tpu.memory_space<vmem_shared>> -> memref<128x128xf32, #tpu.memory_space<vmem_shared>>
      %dma_wait3A_51 = arith.constant 0 : i32
      %dma_wait3A_52 = tpu.memref_slice %arg15[%add3A_16, %dma_wait3A_51] : memref<10240x128xf32, #tpu.memory_space<vmem_shared>> -> memref<128x128xf32, #tpu.memory_space<vmem_shared>>
      tpu.wait_dma2 semaphore(%run_scoped3A : memref<!tpu.dma_semaphore, #tpu.memory_space<semaphore_mem>>) src(%arg13 : memref<128x128xf32, #tpu.memory_space<vmem>>) dst(%dma_wait3A_52 : memref<128x128xf32, #tpu.memory_space<vmem_shared>>)
      tpu.yield
    }) : () -> ()
    %mul3A_17 = arith.constant 640 : i32
    %mul3A_18 = arith.muli %arg1, %mul3A_17 : i32
    %add3A_19 = arith.constant 384 : i32
    %add3A_20 = arith.addi %mul3A_18, %add3A_19 : i32
    "tpu.region"() ({
      %run_scoped3A = tpu.sem_alloc : memref<!tpu.dma_semaphore, #tpu.memory_space<semaphore_mem>>
      %dma_start3A_45 = arith.constant 0 : i32
      %dma_start3A_46 = tpu.memref_slice %arg15[%add3A_20, %dma_start3A_45] : memref<10240x128xf32, #tpu.memory_space<vmem_shared>> -> memref<128x128xf32, #tpu.memory_space<vmem_shared>>
      %dma_start3A_47 = arith.constant 0 : i32
      %dma_start3A_48 = tpu.memref_slice %arg15[%add3A_20, %dma_start3A_47] : memref<10240x128xf32, #tpu.memory_space<vmem_shared>> -> memref<128x128xf32, #tpu.memory_space<vmem_shared>>
      tpu.enqueue_dma source(%arg13 : memref<128x128xf32, #tpu.memory_space<vmem>>) target(%dma_start3A_48 : memref<128x128xf32, #tpu.memory_space<vmem_shared>>) target_semaphore(%run_scoped3A : memref<!tpu.dma_semaphore, #tpu.memory_space<semaphore_mem>>)
      %dma_wait3A_49 = arith.constant 0 : i32
      %dma_wait3A_50 = tpu.memref_slice %arg15[%add3A_20, %dma_wait3A_49] : memref<10240x128xf32, #tpu.memory_space<vmem_shared>> -> memref<128x128xf32, #tpu.memory_space<vmem_shared>>
      %dma_wait3A_51 = arith.constant 0 : i32
      %dma_wait3A_52 = tpu.memref_slice %arg15[%add3A_20, %dma_wait3A_51] : memref<10240x128xf32, #tpu.memory_space<vmem_shared>> -> memref<128x128xf32, #tpu.memory_space<vmem_shared>>
      tpu.wait_dma2 semaphore(%run_scoped3A : memref<!tpu.dma_semaphore, #tpu.memory_space<semaphore_mem>>) src(%arg13 : memref<128x128xf32, #tpu.memory_space<vmem>>) dst(%dma_wait3A_52 : memref<128x128xf32, #tpu.memory_space<vmem_shared>>)
      tpu.yield
    }) : () -> ()
    %mul3A_21 = arith.constant 640 : i32
    %mul3A_22 = arith.muli %arg1, %mul3A_21 : i32
    %add3A_23 = arith.constant 512 : i32
    %add3A_24 = arith.addi %mul3A_22, %add3A_23 : i32
    "tpu.region"() ({
      %run_scoped3A = tpu.sem_alloc : memref<!tpu.dma_semaphore, #tpu.memory_space<semaphore_mem>>
      %dma_start3A_45 = arith.constant 0 : i32
      %dma_start3A_46 = tpu.memref_slice %arg15[%add3A_24, %dma_start3A_45] : memref<10240x128xf32, #tpu.memory_space<vmem_shared>> -> memref<128x128xf32, #tpu.memory_space<vmem_shared>>
      %dma_start3A_47 = arith.constant 0 : i32
      %dma_start3A_48 = tpu.memref_slice %arg15[%add3A_24, %dma_start3A_47] : memref<10240x128xf32, #tpu.memory_space<vmem_shared>> -> memref<128x128xf32, #tpu.memory_space<vmem_shared>>
      tpu.enqueue_dma source(%arg13 : memref<128x128xf32, #tpu.memory_space<vmem>>) target(%dma_start3A_48 : memref<128x128xf32, #tpu.memory_space<vmem_shared>>) target_semaphore(%run_scoped3A : memref<!tpu.dma_semaphore, #tpu.memory_space<semaphore_mem>>)
      %dma_wait3A_49 = arith.constant 0 : i32
      %dma_wait3A_50 = tpu.memref_slice %arg15[%add3A_24, %dma_wait3A_49] : memref<10240x128xf32, #tpu.memory_space<vmem_shared>> -> memref<128x128xf32, #tpu.memory_space<vmem_shared>>
      %dma_wait3A_51 = arith.constant 0 : i32
      %dma_wait3A_52 = tpu.memref_slice %arg15[%add3A_24, %dma_wait3A_51] : memref<10240x128xf32, #tpu.memory_space<vmem_shared>> -> memref<128x128xf32, #tpu.memory_space<vmem_shared>>
      tpu.wait_dma2 semaphore(%run_scoped3A : memref<!tpu.dma_semaphore, #tpu.memory_space<semaphore_mem>>) src(%arg13 : memref<128x128xf32, #tpu.memory_space<vmem>>) dst(%dma_wait3A_52 : memref<128x128xf32, #tpu.memory_space<vmem_shared>>)
      tpu.yield
    }) : () -> ()
    %barrier3A = arith.constant 0 : index
    tpu.barrier barrier_id(%barrier3A)
    "tpu.region"() ({
      %run_scoped3A = tpu.sem_alloc : memref<!tpu.dma_semaphore, #tpu.memory_space<semaphore_mem>>
      %dma_start3A_45 = arith.constant 0 : i32
      %dma_start3A_46 = arith.constant 0 : i32
      %dma_start3A_47 = tpu.memref_slice %arg3[%add3A, %dma_start3A_45, %dma_start3A_46] : memref<32x78x128xi32, #tpu.memory_space<hbm>> -> memref<1x78x128xi32, #tpu.memory_space<hbm>>
      %dma_start3A_48 = tpu.memref_squeeze %dma_start3A_47 : memref<1x78x128xi32, #tpu.memory_space<hbm>> -> memref<78x128xi32, #tpu.memory_space<hbm>>
      %dma_start3A_49 = arith.constant 0 : i32
      %dma_start3A_50 = arith.constant 0 : i32
      %dma_start3A_51 = tpu.memref_slice %arg3[%add3A, %dma_start3A_49, %dma_start3A_50] : memref<32x78x128xi32, #tpu.memory_space<hbm>> -> memref<1x78x128xi32, #tpu.memory_space<hbm>>
      %dma_start3A_52 = tpu.memref_squeeze %dma_start3A_51 : memref<1x78x128xi32, #tpu.memory_space<hbm>> -> memref<78x128xi32, #tpu.memory_space<hbm>>
      tpu.enqueue_dma source(%dma_start3A_52 : memref<78x128xi32, #tpu.memory_space<hbm>>) target(%arg8 : memref<78x128xi32, #tpu.memory_space<vmem>>) target_semaphore(%run_scoped3A : memref<!tpu.dma_semaphore, #tpu.memory_space<semaphore_mem>>)
      %dma_wait3A_53 = arith.constant 0 : i32
      %dma_wait3A_54 = arith.constant 0 : i32
      %dma_wait3A_55 = tpu.memref_slice %arg3[%add3A, %dma_wait3A_53, %dma_wait3A_54] : memref<32x78x128xi32, #tpu.memory_space<hbm>> -> memref<1x78x128xi32, #tpu.memory_space<hbm>>
      %dma_wait3A_56 = tpu.memref_squeeze %dma_wait3A_55 : memref<1x78x128xi32, #tpu.memory_space<hbm>> -> memref<78x128xi32, #tpu.memory_space<hbm>>
      %dma_wait3A_57 = arith.constant 0 : i32
      %dma_wait3A_58 = arith.constant 0 : i32
      %dma_wait3A_59 = tpu.memref_slice %arg3[%add3A, %dma_wait3A_57, %dma_wait3A_58] : memref<32x78x128xi32, #tpu.memory_space<hbm>> -> memref<1x78x128xi32, #tpu.memory_space<hbm>>
      %dma_wait3A_60 = tpu.memref_squeeze %dma_wait3A_59 : memref<1x78x128xi32, #tpu.memory_space<hbm>> -> memref<78x128xi32, #tpu.memory_space<hbm>>
      tpu.wait_dma2 semaphore(%run_scoped3A : memref<!tpu.dma_semaphore, #tpu.memory_space<semaphore_mem>>) src(%dma_wait3A_60 : memref<78x128xi32, #tpu.memory_space<hbm>>) dst(%arg8 : memref<78x128xi32, #tpu.memory_space<vmem>>)
      tpu.yield
    }) : () -> ()
    "tpu.region"() ({
      %run_scoped3A = tpu.sem_alloc : memref<!tpu.dma_semaphore, #tpu.memory_space<semaphore_mem>>
      %dma_start3A_45 = arith.constant 0 : i32
      %dma_start3A_46 = tpu.memref_slice %arg4[%add3A, %dma_start3A_45] : memref<32x16xi32, #tpu.memory_space<hbm>> -> memref<1x16xi32, #tpu.memory_space<hbm>>
      %dma_start3A_47 = tpu.memref_squeeze %dma_start3A_46 : memref<1x16xi32, #tpu.memory_space<hbm>> -> memref<16xi32, #tpu.memory_space<hbm>>
      %dma_start3A_48 = arith.constant 0 : i32
      %dma_start3A_49 = tpu.memref_slice %arg4[%add3A, %dma_start3A_48] : memref<32x16xi32, #tpu.memory_space<hbm>> -> memref<1x16xi32, #tpu.memory_space<hbm>>
      %dma_start3A_50 = tpu.memref_squeeze %dma_start3A_49 : memref<1x16xi32, #tpu.memory_space<hbm>> -> memref<16xi32, #tpu.memory_space<hbm>>
      tpu.enqueue_dma source(%dma_start3A_50 : memref<16xi32, #tpu.memory_space<hbm>>) target(%arg9 : memref<16xi32, #tpu.memory_space<vmem>>) target_semaphore(%run_scoped3A : memref<!tpu.dma_semaphore, #tpu.memory_space<semaphore_mem>>)
      %dma_wait3A_51 = arith.constant 0 : i32
      %dma_wait3A_52 = tpu.memref_slice %arg4[%add3A, %dma_wait3A_51] : memref<32x16xi32, #tpu.memory_space<hbm>> -> memref<1x16xi32, #tpu.memory_space<hbm>>
      %dma_wait3A_53 = tpu.memref_squeeze %dma_wait3A_52 : memref<1x16xi32, #tpu.memory_space<hbm>> -> memref<16xi32, #tpu.memory_space<hbm>>
      %dma_wait3A_54 = arith.constant 0 : i32
      %dma_wait3A_55 = tpu.memref_slice %arg4[%add3A, %dma_wait3A_54] : memref<32x16xi32, #tpu.memory_space<hbm>> -> memref<1x16xi32, #tpu.memory_space<hbm>>
      %dma_wait3A_56 = tpu.memref_squeeze %dma_wait3A_55 : memref<1x16xi32, #tpu.memory_space<hbm>> -> memref<16xi32, #tpu.memory_space<hbm>>
      tpu.wait_dma2 semaphore(%run_scoped3A : memref<!tpu.dma_semaphore, #tpu.memory_space<semaphore_mem>>) src(%dma_wait3A_56 : memref<16xi32, #tpu.memory_space<hbm>>) dst(%arg9 : memref<16xi32, #tpu.memory_space<vmem>>)
      tpu.yield
    }) : () -> ()
    %scan3A_25 = arith.constant 0 : i32
    %scan3A_26 = arith.constant 39 : i32
    %scan3A_27 = arith.addi %scan3A_25, %scan3A_26 : i32
    %scan3A_28 = arith.constant 1 : i32
    scf.for %scan3A_45 = %scan3A_25 to %scan3A_27 step %scan3A_28  : i32 {
      %mul3A_46 = arith.constant 1 : i32
      %mul3A_47 = arith.muli %scan3A_45, %mul3A_46 : i32
      %add3A_48 = arith.constant 0 : i32
      %add3A_49 = arith.addi %add3A_48, %mul3A_47 : i32
      %mul3A_50 = arith.constant 2 : i32
      %mul3A_51 = arith.muli %mul3A_50, %add3A_49 : i32
      %dma_start3A_52 = arith.constant 0 : i32
      %dma_start3A_53 = tpu.memref_slice %arg8[%mul3A_51, %dma_start3A_52] : memref<78x128xi32, #tpu.memory_space<vmem>> -> memref<1x128xi32, #tpu.memory_space<vmem>>
      %dma_start3A_54 = tpu.memref_squeeze %dma_start3A_53 : memref<1x128xi32, #tpu.memory_space<vmem>> -> memref<128xi32, #tpu.memory_space<vmem>>
      %dma_start3A_55 = arith.constant 0 : i32
      %dma_start3A_56 = arith.constant 0 : i32
      %dma_start3A_57 = tpu.memref_slice %arg2[%dma_start3A_55, %dma_start3A_56] : memref<10000x128xf32, #tpu.memory_space<hbm>> -> memref<10000x128xf32, #tpu.memory_space<hbm>>
      tpu.enqueue_indirect_dma source(%dma_start3A_57 : memref<10000x128xf32, #tpu.memory_space<hbm>>) target(%arg13 : memref<128x128xf32, #tpu.memory_space<vmem>>) offsets(%dma_start3A_54 : memref<128xi32, #tpu.memory_space<vmem>>) semaphore(%arg16 : memref<!tpu.dma_semaphore, #tpu.memory_space<semaphore_mem>>)
      %add3A_58 = arith.constant 1 : i32
      %add3A_59 = arith.addi %mul3A_51, %add3A_58 : i32
      %dma_start3A_60 = arith.constant 0 : i32
      %dma_start3A_61 = tpu.memref_slice %arg8[%add3A_59, %dma_start3A_60] : memref<78x128xi32, #tpu.memory_space<vmem>> -> memref<1x128xi32, #tpu.memory_space<vmem>>
      %dma_start3A_62 = tpu.memref_squeeze %dma_start3A_61 : memref<1x128xi32, #tpu.memory_space<vmem>> -> memref<128xi32, #tpu.memory_space<vmem>>
      %dma_start3A_63 = arith.constant 0 : i32
      %dma_start3A_64 = arith.constant 0 : i32
      %dma_start3A_65 = tpu.memref_slice %arg2[%dma_start3A_63, %dma_start3A_64] : memref<10000x128xf32, #tpu.memory_space<hbm>> -> memref<10000x128xf32, #tpu.memory_space<hbm>>
      tpu.enqueue_indirect_dma source(%dma_start3A_65 : memref<10000x128xf32, #tpu.memory_space<hbm>>) target(%arg14 : memref<128x128xf32, #tpu.memory_space<vmem>>) offsets(%dma_start3A_62 : memref<128xi32, #tpu.memory_space<vmem>>) semaphore(%arg17 : memref<!tpu.dma_semaphore, #tpu.memory_space<semaphore_mem>>)
      "tpu.region"() ({
        %run_scoped3A = tpu.sem_alloc : memref<!tpu.dma_semaphore, #tpu.memory_space<semaphore_mem>>
        %dma_start3A_92 = arith.constant 0 : i32
        %dma_start3A_93 = tpu.memref_slice %arg5[%add3A, %mul3A_51, %dma_start3A_92] : memref<32x78x128xi32, #tpu.memory_space<hbm>> -> memref<1x1x128xi32, #tpu.memory_space<hbm>>
        %dma_start3A_94 = tpu.memref_squeeze %dma_start3A_93 : memref<1x1x128xi32, #tpu.memory_space<hbm>> -> memref<128xi32, #tpu.memory_space<hbm>>
        %dma_start3A_95 = arith.constant 0 : i32
        %dma_start3A_96 = tpu.memref_slice %arg5[%add3A, %mul3A_51, %dma_start3A_95] : memref<32x78x128xi32, #tpu.memory_space<hbm>> -> memref<1x1x128xi32, #tpu.memory_space<hbm>>
        %dma_start3A_97 = tpu.memref_squeeze %dma_start3A_96 : memref<1x1x128xi32, #tpu.memory_space<hbm>> -> memref<128xi32, #tpu.memory_space<hbm>>
        tpu.enqueue_dma source(%dma_start3A_97 : memref<128xi32, #tpu.memory_space<hbm>>) target(%arg10 : memref<128xi32, #tpu.memory_space<vmem>>) target_semaphore(%run_scoped3A : memref<!tpu.dma_semaphore, #tpu.memory_space<semaphore_mem>>)
        %dma_wait3A_98 = arith.constant 0 : i32
        %dma_wait3A_99 = tpu.memref_slice %arg5[%add3A, %mul3A_51, %dma_wait3A_98] : memref<32x78x128xi32, #tpu.memory_space<hbm>> -> memref<1x1x128xi32, #tpu.memory_space<hbm>>
        %dma_wait3A_100 = tpu.memref_squeeze %dma_wait3A_99 : memref<1x1x128xi32, #tpu.memory_space<hbm>> -> memref<128xi32, #tpu.memory_space<hbm>>
        %dma_wait3A_101 = arith.constant 0 : i32
        %dma_wait3A_102 = tpu.memref_slice %arg5[%add3A, %mul3A_51, %dma_wait3A_101] : memref<32x78x128xi32, #tpu.memory_space<hbm>> -> memref<1x1x128xi32, #tpu.memory_space<hbm>>
        %dma_wait3A_103 = tpu.memref_squeeze %dma_wait3A_102 : memref<1x1x128xi32, #tpu.memory_space<hbm>> -> memref<128xi32, #tpu.memory_space<hbm>>
        tpu.wait_dma2 semaphore(%run_scoped3A : memref<!tpu.dma_semaphore, #tpu.memory_space<semaphore_mem>>) src(%dma_wait3A_103 : memref<128xi32, #tpu.memory_space<hbm>>) dst(%arg10 : memref<128xi32, #tpu.memory_space<vmem>>)
        tpu.yield
      }) : () -> ()
      %add3A_66 = arith.constant 1 : i32
      %add3A_67 = arith.addi %mul3A_51, %add3A_66 : i32
      "tpu.region"() ({
        %run_scoped3A = tpu.sem_alloc : memref<!tpu.dma_semaphore, #tpu.memory_space<semaphore_mem>>
        %dma_start3A_92 = arith.constant 0 : i32
        %dma_start3A_93 = tpu.memref_slice %arg5[%add3A, %add3A_67, %dma_start3A_92] : memref<32x78x128xi32, #tpu.memory_space<hbm>> -> memref<1x1x128xi32, #tpu.memory_space<hbm>>
        %dma_start3A_94 = tpu.memref_squeeze %dma_start3A_93 : memref<1x1x128xi32, #tpu.memory_space<hbm>> -> memref<128xi32, #tpu.memory_space<hbm>>
        %dma_start3A_95 = arith.constant 0 : i32
        %dma_start3A_96 = tpu.memref_slice %arg5[%add3A, %add3A_67, %dma_start3A_95] : memref<32x78x128xi32, #tpu.memory_space<hbm>> -> memref<1x1x128xi32, #tpu.memory_space<hbm>>
        %dma_start3A_97 = tpu.memref_squeeze %dma_start3A_96 : memref<1x1x128xi32, #tpu.memory_space<hbm>> -> memref<128xi32, #tpu.memory_space<hbm>>
        tpu.enqueue_dma source(%dma_start3A_97 : memref<128xi32, #tpu.memory_space<hbm>>) target(%arg11 : memref<128xi32, #tpu.memory_space<vmem>>) target_semaphore(%run_scoped3A : memref<!tpu.dma_semaphore, #tpu.memory_space<semaphore_mem>>)
        %dma_wait3A_98 = arith.constant 0 : i32
        %dma_wait3A_99 = tpu.memref_slice %arg5[%add3A, %add3A_67, %dma_wait3A_98] : memref<32x78x128xi32, #tpu.memory_space<hbm>> -> memref<1x1x128xi32, #tpu.memory_space<hbm>>
        %dma_wait3A_100 = tpu.memref_squeeze %dma_wait3A_99 : memref<1x1x128xi32, #tpu.memory_space<hbm>> -> memref<128xi32, #tpu.memory_space<hbm>>
        %dma_wait3A_101 = arith.constant 0 : i32
        %dma_wait3A_102 = tpu.memref_slice %arg5[%add3A, %add3A_67, %dma_wait3A_101] : memref<32x78x128xi32, #tpu.memory_space<hbm>> -> memref<1x1x128xi32, #tpu.memory_space<hbm>>
        %dma_wait3A_103 = tpu.memref_squeeze %dma_wait3A_102 : memref<1x1x128xi32, #tpu.memory_space<hbm>> -> memref<128xi32, #tpu.memory_space<hbm>>
        tpu.wait_dma2 semaphore(%run_scoped3A : memref<!tpu.dma_semaphore, #tpu.memory_space<semaphore_mem>>) src(%dma_wait3A_103 : memref<128xi32, #tpu.memory_space<hbm>>) dst(%arg11 : memref<128xi32, #tpu.memory_space<vmem>>)
        tpu.yield
      }) : () -> ()
      %dma_wait3A_68 = arith.constant 0 : i32
      %dma_wait3A_69 = tpu.memref_slice %arg8[%mul3A_51, %dma_wait3A_68] : memref<78x128xi32, #tpu.memory_space<vmem>> -> memref<1x128xi32, #tpu.memory_space<vmem>>
      %dma_wait3A_70 = tpu.memref_squeeze %dma_wait3A_69 : memref<1x128xi32, #tpu.memory_space<vmem>> -> memref<128xi32, #tpu.memory_space<vmem>>
      %dma_wait3A_71 = arith.constant 0 : i32
      %dma_wait3A_72 = arith.constant 0 : i32
      %dma_wait3A_73 = tpu.memref_slice %arg2[%dma_wait3A_71, %dma_wait3A_72] : memref<10000x128xf32, #tpu.memory_space<hbm>> -> memref<10000x128xf32, #tpu.memory_space<hbm>>
      tpu.wait_indirect_dma semaphore(%arg16 : memref<!tpu.dma_semaphore, #tpu.memory_space<semaphore_mem>>) src(%dma_wait3A_73 : memref<10000x128xf32, #tpu.memory_space<hbm>>) dst(%arg13 : memref<128x128xf32, #tpu.memory_space<vmem>>)
      %dma_wait3A_74 = arith.constant 0 : i32
      %dma_wait3A_75 = tpu.memref_slice %arg8[%add3A_59, %dma_wait3A_74] : memref<78x128xi32, #tpu.memory_space<vmem>> -> memref<1x128xi32, #tpu.memory_space<vmem>>
      %dma_wait3A_76 = tpu.memref_squeeze %dma_wait3A_75 : memref<1x128xi32, #tpu.memory_space<vmem>> -> memref<128xi32, #tpu.memory_space<vmem>>
      %dma_wait3A_77 = arith.constant 0 : i32
      %dma_wait3A_78 = arith.constant 0 : i32
      %dma_wait3A_79 = tpu.memref_slice %arg2[%dma_wait3A_77, %dma_wait3A_78] : memref<10000x128xf32, #tpu.memory_space<hbm>> -> memref<10000x128xf32, #tpu.memory_space<hbm>>
      tpu.wait_indirect_dma semaphore(%arg17 : memref<!tpu.dma_semaphore, #tpu.memory_space<semaphore_mem>>) src(%dma_wait3A_79 : memref<10000x128xf32, #tpu.memory_space<hbm>>) dst(%arg14 : memref<128x128xf32, #tpu.memory_space<vmem>>)
      %dma_start3A_80 = arith.constant 0 : i32
      %dma_start3A_81 = arith.constant 0 : i32
      %dma_start3A_82 = tpu.memref_slice %arg15[%dma_start3A_80, %dma_start3A_81] : memref<10240x128xf32, #tpu.memory_space<vmem_shared>> -> memref<10240x128xf32, #tpu.memory_space<vmem_shared>>
      tpu.enqueue_indirect_dma source(%arg13 : memref<128x128xf32, #tpu.memory_space<vmem>>) target(%dma_start3A_82 : memref<10240x128xf32, #tpu.memory_space<vmem_shared>>) offsets(%arg10 : memref<128xi32, #tpu.memory_space<vmem>>) semaphore(%arg18 : memref<!tpu.dma_semaphore, #tpu.memory_space<semaphore_mem>>) {add = true}
      %dma_start3A_83 = arith.constant 0 : i32
      %dma_start3A_84 = arith.constant 0 : i32
      %dma_start3A_85 = tpu.memref_slice %arg15[%dma_start3A_83, %dma_start3A_84] : memref<10240x128xf32, #tpu.memory_space<vmem_shared>> -> memref<10240x128xf32, #tpu.memory_space<vmem_shared>>
      tpu.enqueue_indirect_dma source(%arg14 : memref<128x128xf32, #tpu.memory_space<vmem>>) target(%dma_start3A_85 : memref<10240x128xf32, #tpu.memory_space<vmem_shared>>) offsets(%arg11 : memref<128xi32, #tpu.memory_space<vmem>>) semaphore(%arg19 : memref<!tpu.dma_semaphore, #tpu.memory_space<semaphore_mem>>) {add = true}
      %dma_wait3A_86 = arith.constant 0 : i32
      %dma_wait3A_87 = arith.constant 0 : i32
      %dma_wait3A_88 = tpu.memref_slice %arg15[%dma_wait3A_86, %dma_wait3A_87] : memref<10240x128xf32, #tpu.memory_space<vmem_shared>> -> memref<10240x128xf32, #tpu.memory_space<vmem_shared>>
      tpu.wait_indirect_dma semaphore(%arg18 : memref<!tpu.dma_semaphore, #tpu.memory_space<semaphore_mem>>) src(%arg13 : memref<128x128xf32, #tpu.memory_space<vmem>>) dst(%dma_wait3A_88 : memref<10240x128xf32, #tpu.memory_space<vmem_shared>>)
      %dma_wait3A_89 = arith.constant 0 : i32
      %dma_wait3A_90 = arith.constant 0 : i32
      %dma_wait3A_91 = tpu.memref_slice %arg15[%dma_wait3A_89, %dma_wait3A_90] : memref<10240x128xf32, #tpu.memory_space<vmem_shared>> -> memref<10240x128xf32, #tpu.memory_space<vmem_shared>>
      tpu.wait_indirect_dma semaphore(%arg19 : memref<!tpu.dma_semaphore, #tpu.memory_space<semaphore_mem>>) src(%arg14 : memref<128x128xf32, #tpu.memory_space<vmem>>) dst(%dma_wait3A_91 : memref<10240x128xf32, #tpu.memory_space<vmem_shared>>)
    }
    %scan3A_29 = arith.constant 39 : i32
    "tpu.region"() ({
      %run_scoped3A = tpu.sem_alloc : memref<!tpu.dma_semaphore, #tpu.memory_space<semaphore_mem>>
      %dma_start3A_45 = arith.constant 0 : i32
      %dma_start3A_46 = tpu.memref_slice %arg6[%add3A, %dma_start3A_45] : memref<32x16xi32, #tpu.memory_space<hbm>> -> memref<1x16xi32, #tpu.memory_space<hbm>>
      %dma_start3A_47 = tpu.memref_squeeze %dma_start3A_46 : memref<1x16xi32, #tpu.memory_space<hbm>> -> memref<16xi32, #tpu.memory_space<hbm>>
      %dma_start3A_48 = arith.constant 0 : i32
      %dma_start3A_49 = tpu.memref_slice %arg6[%add3A, %dma_start3A_48] : memref<32x16xi32, #tpu.memory_space<hbm>> -> memref<1x16xi32, #tpu.memory_space<hbm>>
      %dma_start3A_50 = tpu.memref_squeeze %dma_start3A_49 : memref<1x16xi32, #tpu.memory_space<hbm>> -> memref<16xi32, #tpu.memory_space<hbm>>
      tpu.enqueue_dma source(%dma_start3A_50 : memref<16xi32, #tpu.memory_space<hbm>>) target(%arg12 : memref<16xi32, #tpu.memory_space<vmem>>) target_semaphore(%run_scoped3A : memref<!tpu.dma_semaphore, #tpu.memory_space<semaphore_mem>>)
      %dma_wait3A_51 = arith.constant 0 : i32
      %dma_wait3A_52 = tpu.memref_slice %arg6[%add3A, %dma_wait3A_51] : memref<32x16xi32, #tpu.memory_space<hbm>> -> memref<1x16xi32, #tpu.memory_space<hbm>>
      %dma_wait3A_53 = tpu.memref_squeeze %dma_wait3A_52 : memref<1x16xi32, #tpu.memory_space<hbm>> -> memref<16xi32, #tpu.memory_space<hbm>>
      %dma_wait3A_54 = arith.constant 0 : i32
      %dma_wait3A_55 = tpu.memref_slice %arg6[%add3A, %dma_wait3A_54] : memref<32x16xi32, #tpu.memory_space<hbm>> -> memref<1x16xi32, #tpu.memory_space<hbm>>
      %dma_wait3A_56 = tpu.memref_squeeze %dma_wait3A_55 : memref<1x16xi32, #tpu.memory_space<hbm>> -> memref<16xi32, #tpu.memory_space<hbm>>
      tpu.wait_dma2 semaphore(%run_scoped3A : memref<!tpu.dma_semaphore, #tpu.memory_space<semaphore_mem>>) src(%dma_wait3A_56 : memref<16xi32, #tpu.memory_space<hbm>>) dst(%arg12 : memref<16xi32, #tpu.memory_space<vmem>>)
      tpu.yield
    }) : () -> ()
    %dma_start3A = arith.constant 0 : i32
    %dma_start3A_30 = arith.constant 0 : i32
    %dma_start3A_31 = tpu.memref_slice %arg13[%dma_start3A, %dma_start3A_30] : memref<128x128xf32, #tpu.memory_space<vmem>> -> memref<16x128xf32, #tpu.memory_space<vmem>>
    %dma_start3A_32 = arith.constant 0 : i32
    %dma_start3A_33 = arith.constant 0 : i32
    %dma_start3A_34 = tpu.memref_slice %arg2[%dma_start3A_32, %dma_start3A_33] : memref<10000x128xf32, #tpu.memory_space<hbm>> -> memref<10000x128xf32, #tpu.memory_space<hbm>>
    tpu.enqueue_indirect_dma source(%dma_start3A_34 : memref<10000x128xf32, #tpu.memory_space<hbm>>) target(%dma_start3A_31 : memref<16x128xf32, #tpu.memory_space<vmem>>) offsets(%arg9 : memref<16xi32, #tpu.memory_space<vmem>>) semaphore(%arg16 : memref<!tpu.dma_semaphore, #tpu.memory_space<semaphore_mem>>)
    %dma_wait3A = arith.constant 0 : i32
    %dma_wait3A_35 = arith.constant 0 : i32
    %dma_wait3A_36 = tpu.memref_slice %arg13[%dma_wait3A, %dma_wait3A_35] : memref<128x128xf32, #tpu.memory_space<vmem>> -> memref<16x128xf32, #tpu.memory_space<vmem>>
    %dma_wait3A_37 = arith.constant 0 : i32
    %dma_wait3A_38 = arith.constant 0 : i32
    %dma_wait3A_39 = tpu.memref_slice %arg2[%dma_wait3A_37, %dma_wait3A_38] : memref<10000x128xf32, #tpu.memory_space<hbm>> -> memref<10000x128xf32, #tpu.memory_space<hbm>>
    tpu.wait_indirect_dma semaphore(%arg16 : memref<!tpu.dma_semaphore, #tpu.memory_space<semaphore_mem>>) src(%dma_wait3A_39 : memref<10000x128xf32, #tpu.memory_space<hbm>>) dst(%dma_wait3A_36 : memref<16x128xf32, #tpu.memory_space<vmem>>)
    "tpu.region"() ({
      %run_scoped3A = tpu.sem_alloc : memref<!tpu.dma_semaphore, #tpu.memory_space<semaphore_mem>>
      %dma_start3A_45 = arith.constant 0 : i32
      %dma_start3A_46 = arith.constant 0 : i32
      %dma_start3A_47 = tpu.memref_slice %arg13[%dma_start3A_45, %dma_start3A_46] : memref<128x128xf32, #tpu.memory_space<vmem>> -> memref<16x128xf32, #tpu.memory_space<vmem>>
      %dma_start3A_48 = arith.constant 0 : i32
      %dma_start3A_49 = arith.constant 0 : i32
      %dma_start3A_50 = tpu.memref_slice %arg15[%dma_start3A_48, %dma_start3A_49] : memref<10240x128xf32, #tpu.memory_space<vmem_shared>> -> memref<10240x128xf32, #tpu.memory_space<vmem_shared>>
      tpu.enqueue_indirect_dma source(%dma_start3A_47 : memref<16x128xf32, #tpu.memory_space<vmem>>) target(%dma_start3A_50 : memref<10240x128xf32, #tpu.memory_space<vmem_shared>>) offsets(%arg12 : memref<16xi32, #tpu.memory_space<vmem>>) semaphore(%run_scoped3A : memref<!tpu.dma_semaphore, #tpu.memory_space<semaphore_mem>>) {add = true}
      %dma_wait3A_51 = arith.constant 0 : i32
      %dma_wait3A_52 = arith.constant 0 : i32
      %dma_wait3A_53 = tpu.memref_slice %arg13[%dma_wait3A_51, %dma_wait3A_52] : memref<128x128xf32, #tpu.memory_space<vmem>> -> memref<16x128xf32, #tpu.memory_space<vmem>>
      %dma_wait3A_54 = arith.constant 0 : i32
      %dma_wait3A_55 = arith.constant 0 : i32
      %dma_wait3A_56 = tpu.memref_slice %arg15[%dma_wait3A_54, %dma_wait3A_55] : memref<10240x128xf32, #tpu.memory_space<vmem_shared>> -> memref<10240x128xf32, #tpu.memory_space<vmem_shared>>
      tpu.wait_indirect_dma semaphore(%run_scoped3A : memref<!tpu.dma_semaphore, #tpu.memory_space<semaphore_mem>>) src(%dma_wait3A_53 : memref<16x128xf32, #tpu.memory_space<vmem>>) dst(%dma_wait3A_56 : memref<10240x128xf32, #tpu.memory_space<vmem_shared>>)
      tpu.yield
    }) : () -> ()
    %barrier3A_40 = arith.constant 0 : index
    tpu.barrier barrier_id(%barrier3A_40)
    %mul3A_41 = arith.constant 640 : i32
    %mul3A_42 = arith.muli %arg1, %mul3A_41 : i32
    %mul3A_43 = arith.constant 640 : i32
    %mul3A_44 = arith.muli %arg1, %mul3A_43 : i32
    "tpu.region"() ({
      %run_scoped3A = tpu.sem_alloc : memref<!tpu.dma_semaphore, #tpu.memory_space<semaphore_mem>>
      %dma_start3A_45 = arith.constant 0 : i32
      %dma_start3A_46 = tpu.memref_slice %arg7[%arg0, %mul3A_44, %dma_start3A_45] : memref<2x10240x128xf32, #tpu.memory_space<hbm>> -> memref<1x640x128xf32, #tpu.memory_space<hbm>>
      %dma_start3A_47 = tpu.memref_squeeze %dma_start3A_46 : memref<1x640x128xf32, #tpu.memory_space<hbm>> -> memref<640x128xf32, #tpu.memory_space<hbm>>
      %dma_start3A_48 = arith.constant 0 : i32
      %dma_start3A_49 = tpu.memref_slice %arg15[%mul3A_42, %dma_start3A_48] : memref<10240x128xf32, #tpu.memory_space<vmem_shared>> -> memref<640x128xf32, #tpu.memory_space<vmem_shared>>
      tpu.enqueue_dma source(%dma_start3A_49 : memref<640x128xf32, #tpu.memory_space<vmem_shared>>) target(%dma_start3A_47 : memref<640x128xf32, #tpu.memory_space<hbm>>) target_semaphore(%run_scoped3A : memref<!tpu.dma_semaphore, #tpu.memory_space<semaphore_mem>>)
      %dma_wait3A_50 = arith.constant 0 : i32
      %dma_wait3A_51 = tpu.memref_slice %arg7[%arg0, %mul3A_44, %dma_wait3A_50] : memref<2x10240x128xf32, #tpu.memory_space<hbm>> -> memref<1x640x128xf32, #tpu.memory_space<hbm>>
      %dma_wait3A_52 = tpu.memref_squeeze %dma_wait3A_51 : memref<1x640x128xf32, #tpu.memory_space<hbm>> -> memref<640x128xf32, #tpu.memory_space<hbm>>
      %dma_wait3A_53 = arith.constant 0 : i32
      %dma_wait3A_54 = tpu.memref_slice %arg15[%mul3A_42, %dma_wait3A_53] : memref<10240x128xf32, #tpu.memory_space<vmem_shared>> -> memref<640x128xf32, #tpu.memory_space<vmem_shared>>
      tpu.wait_dma2 semaphore(%run_scoped3A : memref<!tpu.dma_semaphore, #tpu.memory_space<semaphore_mem>>) src(%dma_wait3A_54 : memref<640x128xf32, #tpu.memory_space<vmem_shared>>) dst(%dma_wait3A_52 : memref<640x128xf32, #tpu.memory_space<hbm>>)
      tpu.yield
    }) : () -> ()
    return
  }
}

module attributes {stable_mosaic.version = 14 : i64} {
  func.func @_tc_emb_body(%arg0: memref<10000x128xf32, #tpu.memory_space<vmem>>, %arg1: memref<128x128xf32, #tpu.memory_space<vmem>>, %arg2: memref<128xf32, #tpu.memory_space<vmem>>, %arg3: memref<128x128xf32, #tpu.memory_space<vmem>>, %arg4: memref<2x10240xf32, #tpu.memory_space<vmem>>, %arg5: memref<10000x128xf32, #tpu.memory_space<vmem>>, %arg6: memref<10000x128xf32, #tpu.memory_space<vmem>>) attributes {dimension_semantics = [], scalar_prefetch = 0 : i64, scratch_operands = 0 : i64, tpu.core_type = #tpu.core_type<tc>} {
    %get3A = arith.constant 0 : index
    %get3A_0 = arith.constant 0 : index
    %get3A_1 = vector.load %arg4[%get3A, %get3A_0] : memref<2x10240xf32, #tpu.memory_space<vmem>>, vector<2x10240xf32>
    %slice3A = vector.extract_strided_slice %get3A_1 {offsets = [0, 0], sizes = [1, 10000], strides = [1, 1]} : vector<2x10240xf32> to vector<1x10000xf32>
    %squeeze3A = vector.shape_cast %slice3A : vector<1x10000xf32> to vector<10000xf32>
    %slice3A_2 = vector.extract_strided_slice %get3A_1 {offsets = [1, 0], sizes = [1, 10000], strides = [1, 1]} : vector<2x10240xf32> to vector<1x10000xf32>
    %squeeze3A_3 = vector.shape_cast %slice3A_2 : vector<1x10000xf32> to vector<10000xf32>
    %add3A = arith.addf %squeeze3A, %squeeze3A_3 : vector<10000xf32>
    %add3A_4 = arith.constant 1.000000e+00 : f32
    %add3A_5 = vector.broadcast %add3A_4 : f32 to vector<10000xf32>
    %add3A_6 = arith.addf %add3A, %add3A_5 : vector<10000xf32>
    %sqrt3A = math.sqrt %add3A_6 : vector<10000xf32>
    %div3A = arith.constant 1.000000e+00 : f32
    %div3A_7 = vector.broadcast %div3A : f32 to vector<10000xf32>
    %div3A_8 = arith.divf %div3A_7, %sqrt3A : vector<10000xf32>
    %broadcast_in_dim3A = vector.shape_cast %div3A_8 : vector<10000xf32> to vector<10000x1xf32>
    %get3A_9 = arith.constant 0 : index
    %get3A_10 = arith.constant 0 : index
    %get3A_11 = vector.load %arg0[%get3A_9, %get3A_10] : memref<10000x128xf32, #tpu.memory_space<vmem>>, vector<10000x128xf32>
    %get3A_12 = arith.constant 0 : index
    %get3A_13 = arith.constant 0 : index
    %get3A_14 = vector.load %arg1[%get3A_12, %get3A_13] : memref<128x128xf32, #tpu.memory_space<vmem>>, vector<128x128xf32>
    %dot_general3A = arith.constant dense<0.000000e+00> : vector<10000x128xf32>
    %dot_general3A_15 = tpu.matmul %get3A_11, %get3A_14, %dot_general3A {dimension_numbers = #tpu.dot_dimension_numbers<[1], [0], [0], [1], [0, 0, 1, 1], [], []>, precision = #tpu.contract_precision<fp32>, transpose_lhs_hint = false} : vector<10000x128xf32>, vector<128x128xf32>, vector<10000x128xf32> -> vector<10000x128xf32>
    %get3A_16 = arith.constant 0 : index
    %get3A_17 = vector.load %arg2[%get3A_16] : memref<128xf32, #tpu.memory_space<vmem>>, vector<128xf32>
    %broadcast_in_dim3A_18 = vector.shape_cast %get3A_17 : vector<128xf32> to vector<1x128xf32>
    %add3A_19 = vector.broadcast %broadcast_in_dim3A_18 : vector<1x128xf32> to vector<10000x128xf32>
    %add3A_20 = arith.addf %dot_general3A_15, %add3A_19 : vector<10000x128xf32>
    %get3A_21 = arith.constant 0 : index
    %get3A_22 = arith.constant 0 : index
    %get3A_23 = vector.load %arg3[%get3A_21, %get3A_22] : memref<128x128xf32, #tpu.memory_space<vmem>>, vector<128x128xf32>
    %dot_general3A_24 = arith.constant dense<0.000000e+00> : vector<10000x128xf32>
    %dot_general3A_25 = tpu.matmul %add3A_20, %get3A_23, %dot_general3A_24 {dimension_numbers = #tpu.dot_dimension_numbers<[1], [0], [0], [1], [0, 0, 1, 1], [], []>, precision = #tpu.contract_precision<fp32>, transpose_lhs_hint = false} : vector<10000x128xf32>, vector<128x128xf32>, vector<10000x128xf32> -> vector<10000x128xf32>
    %swap3A = arith.constant 0 : index
    %swap3A_26 = arith.constant 0 : index
    %swap3A_27 = vector.load %arg5[%swap3A, %swap3A_26] : memref<10000x128xf32, #tpu.memory_space<vmem>>, vector<10000x128xf32>
    tpu.vector_store %arg5[%swap3A, %swap3A_26], %add3A_20 {strides = array<i32>} : memref<10000x128xf32, #tpu.memory_space<vmem>>, vector<10000x128xf32>,
    %mul3A = vector.broadcast %broadcast_in_dim3A : vector<10000x1xf32> to vector<10000x128xf32>
    %mul3A_28 = arith.mulf %dot_general3A_25, %mul3A : vector<10000x128xf32>
    %swap3A_29 = arith.constant 0 : index
    %swap3A_30 = arith.constant 0 : index
    %swap3A_31 = vector.load %arg6[%swap3A_29, %swap3A_30] : memref<10000x128xf32, #tpu.memory_space<vmem>>, vector<10000x128xf32>
    tpu.vector_store %arg6[%swap3A_29, %swap3A_30], %mul3A_28 {strides = array<i32>} : memref<10000x128xf32, #tpu.memory_space<vmem>>, vector<10000x128xf32>,
    return
  }
}

module attributes {stable_mosaic.version = 14 : i64} {
  func.func @_tc_norm_body(%arg0: memref<2x10240x128xf32, #tpu.memory_space<vmem>>, %arg1: memref<10000x128xf32, #tpu.memory_space<vmem>>, %arg2: memref<10000x128xf32, #tpu.memory_space<vmem>>, %arg3: memref<2x10240xf32, #tpu.memory_space<vmem>>, %arg4: memref<128xf32, #tpu.memory_space<vmem>>, %arg5: memref<128xf32, #tpu.memory_space<vmem>>, %arg6: memref<128xf32, #tpu.memory_space<vmem>>, %arg7: memref<128x128xf32, #tpu.memory_space<vmem>>, %arg8: memref<10000x128xf32, #tpu.memory_space<vmem>>, %arg9: memref<10000x128xf32, #tpu.memory_space<vmem>>) attributes {dimension_semantics = [], scalar_prefetch = 0 : i64, scratch_operands = 0 : i64, tpu.core_type = #tpu.core_type<tc>} {
    %get3A = arith.constant 0 : index
    %get3A_0 = arith.constant 0 : index
    %get3A_1 = vector.load %arg3[%get3A, %get3A_0] : memref<2x10240xf32, #tpu.memory_space<vmem>>, vector<2x10240xf32>
    %slice3A = vector.extract_strided_slice %get3A_1 {offsets = [0, 0], sizes = [1, 10000], strides = [1, 1]} : vector<2x10240xf32> to vector<1x10000xf32>
    %squeeze3A = vector.shape_cast %slice3A : vector<1x10000xf32> to vector<10000xf32>
    %slice3A_2 = vector.extract_strided_slice %get3A_1 {offsets = [1, 0], sizes = [1, 10000], strides = [1, 1]} : vector<2x10240xf32> to vector<1x10000xf32>
    %squeeze3A_3 = vector.shape_cast %slice3A_2 : vector<1x10000xf32> to vector<10000xf32>
    %add3A = arith.addf %squeeze3A, %squeeze3A_3 : vector<10000xf32>
    %add3A_4 = arith.constant 1.000000e+00 : f32
    %add3A_5 = vector.broadcast %add3A_4 : f32 to vector<10000xf32>
    %add3A_6 = arith.addf %add3A, %add3A_5 : vector<10000xf32>
    %sqrt3A = math.sqrt %add3A_6 : vector<10000xf32>
    %div3A = arith.constant 1.000000e+00 : f32
    %div3A_7 = vector.broadcast %div3A : f32 to vector<10000xf32>
    %div3A_8 = arith.divf %div3A_7, %sqrt3A : vector<10000xf32>
    %broadcast_in_dim3A = vector.shape_cast %div3A_8 : vector<10000xf32> to vector<10000x1xf32>
    %get3A_9 = arith.constant 0 : index
    %get3A_10 = arith.constant 0 : index
    %get3A_11 = arith.constant 0 : index
    %get3A_12 = vector.load %arg0[%get3A_9, %get3A_10, %get3A_11] : memref<2x10240x128xf32, #tpu.memory_space<vmem>>, vector<2x10240x128xf32>
    %slice3A_13 = vector.extract_strided_slice %get3A_12 {offsets = [0, 0, 0], sizes = [1, 10000, 128], strides = [1, 1, 1]} : vector<2x10240x128xf32> to vector<1x10000x128xf32>
    %squeeze3A_14 = vector.shape_cast %slice3A_13 : vector<1x10000x128xf32> to vector<10000x128xf32>
    %slice3A_15 = vector.extract_strided_slice %get3A_12 {offsets = [1, 0, 0], sizes = [1, 10000, 128], strides = [1, 1, 1]} : vector<2x10240x128xf32> to vector<1x10000x128xf32>
    %squeeze3A_16 = vector.shape_cast %slice3A_15 : vector<1x10000x128xf32> to vector<10000x128xf32>
    %add3A_17 = arith.addf %squeeze3A_14, %squeeze3A_16 : vector<10000x128xf32>
    %get3A_18 = arith.constant 0 : index
    %get3A_19 = arith.constant 0 : index
    %get3A_20 = vector.load %arg1[%get3A_18, %get3A_19] : memref<10000x128xf32, #tpu.memory_space<vmem>>, vector<10000x128xf32>
    %add3A_21 = arith.addf %add3A_17, %get3A_20 : vector<10000x128xf32>
    %mul3A = vector.broadcast %broadcast_in_dim3A : vector<10000x1xf32> to vector<10000x128xf32>
    %mul3A_22 = arith.mulf %mul3A, %add3A_21 : vector<10000x128xf32>
    %get3A_23 = arith.constant 0 : index
    %get3A_24 = vector.load %arg4[%get3A_23] : memref<128xf32, #tpu.memory_space<vmem>>, vector<128xf32>
    %broadcast_in_dim3A_25 = vector.shape_cast %get3A_24 : vector<128xf32> to vector<1x128xf32>
    %add3A_26 = vector.broadcast %broadcast_in_dim3A_25 : vector<1x128xf32> to vector<10000x128xf32>
    %add3A_27 = arith.addf %mul3A_22, %add3A_26 : vector<10000x128xf32>
    %reduce_sum3A = arith.constant dense<0.000000e+00> : vector<128xf32>
    %reduce_sum3A_28 = vector.multi_reduction <add>, %add3A_27, %reduce_sum3A [0] : vector<10000x128xf32> to vector<128xf32>
    %div3A_29 = arith.constant 1.000000e+04 : f32
    %div3A_30 = vector.broadcast %div3A_29 : f32 to vector<128xf32>
    %div3A_31 = arith.divf %reduce_sum3A_28, %div3A_30 : vector<128xf32>
    %broadcast_in_dim3A_32 = vector.shape_cast %div3A_31 : vector<128xf32> to vector<1x128xf32>
    %sub3A = vector.broadcast %broadcast_in_dim3A_32 : vector<1x128xf32> to vector<10000x128xf32>
    %sub3A_33 = arith.subf %add3A_27, %sub3A : vector<10000x128xf32>
    %mul3A_34 = arith.mulf %sub3A_33, %sub3A_33 : vector<10000x128xf32>
    %reduce_sum3A_35 = arith.constant dense<0.000000e+00> : vector<128xf32>
    %reduce_sum3A_36 = vector.multi_reduction <add>, %mul3A_34, %reduce_sum3A_35 [0] : vector<10000x128xf32> to vector<128xf32>
    %div3A_37 = arith.constant 1.000000e+04 : f32
    %div3A_38 = vector.broadcast %div3A_37 : f32 to vector<128xf32>
    %div3A_39 = arith.divf %reduce_sum3A_36, %div3A_38 : vector<128xf32>
    %add3A_40 = arith.constant 9.99999974E-6 : f32
    %add3A_41 = vector.broadcast %add3A_40 : f32 to vector<128xf32>
    %add3A_42 = arith.addf %div3A_39, %add3A_41 : vector<128xf32>
    %rsqrt3A = math.rsqrt %add3A_42 : vector<128xf32>
    %broadcast_in_dim3A_43 = vector.shape_cast %rsqrt3A : vector<128xf32> to vector<1x128xf32>
    %mul3A_44 = vector.broadcast %broadcast_in_dim3A_43 : vector<1x128xf32> to vector<10000x128xf32>
    %mul3A_45 = arith.mulf %sub3A_33, %mul3A_44 : vector<10000x128xf32>
    %get3A_46 = arith.constant 0 : index
    %get3A_47 = vector.load %arg5[%get3A_46] : memref<128xf32, #tpu.memory_space<vmem>>, vector<128xf32>
    %broadcast_in_dim3A_48 = vector.shape_cast %get3A_47 : vector<128xf32> to vector<1x128xf32>
    %mul3A_49 = vector.broadcast %broadcast_in_dim3A_48 : vector<1x128xf32> to vector<10000x128xf32>
    %mul3A_50 = arith.mulf %mul3A_45, %mul3A_49 : vector<10000x128xf32>
    %get3A_51 = arith.constant 0 : index
    %get3A_52 = vector.load %arg6[%get3A_51] : memref<128xf32, #tpu.memory_space<vmem>>, vector<128xf32>
    %broadcast_in_dim3A_53 = vector.shape_cast %get3A_52 : vector<128xf32> to vector<1x128xf32>
    %add3A_54 = vector.broadcast %broadcast_in_dim3A_53 : vector<1x128xf32> to vector<10000x128xf32>
    %add3A_55 = arith.addf %mul3A_50, %add3A_54 : vector<10000x128xf32>
    %max3A = arith.constant 0.000000e+00 : f32
    %max3A_56 = vector.broadcast %max3A : f32 to vector<10000x128xf32>
    %max3A_57 = arith.maximumf %add3A_55, %max3A_56 : vector<10000x128xf32>
    %get3A_58 = arith.constant 0 : index
    %get3A_59 = arith.constant 0 : index
    %get3A_60 = vector.load %arg2[%get3A_58, %get3A_59] : memref<10000x128xf32, #tpu.memory_space<vmem>>, vector<10000x128xf32>
    %add3A_61 = arith.addf %max3A_57, %get3A_60 : vector<10000x128xf32>
    %swap3A = arith.constant 0 : index
    %swap3A_62 = arith.constant 0 : index
    %swap3A_63 = vector.load %arg8[%swap3A, %swap3A_62] : memref<10000x128xf32, #tpu.memory_space<vmem>>, vector<10000x128xf32>
    tpu.vector_store %arg8[%swap3A, %swap3A_62], %add3A_61 {strides = array<i32>} : memref<10000x128xf32, #tpu.memory_space<vmem>>, vector<10000x128xf32>,
    %get3A_64 = arith.constant 0 : index
    %get3A_65 = arith.constant 0 : index
    %get3A_66 = vector.load %arg7[%get3A_64, %get3A_65] : memref<128x128xf32, #tpu.memory_space<vmem>>, vector<128x128xf32>
    %dot_general3A = arith.constant dense<0.000000e+00> : vector<10000x128xf32>
    %dot_general3A_67 = tpu.matmul %add3A_61, %get3A_66, %dot_general3A {dimension_numbers = #tpu.dot_dimension_numbers<[1], [0], [0], [1], [0, 0, 1, 1], [], []>, precision = #tpu.contract_precision<fp32>, transpose_lhs_hint = false} : vector<10000x128xf32>, vector<128x128xf32>, vector<10000x128xf32> -> vector<10000x128xf32>
    %mul3A_68 = vector.broadcast %broadcast_in_dim3A : vector<10000x1xf32> to vector<10000x128xf32>
    %mul3A_69 = arith.mulf %dot_general3A_67, %mul3A_68 : vector<10000x128xf32>
    %swap3A_70 = arith.constant 0 : index
    %swap3A_71 = arith.constant 0 : index
    %swap3A_72 = vector.load %arg9[%swap3A_70, %swap3A_71] : memref<10000x128xf32, #tpu.memory_space<vmem>>, vector<10000x128xf32>
    tpu.vector_store %arg9[%swap3A_70, %swap3A_71], %mul3A_69 {strides = array<i32>} : memref<10000x128xf32, #tpu.memory_space<vmem>>, vector<10000x128xf32>,
    return
  }
}

module attributes {stable_mosaic.version = 14 : i64} {
  func.func @_tc_final_body(%arg0: memref<2x10240x128xf32, #tpu.memory_space<vmem>>, %arg1: memref<10000x128xf32, #tpu.memory_space<vmem>>, %arg2: memref<10000x128xf32, #tpu.memory_space<vmem>>, %arg3: memref<2x10240xf32, #tpu.memory_space<vmem>>, %arg4: memref<128xf32, #tpu.memory_space<vmem>>, %arg5: memref<128xf32, #tpu.memory_space<vmem>>, %arg6: memref<128xf32, #tpu.memory_space<vmem>>, %arg7: memref<1x10000xi32, #tpu.memory_space<vmem>>, %arg8: memref<128x64xf32, #tpu.memory_space<vmem>>, %arg9: memref<64xf32, #tpu.memory_space<vmem>>, %arg10: memref<64x1xf32, #tpu.memory_space<vmem>>, %arg11: memref<1xf32, #tpu.memory_space<vmem>>, %arg12: memref<256x1xf32, #tpu.memory_space<vmem>>) attributes {dimension_semantics = [], scalar_prefetch = 0 : i64, scratch_operands = 0 : i64, tpu.core_type = #tpu.core_type<tc>} {
    %get3A = arith.constant 0 : index
    %get3A_0 = arith.constant 0 : index
    %get3A_1 = vector.load %arg3[%get3A, %get3A_0] : memref<2x10240xf32, #tpu.memory_space<vmem>>, vector<2x10240xf32>
    %slice3A = vector.extract_strided_slice %get3A_1 {offsets = [0, 0], sizes = [1, 10000], strides = [1, 1]} : vector<2x10240xf32> to vector<1x10000xf32>
    %squeeze3A = vector.shape_cast %slice3A : vector<1x10000xf32> to vector<10000xf32>
    %slice3A_2 = vector.extract_strided_slice %get3A_1 {offsets = [1, 0], sizes = [1, 10000], strides = [1, 1]} : vector<2x10240xf32> to vector<1x10000xf32>
    %squeeze3A_3 = vector.shape_cast %slice3A_2 : vector<1x10000xf32> to vector<10000xf32>
    %add3A = arith.addf %squeeze3A, %squeeze3A_3 : vector<10000xf32>
    %add3A_4 = arith.constant 1.000000e+00 : f32
    %add3A_5 = vector.broadcast %add3A_4 : f32 to vector<10000xf32>
    %add3A_6 = arith.addf %add3A, %add3A_5 : vector<10000xf32>
    %sqrt3A = math.sqrt %add3A_6 : vector<10000xf32>
    %div3A = arith.constant 1.000000e+00 : f32
    %div3A_7 = vector.broadcast %div3A : f32 to vector<10000xf32>
    %div3A_8 = arith.divf %div3A_7, %sqrt3A : vector<10000xf32>
    %broadcast_in_dim3A = vector.shape_cast %div3A_8 : vector<10000xf32> to vector<10000x1xf32>
    %get3A_9 = arith.constant 0 : index
    %get3A_10 = arith.constant 0 : index
    %get3A_11 = arith.constant 0 : index
    %get3A_12 = vector.load %arg0[%get3A_9, %get3A_10, %get3A_11] : memref<2x10240x128xf32, #tpu.memory_space<vmem>>, vector<2x10240x128xf32>
    %slice3A_13 = vector.extract_strided_slice %get3A_12 {offsets = [0, 0, 0], sizes = [1, 10000, 128], strides = [1, 1, 1]} : vector<2x10240x128xf32> to vector<1x10000x128xf32>
    %squeeze3A_14 = vector.shape_cast %slice3A_13 : vector<1x10000x128xf32> to vector<10000x128xf32>
    %slice3A_15 = vector.extract_strided_slice %get3A_12 {offsets = [1, 0, 0], sizes = [1, 10000, 128], strides = [1, 1, 1]} : vector<2x10240x128xf32> to vector<1x10000x128xf32>
    %squeeze3A_16 = vector.shape_cast %slice3A_15 : vector<1x10000x128xf32> to vector<10000x128xf32>
    %add3A_17 = arith.addf %squeeze3A_14, %squeeze3A_16 : vector<10000x128xf32>
    %get3A_18 = arith.constant 0 : index
    %get3A_19 = arith.constant 0 : index
    %get3A_20 = vector.load %arg1[%get3A_18, %get3A_19] : memref<10000x128xf32, #tpu.memory_space<vmem>>, vector<10000x128xf32>
    %add3A_21 = arith.addf %add3A_17, %get3A_20 : vector<10000x128xf32>
    %mul3A = vector.broadcast %broadcast_in_dim3A : vector<10000x1xf32> to vector<10000x128xf32>
    %mul3A_22 = arith.mulf %mul3A, %add3A_21 : vector<10000x128xf32>
    %get3A_23 = arith.constant 0 : index
    %get3A_24 = vector.load %arg4[%get3A_23] : memref<128xf32, #tpu.memory_space<vmem>>, vector<128xf32>
    %broadcast_in_dim3A_25 = vector.shape_cast %get3A_24 : vector<128xf32> to vector<1x128xf32>
    %add3A_26 = vector.broadcast %broadcast_in_dim3A_25 : vector<1x128xf32> to vector<10000x128xf32>
    %add3A_27 = arith.addf %mul3A_22, %add3A_26 : vector<10000x128xf32>
    %reduce_sum3A = arith.constant dense<0.000000e+00> : vector<128xf32>
    %reduce_sum3A_28 = vector.multi_reduction <add>, %add3A_27, %reduce_sum3A [0] : vector<10000x128xf32> to vector<128xf32>
    %div3A_29 = arith.constant 1.000000e+04 : f32
    %div3A_30 = vector.broadcast %div3A_29 : f32 to vector<128xf32>
    %div3A_31 = arith.divf %reduce_sum3A_28, %div3A_30 : vector<128xf32>
    %broadcast_in_dim3A_32 = vector.shape_cast %div3A_31 : vector<128xf32> to vector<1x128xf32>
    %sub3A = vector.broadcast %broadcast_in_dim3A_32 : vector<1x128xf32> to vector<10000x128xf32>
    %sub3A_33 = arith.subf %add3A_27, %sub3A : vector<10000x128xf32>
    %mul3A_34 = arith.mulf %sub3A_33, %sub3A_33 : vector<10000x128xf32>
    %reduce_sum3A_35 = arith.constant dense<0.000000e+00> : vector<128xf32>
    %reduce_sum3A_36 = vector.multi_reduction <add>, %mul3A_34, %reduce_sum3A_35 [0] : vector<10000x128xf32> to vector<128xf32>
    %div3A_37 = arith.constant 1.000000e+04 : f32
    %div3A_38 = vector.broadcast %div3A_37 : f32 to vector<128xf32>
    %div3A_39 = arith.divf %reduce_sum3A_36, %div3A_38 : vector<128xf32>
    %add3A_40 = arith.constant 9.99999974E-6 : f32
    %add3A_41 = vector.broadcast %add3A_40 : f32 to vector<128xf32>
    %add3A_42 = arith.addf %div3A_39, %add3A_41 : vector<128xf32>
    %rsqrt3A = math.rsqrt %add3A_42 : vector<128xf32>
    %broadcast_in_dim3A_43 = vector.shape_cast %rsqrt3A : vector<128xf32> to vector<1x128xf32>
    %mul3A_44 = vector.broadcast %broadcast_in_dim3A_43 : vector<1x128xf32> to vector<10000x128xf32>
    %mul3A_45 = arith.mulf %sub3A_33, %mul3A_44 : vector<10000x128xf32>
    %get3A_46 = arith.constant 0 : index
    %get3A_47 = vector.load %arg5[%get3A_46] : memref<128xf32, #tpu.memory_space<vmem>>, vector<128xf32>
    %broadcast_in_dim3A_48 = vector.shape_cast %get3A_47 : vector<128xf32> to vector<1x128xf32>
    %mul3A_49 = vector.broadcast %broadcast_in_dim3A_48 : vector<1x128xf32> to vector<10000x128xf32>
    %mul3A_50 = arith.mulf %mul3A_45, %mul3A_49 : vector<10000x128xf32>
    %get3A_51 = arith.constant 0 : index
    %get3A_52 = vector.load %arg6[%get3A_51] : memref<128xf32, #tpu.memory_space<vmem>>, vector<128xf32>
    %broadcast_in_dim3A_53 = vector.shape_cast %get3A_52 : vector<128xf32> to vector<1x128xf32>
    %add3A_54 = vector.broadcast %broadcast_in_dim3A_53 : vector<1x128xf32> to vector<10000x128xf32>
    %add3A_55 = arith.addf %mul3A_50, %add3A_54 : vector<10000x128xf32>
    %max3A = arith.constant 0.000000e+00 : f32
    %max3A_56 = vector.broadcast %max3A : f32 to vector<10000x128xf32>
    %max3A_57 = arith.maximumf %add3A_55, %max3A_56 : vector<10000x128xf32>
    %get3A_58 = arith.constant 0 : index
    %get3A_59 = arith.constant 0 : index
    %get3A_60 = vector.load %arg2[%get3A_58, %get3A_59] : memref<10000x128xf32, #tpu.memory_space<vmem>>, vector<10000x128xf32>
    %add3A_61 = arith.addf %max3A_57, %get3A_60 : vector<10000x128xf32>
    %iota3A = tpu.iota {dimensions = array<i32: 0>} : vector<256x10000xi32>
    %get3A_62 = arith.constant 0 : index
    %get3A_63 = arith.constant 0 : index
    %get3A_64 = vector.load %arg7[%get3A_62, %get3A_63] : memref<1x10000xi32, #tpu.memory_space<vmem>>, vector<1x10000xi32>
    %eq3A = vector.broadcast %get3A_64 : vector<1x10000xi32> to vector<256x10000xi32>
    %eq3A_65 = arith.cmpi eq, %iota3A, %eq3A : vector<256x10000xi32>
    %convert_element_type3A = arith.extui %eq3A_65 : vector<256x10000xi1> to vector<256x10000xi32>
    %convert_element_type3A_66 = arith.sitofp %convert_element_type3A : vector<256x10000xi32> to vector<256x10000xf32>
    %dot_general3A = arith.constant dense<0.000000e+00> : vector<256x128xf32>
    %dot_general3A_67 = tpu.matmul %convert_element_type3A_66, %add3A_61, %dot_general3A {dimension_numbers = #tpu.dot_dimension_numbers<[1], [0], [0], [1], [0, 0, 1, 1], [], []>, precision = #tpu.contract_precision<fp32>, transpose_lhs_hint = false} : vector<256x10000xf32>, vector<10000x128xf32>, vector<256x128xf32> -> vector<256x128xf32>
    %reduce_sum3A_68 = arith.constant dense<0.000000e+00> : vector<256xf32>
    %reduce_sum3A_69 = vector.multi_reduction <add>, %convert_element_type3A_66, %reduce_sum3A_68 [1] : vector<256x10000xf32> to vector<256xf32>
    %max3A_70 = arith.constant 1.000000e+00 : f32
    %max3A_71 = vector.broadcast %max3A_70 : f32 to vector<256xf32>
    %max3A_72 = arith.maximumf %reduce_sum3A_69, %max3A_71 : vector<256xf32>
    %broadcast_in_dim3A_73 = vector.shape_cast %max3A_72 : vector<256xf32> to vector<256x1xf32>
    %div3A_74 = vector.broadcast %broadcast_in_dim3A_73 : vector<256x1xf32> to vector<256x128xf32>
    %div3A_75 = arith.divf %dot_general3A_67, %div3A_74 : vector<256x128xf32>
    %get3A_76 = arith.constant 0 : index
    %get3A_77 = arith.constant 0 : index
    %get3A_78 = vector.load %arg8[%get3A_76, %get3A_77] : memref<128x64xf32, #tpu.memory_space<vmem>>, vector<128x64xf32>
    %dot_general3A_79 = arith.constant dense<0.000000e+00> : vector<256x64xf32>
    %dot_general3A_80 = tpu.matmul %div3A_75, %get3A_78, %dot_general3A_79 {dimension_numbers = #tpu.dot_dimension_numbers<[1], [0], [0], [1], [0, 0, 1, 1], [], []>, precision = #tpu.contract_precision<fp32>, transpose_lhs_hint = false} : vector<256x128xf32>, vector<128x64xf32>, vector<256x64xf32> -> vector<256x64xf32>
    %get3A_81 = arith.constant 0 : index
    %get3A_82 = vector.load %arg9[%get3A_81] : memref<64xf32, #tpu.memory_space<vmem>>, vector<64xf32>
    %broadcast_in_dim3A_83 = vector.shape_cast %get3A_82 : vector<64xf32> to vector<1x64xf32>
    %add3A_84 = vector.broadcast %broadcast_in_dim3A_83 : vector<1x64xf32> to vector<256x64xf32>
    %add3A_85 = arith.addf %dot_general3A_80, %add3A_84 : vector<256x64xf32>
    %max3A_86 = arith.constant 0.000000e+00 : f32
    %max3A_87 = vector.broadcast %max3A_86 : f32 to vector<256x64xf32>
    %max3A_88 = arith.maximumf %add3A_85, %max3A_87 : vector<256x64xf32>
    %get3A_89 = arith.constant 0 : index
    %get3A_90 = arith.constant 0 : index
    %get3A_91 = vector.load %arg10[%get3A_89, %get3A_90] : memref<64x1xf32, #tpu.memory_space<vmem>>, vector<64x1xf32>
    %dot_general3A_92 = arith.constant dense<0.000000e+00> : vector<256x1xf32>
    %dot_general3A_93 = tpu.matmul %max3A_88, %get3A_91, %dot_general3A_92 {dimension_numbers = #tpu.dot_dimension_numbers<[1], [0], [0], [1], [0, 0, 1, 1], [], []>, precision = #tpu.contract_precision<fp32>, transpose_lhs_hint = false} : vector<256x64xf32>, vector<64x1xf32>, vector<256x1xf32> -> vector<256x1xf32>
    %get3A_94 = arith.constant 0 : index
    %get3A_95 = vector.load %arg11[%get3A_94] : memref<1xf32, #tpu.memory_space<vmem>>, vector<1xf32>
    %broadcast_in_dim3A_96 = vector.shape_cast %get3A_95 : vector<1xf32> to vector<1x1xf32>
    %add3A_97 = vector.broadcast %broadcast_in_dim3A_96 : vector<1x1xf32> to vector<256x1xf32>
    %add3A_98 = arith.addf %dot_general3A_93, %add3A_97 : vector<256x1xf32>
    %swap3A = arith.constant 0 : index
    %swap3A_99 = arith.constant 0 : index
    %swap3A_100 = vector.load %arg12[%swap3A, %swap3A_99] : memref<256x1xf32, #tpu.memory_space<vmem>>, vector<256x1xf32>
    tpu.vector_store %arg12[%swap3A, %swap3A_99], %add3A_98 {strides = array<i32>} : memref<256x1xf32, #tpu.memory_space<vmem>>, vector<256x1xf32>,
    return
  }
}

</mosaic_0001>

<sc_bundles>
// kernel: kernel.10.cloned.1.call-start
scs
__scs_entry_jumppad:
0x0: {  	(pc) =	sbr.rel $0x88, $3  }
0x1: {  	(tag) =	ssettag $0x0;
	lr =	simm.s32 $0x1  }
0x2: {  	[smem:$0x3F94] =	sst lr;
	_ =	strace $0xD0000000  }
0x3: {  	_ = 	snop  }
0x4: {  	_ = 	snop  }
0x5: {  	_ = 	snop  }
0x6: {  	_ = 	snop  }
0x7: {  	_ = 	snop  }
__scs_overlays_trampoline_lowered:
0x8: {  	[smem:$0x3FA3] =	sst s0  }
0x9: {  	[smem:$0x3FA4] =	sst s1  }
0xa: {  	[smem:$0x3FA5] =	sst s2  }
0xb: {  	[smem:$0x3FA6] =	sst s3  }
0xc: {  	[smem:$0x3FA7] =	sst s4  }
0xd: {  	[smem:$0x3FA8] =	sst s5  }
0xe: {  	[smem:$0x3FA9] =	sst s6  }
0xf: {  	[smem:$0x3FAA] =	sst s7  }
0x10: {  	[smem:$0x3FAB] =	sst s8  }
0x11: {  	[smem:$0x3FAC] =	sst s9;
	s0 =	simm.s32 @!p0 $0x0  }
0x12: {  	s1 =	sld [smem:$0x3F92];
	s0 =	simm.s32 @p0 $0x1  }
0x13: {  	[smem:$0x3FAD] =	sst s0;
	s0 =	simm.s32 @!p1 $0x0  }
0x14: {  	s2 =	sld [smem:$0x3F91];
	s0 =	simm.s32 @p1 $0x1  }
0x15: {  	[smem:$0x3FAE] =	sst s0;
	s0 =	simm.s32 @!p2 $0x0  }
0x16: {  	s3 =	sld [smem:$0x3FDB];
	s0 =	simm.s32 @p2 $0x1  }
0x17: {  	s4 =	simm.s32 $0x1BF5;
	[smem:$0x3FB0] =	sst s0  }
0x18: {  	s0 =	sld [smem:$0x3F93];
	_ =	swait.ge [sflag:s4], $0x0  }
0x19: {  	s7 =	sld [smem:$0x3F94]  }
0x1a: {  	s8 =	sadd.s32 $0xFFFFE003, lr  }
0x1b: {  	s9 =	sadd.s32 $0xFFFFFEF7, lr;
	s5 =	simm.s32 $0xFFFFFFFF;
	p2 =	slt.u32 s8, $0xFFFFF086  }
0x1c: {  	p1 =	slt.u32 s9, $0xF7A;
	s5 =	simm.s32 @!p2 $0x0  }
0x1d: {  	s5 =	simm.s32 @p1 $0x1;
	p0 =	seq.s32 s7, s2  }
0x1e: {  	s7 =	smul.u32 @!p0 $0xF7A, s2;
	p2 =	seq.s32 @!p0 s5, $0x0  }
0x1f: {  	s9 =	smul.u32 $0xF7A, s1;
	s8 =	simm.s32 @!p0 $0x1BF5;
	p2 =	por !p2, p0  }
0x20: {  	[sflag:s8] =	ssyncset.s32 @!p0 $0xFFFFF086;
	s6 =	sadd.s32 @!p0 s3, s7;
	s7 =	simm.s32 @!p0 $0x108  }
0x21: {  	s3 =	sadd.s32 s3, s9;
	s6 =	sadd.s32 @!p0 $0x88, s6;
	s7 =	simm.s32 @p2 $0x1082  }
0x22: {  	[simem:s7], [sflag:s8] =	dma.local @!p0 [hbm:s6], $0xF7A  }
0x23: {  	s9 =	sor.u32 $0xD0000000, s2;
	s6 =	simm.s32 $0x108;
	_ =	swait.ge @!p0 [sflag:s8], $0x0  }
0x24: {  	s3 =	sadd.s32 $0x88, s3;
	s6 =	simm.s32 @!p1 $0x1082;
	[sflag:s4] =	ssyncset.s32 $0xFFFFF086  }
0x25: {  	[simem:s6], [sflag:s4] =	dma.local [hbm:s3], $0xF7A  }
0x26: {  	[smem:$0x3F94] =	sst s1;
	(tag) =	ssettag s2;
	_ =	strace s9  }
0x27: {  	s1 =	sld [smem:$0x3FA4]  }
0x28: {  	s2 =	sld [smem:$0x3FA5]  }
0x29: {  	s4 =	sld [smem:$0x3FA7]  }
0x2a: {  	p0 =	seq.s32 s5, $0x0;
	s5 =	sld [smem:$0x3FA8]  }
0x2b: {  	s6 =	sld [smem:$0x3FA9]  }
0x2c: {  	s7 =	sld [smem:$0x3FAA]  }
0x2d: {  	s3 =	simm.s32 $0x108;
	s8 =	sld [smem:$0x3FAB]  }
0x2e: {  	s3 =	simm.s32 @!p0 $0x1082;
	s9 =	sld [smem:$0x3FAC]  }
0x2f: {  	lr =	sadd.s32 s0, s3;
	s0 =	sld [smem:$0x3FA3]  }
0x30: {  	s3 =	sld [smem:$0x3FA6]  }
0x31: {  	[smem:$0x3FAF] =	sst s10  }
0x32: {  	s10 =	sld [smem:$0x3FAD];
	_ =	sdelay $0x3  }
0x33: {  	p0 =	seq.s32 s10, $0x1;
	s10 =	sld [smem:$0x3FAF];
	_ =	sdelay $0x3  }
0x34: {  	[smem:$0x3FAF] =	sst s10  }
0x35: {  	s10 =	sld [smem:$0x3FAE];
	_ =	sdelay $0x3  }
0x36: {  	p1 =	seq.s32 s10, $0x1;
	s10 =	sld [smem:$0x3FAF];
	_ =	sdelay $0x3  }
0x37: {  	[smem:$0x3FAF] =	sst s10  }
0x38: {  	s10 =	sld [smem:$0x3FB0]  }
0x39: {  	_ = 	snop;
	(pc) =	sbr.ind lr, $3  }
0x3a: {  	_ = 	snop  }
0x3b: {  	_ = 	snop  }
0x3c: {  	p2 =	seq.s32 s10, $0x1;
	s10 =	sld [smem:$0x3FAF]  }
0x3d: {  	_ =	shalt  }
0x3e: {  	_ =	shalt  }
0x3f: {  	_ =	shalt  }
0x40: {  	_ =	shalt  }
0x41: {  	_ =	shalt  }
0x42: {  	_ =	shalt  }
0x43: {  	_ =	shalt  }
0x44: {  	_ =	shalt  }
0x45: {  	_ =	shalt  }
0x46: {  	_ =	shalt  }
0x47: {  	_ =	shalt  }
0x48: {  	_ =	shalt  }
0x49: {  	_ =	shalt  }
0x4a: {  	_ =	shalt  }
0x4b: {  	_ =	shalt  }
0x4c: {  	_ =	shalt  }
0x4d: {  	_ =	shalt  }
0x4e: {  	_ =	shalt  }
0x4f: {  	_ =	shalt  }
0x50: {  	_ =	shalt  }
0x51: {  	_ =	shalt  }
0x52: {  	_ =	shalt  }
0x53: {  	_ =	shalt  }
0x54: {  	_ =	shalt  }
0x55: {  	_ =	shalt  }
0x56: {  	_ =	shalt  }
0x57: {  	_ =	shalt  }
0x58: {  	_ =	shalt  }
0x59: {  	_ =	shalt  }
0x5a: {  	_ =	shalt  }
0x5b: {  	_ =	shalt  }
0x5c: {  	_ =	shalt  }
0x5d: {  	_ =	shalt  }
0x5e: {  	_ =	shalt  }
0x5f: {  	_ =	shalt  }
0x60: {  	_ =	shalt  }
0x61: {  	_ =	shalt  }
0x62: {  	_ =	shalt  }
0x63: {  	_ =	shalt  }
0x64: {  	_ =	shalt  }
0x65: {  	_ =	shalt  }
0x66: {  	_ =	shalt  }
0x67: {  	_ =	shalt  }
0x68: {  	_ =	shalt  }
0x69: {  	_ =	shalt  }
0x6a: {  	_ =	shalt  }
0x6b: {  	_ =	shalt  }
0x6c: {  	_ =	shalt  }
0x6d: {  	_ =	shalt  }
0x6e: {  	_ =	shalt  }
0x6f: {  	_ =	shalt  }
0x70: {  	_ =	shalt  }
0x71: {  	_ =	shalt  }
0x72: {  	_ =	shalt  }
0x73: {  	_ =	shalt  }
0x74: {  	_ =	shalt  }
0x75: {  	_ =	shalt  }
0x76: {  	_ =	shalt  }
0x77: {  	_ =	shalt  }
0x78: {  	_ =	shalt  }
0x79: {  	_ =	shalt  }
0x7a: {  	_ =	shalt  }
0x7b: {  	_ =	shalt  }
0x7c: {  	_ =	shalt  }
0x7d: {  	_ =	shalt  }
0x7e: {  	_ =	shalt  }
0x7f: {  	_ =	shalt  }
0x80: {  	_ =	shalt  }
0x81: {  	_ =	shalt  }
0x82: {  	_ =	shalt  }
0x83: {  	_ =	shalt  }
0x84: {  	_ =	shalt  }
0x85: {  	_ =	shalt  }
0x86: {  	_ =	shalt  }
0x87: {  	_ =	shalt  }
.Lfunc_end0:
.L_simem_size_0:
called_computation_lowered:
.L_overlay_start_0:
0x88: {  	s2 =	sld [smem:$0x3FD9]  }
0x89: {  	s3 =	sld [smem:$0x3FFE];
	_ =	sdelay $0x1  }
0x8a: {  	s1 =	srdreg.scid  }
0x8b: {  	s0 =	sand.u32 $0x1, s1  }
0x8c: {  	s16 =	sshll.u32 s0, $0xA;
	s2 =	sadd.s32 s3, s2  }
0x8d: {  	s2 =	sadd.s32 s2, s16  }
0x8e: {  	[smem:$0x3FBB] =	sst s2  }
0x8f: {  	_ = 	snop  }
0x90: {  	(tm) =	ssettm $0x1  }
0x91: {  	s17 =	sld [smem:$0x3FFB];
	_ =	sdelay $0x3  }
0x92: {  	_ =	strace s17  }
0x93: {  	s2 =	sld [smem:$0x3FFC];
	_ =	sdelay $0x3  }
0x94: {  	_ =	strace s2  }
0x95: {  	s2 =	sld [smem:$0x3FFD];
	_ =	sdelay $0x3  }
0x96: {  	_ =	strace s2  }
0x97: {  	_ =	strace $0x8FFFFFFF  }
0x98: {  	s18 =	sld [smem:$0x3FDB];
	_ =	sdelay $0x1  }
0x99: {  	s19 =	simm.s32 $_scs_section_size  }
0x9a: {  	s4 =	simm.s32 $_size__tile_overlayer_lowered;
	s5 =	simm.s32 $_tile_overlayer_lowered  }
0x9b: {  	s22 =	simm.s32 $0x1BFF;
	s21 =	sshll.u32 s5, $0x1;
	s2 =	sadd.s32 s19, s18  }
0x9c: {  	s6 =	simm.s32 $0x0;
	s20 =	sshll.u32 s4, $0x1;
	s4 =	sadd.s32 s21, s2  }
0x9d: {  	[timem:s6], [sflag:s22] =	dma.local [hbm:s4], s20  }
0x9e: {  	_ =	swait.ge [sflag:s22], s20  }
0x9f: {  	s3 =	ssub.s32 $0x0, s20;
	[sflag:s22] =	ssyncset.done $0x0  }
0xa0: {  	[sflag:s22] =	ssyncadd.s32 s3;
	_ =	sdelay $0x1  }
0xa1: {  	s23 =	simm.s32 $0x1B8B  }
0xa2: {  	_ =	swait.ge [sflag:s23], $0x1  }
0xa3: {  	[sflag:s23] =	ssyncset.done $0x0  }
0xa4: {  	s25 =	simm.s32 $0x1B8E;
	s24 =	sld [smem:$0x3FFE];
	[sflag:s23] =	ssyncadd.s32 $0xFFFFFFFF  }
0xa5: {  	s26 =	simm.s32 $execute0_lowered;
	[smem:$0x3FD2] =	sst s25  }
0xa6: {  	s4 =	sshll.u32 s26, $0x1;
	_ =	strace $0x80000046;
	[dreg:$0x1] =	wrdreg $0xFFFFFFFF  }
0xa7: {  	s28 =	simm.s32 $_size_execute0_lowered;
	s2 =	sadd.s32 s2, s4;
	[dreg:$0x0] =	wrdreg $0x0  }
0xa8: {  	s4 =	sshll.u32 s28, $0x1;
	[dreg:$0x2] =	wrdreg s2  }
0xa9: {  	[dreg:$0x3] =	wrdreg s4  }
0xaa: {  	[dreg:$0x4] =	wrdreg $0xC0  }
0xab: {  	_ =	task [dreg:s6], $0x5FFFF  }
0xac: {  	[dreg:$0x1] =	wrdreg $0xFFFFFFFF  }
0xad: {  	[dreg:$0x0] =	wrdreg $0x60  }
0xae: {  	[dreg:$0x2] =	wrdreg s24  }
0xaf: {  	[dreg:$0x3] =	wrdreg $0x90000  }
0xb0: {  	[dreg:$0x4] =	wrdreg $0x9  }
0xb1: {  	_ =	task.clear_ibuf [dreg:s6], $0x5FFFF;
	_ =	strace $0x90000046  }
0xb2: {  	s29 =	simm.s32 $0x9;
	_ =	strace $0x80000048  }
0xb3: {  	_ =	swait.ge [sflag:s29], $0x1  }
0xb4: {  	[sflag:s29] =	ssyncadd.s32 $0xFFFFFFFF  }
0xb5: {  	_ =	strace $0x90000048  }
0xb6: {  	_ =	sfence  }
0xb7: {  	s30 =	sld [smem:$0x0];
	_ =	sdelay $0x2  }
0xb8: {  	s31 =	sshll.u32 s1, $0xD;
	s1 =	sshrl.u32 s1, $0x2  }
0xb9: {  	s3 =	sand.u32 $0x4000, s31;
	s1 =	sadd.s32 s1, s30  }
0xba: {  	s0 =	sor.u32 s3, s0;
	s1 =	sshll.u32 s1, $0x11  }
0xbb: {  	s0 =	sor.u32 s1, s0  }
0xbc: {  	s0 =	sadd.s32 $0x8F2B, s0  }
0xbd: {  	[sflag:s0] =	ssyncadd.remote.s32 $0x1  }
0xbe: {  	_ =	sfence.sel $0xFFFF  }
0xbf: {  	[dreg:$0x0] =	wrdreg $0xFFFFFFFF;
	(pc) =	sbr.abs _section_cstart, $3  }
0xc0: {  	[dreg:$0x1] =	wrdreg $0xFFFFFFFF  }
0xc1: {  	_ =	task.clear_ibuf [dreg:s6], $0x2FFFF;
	_ =	strace $0x9FFFFFFF  }
0xc2: {  	(tm) =	ssettm $0x7FFFFFFF  }
0xc3: {  	_ =	shalt  }
tec
execute0_lowered:
.L_overlay_start_1:
0x0: {  	(tag) =	ssettag $0x1  }
0x1: {  	s4 =	rddreg [dreg:$0x0]  }
0x2: {  	s1 =	rddreg [dreg:$0x1]  }
0x3: {  	s2 =	srdreg.scid;
	s0 =	rddreg [dreg:$0x2]  }
0x4: {  	s3 =	simm.s32 $0x0;
	s16 =	simm.s32 $0x2;
	s17 =	simm.s32 $0x50  }
0x5: {  	s18 =	simm.s32 $0x6800;
	s10 =	sand.u32 $0x1, s2;
	s2 =	stileid.u32  }
0x6: {  	s19 =	simm.s32 $0x1;
	[smem:$0x7FF] =	sst s3;
	s5 =	smul.u32 $0x140000, s10  }
0x7: {  	s20 =	simm.s32 $0x3E00;
	s6 =	smul.u32 $0x14000, s2;
	_ =	strace $0x80000047  }
0x8: {  	s7 =	sshll.u32 s2, $0xB;
	s8 =	smul.u32 $0x50000, s2;
	s30 =	ssub.s32 $0x2, s10  }
0x9: {  	s15 =	sshll.u32 s10, $0xF;
	s21 =	sshll.u32 s2, $0x6;
	s12 =	sadd.s32 s7, s4  }
0xa: {  	s31 =	sshrl.u32 s30, $0x1;
	s21 =	sor.u32 $0x1C02, s21;
	s5 =	sadd.s32 s6, s5  }
0xb: {  	s8 =	sshrl.u32 s8, $0x2;
	s14 =	ssub.s32 s30, s31;
	s12 =	sadd.s32 s15, s12  }
0xc: {  	s15 =	simm.s32 $0x4000;
	s5 =	sshrl.u32 s5, $0x3;
	s12 =	sadd.s32 $0x2200, s12  }
0xd: {  	s14 =	smax.u32 s14, $0x1;
	s13 =	sadd.s32 s5, s4;
	s4 =	sadd.s32 s8, s1  }
0xe: {  	s5 =	sadd.s32 $0x2800, s4;
	s6 =	sadd.s32 $0x5000, s4;
	s7 =	sadd.s32 $0x7800, s4  }
0xf: {  	s8 =	sadd.s32 $0xA000, s4;
	s9 =	sadd.s32 $0xC800, s4;
	s10 =	sadd.s32 $0xF000, s4  }
0x10: {  	v0 =	vimm.f32 $0.0e+00;
	v1 =	vimm.f32 $1.000000000e+00;
	s11 =	sadd.s32 $0x11800, s4;
	s13 =	sadd.s32 $0x12200, s13;
	s22 =	sshrl.u32 s4, $0x3  }
.LBB2_1:
0x11: {  	s23 =	simm.s32 $0x200;
	s24 =	simm.s32 $0x0  }
.LBB2_2:
0x12: {  	p0 =	sne.s32 s23, $0x9E00;
	[tilespmem:s24+$0x4000] =	vst v0;
	s25 =	smov.u32 s23;
	s23 =	sadd.s32 $0x200, s23  }
.Ltmp0:
0x13: {  	[tilespmem:s24+$0x6800] =	vst v1;
	(pc) =	sbr.rel @p0 .LBB2_2-.Ltmp0, $2  }
0x14: {  	_ =	sdelay $0x2  }
0x15: {  	s24 =	sshra.s32 s25, $0x2  }
0x16: {  	[tilespmem:s24+$0x4000] =	vst v0  }
0x17: {  	[tilespmem:s24+$0x6800] =	vst v1  }
0x18: {  	[spmem:s4] =	stream.linear.scatter [tilespmem:s15], [sflag:$0x2], $0x2800, $0x38;
	[tilespmem:$0xB800] =	vst v63  }
0x19: {  	_ =	swait.ge [sflag:s16], $0x2800  }
0x1a: {  	[sflag:s16] =	ssyncset.done $0x0  }
0x1b: {  	[sflag:s16] =	ssyncadd.s32 $0xFFFFD800  }
0x1c: {  	[spmem:s5] =	stream.linear.scatter [tilespmem:s15], [sflag:$0x2], $0x2800, $0x38;
	[tilespmem:$0xB800] =	vst v63  }
0x1d: {  	_ =	swait.ge [sflag:s16], $0x2800  }
0x1e: {  	[sflag:s16] =	ssyncset.done $0x0  }
0x1f: {  	[sflag:s16] =	ssyncadd.s32 $0xFFFFD800  }
0x20: {  	[spmem:s6] =	stream.linear.scatter [tilespmem:s15], [sflag:$0x2], $0x2800, $0x38;
	[tilespmem:$0xB800] =	vst v63  }
0x21: {  	_ =	swait.ge [sflag:s16], $0x2800  }
0x22: {  	[sflag:s16] =	ssyncset.done $0x0  }
0x23: {  	[sflag:s16] =	ssyncadd.s32 $0xFFFFD800  }
0x24: {  	[spmem:s7] =	stream.linear.scatter [tilespmem:s15], [sflag:$0x2], $0x2800, $0x38;
	[tilespmem:$0xB800] =	vst v63  }
0x25: {  	_ =	swait.ge [sflag:s16], $0x2800  }
0x26: {  	[sflag:s16] =	ssyncset.done $0x0  }
0x27: {  	[sflag:s16] =	ssyncadd.s32 $0xFFFFD800  }
0x28: {  	[spmem:s8] =	stream.linear.scatter [tilespmem:s15], [sflag:$0x2], $0x2800, $0x38;
	[tilespmem:$0xB800] =	vst v63  }
0x29: {  	_ =	swait.ge [sflag:s16], $0x2800  }
0x2a: {  	[sflag:s16] =	ssyncset.done $0x0  }
0x2b: {  	[sflag:s16] =	ssyncadd.s32 $0xFFFFD800  }
0x2c: {  	[spmem:s9] =	stream.linear.scatter [tilespmem:s15], [sflag:$0x2], $0x2800, $0x38;
	[tilespmem:$0xB800] =	vst v63  }
0x2d: {  	_ =	swait.ge [sflag:s16], $0x2800  }
0x2e: {  	[sflag:s16] =	ssyncset.done $0x0  }
0x2f: {  	[sflag:s16] =	ssyncadd.s32 $0xFFFFD800  }
0x30: {  	[spmem:s10] =	stream.linear.scatter [tilespmem:s15], [sflag:$0x2], $0x2800, $0x38;
	[tilespmem:$0xB800] =	vst v63  }
0x31: {  	_ =	swait.ge [sflag:s16], $0x2800  }
0x32: {  	[sflag:s16] =	ssyncset.done $0x0  }
0x33: {  	[sflag:s16] =	ssyncadd.s32 $0xFFFFD800  }
0x34: {  	[spmem:s11] =	stream.linear.scatter [tilespmem:s15], [sflag:$0x2], $0x2800, $0x38;
	[tilespmem:$0xB800] =	vst v63  }
0x35: {  	_ =	swait.ge [sflag:s16], $0x2800  }
0x36: {  	[sflag:s16] =	ssyncset.done $0x0  }
0x37: {  	[sflag:s16] =	ssyncadd.s32 $0xFFFFD800  }
0x38: {  	s23 =	simm.s32 $0x0;
	[bflag:$0x0] =	sbarrier.arrive $0xFFFF  }
0x39: {  	[tilespmem:s23], [sflag:$0x2] =	stream.linear.gather [hbm4b:s12+s23], $0x3E80, $0x38;
	[tilespmem:$0xB800] =	vst v63  }
0x3a: {  	_ =	swait.ge [sflag:s16], $0x3E80  }
0x3b: {  	[sflag:s16] =	ssyncset.done $0x0  }
0x3c: {  	s28 =	simm.s32 $0x0;
	[sflag:s16] =	ssyncadd.s32 $0xFFFFC180  }
0x3d: {  	[spmem:s1] =	stream.indirect.scatter.add.f32 [tilespmem:s18], [sflag:$0x1], $0x10, s28, s17, $0xb8;
	[tilespmem:$0xB800] =	vst v63  }
0x3e: {  	s29 =	simm.s32 $0x80  }
0x3f: {  	[spmem:s1] =	stream.indirect.scatter.add.f32 [tilespmem:s18], [sflag:$0x1], $0x10, s29, s17, $0xb8;
	[tilespmem:$0xB800] =	vst v63  }
0x40: {  	s30 =	simm.s32 $0x100  }
0x41: {  	[spmem:s1] =	stream.indirect.scatter.add.f32 [tilespmem:s18], [sflag:$0x1], $0x10, s30, s17, $0xb8;
	[tilespmem:$0xB800] =	vst v63  }
0x42: {  	s31 =	simm.s32 $0x180  }
0x43: {  	[spmem:s1] =	stream.indirect.scatter.add.f32 [tilespmem:s18], [sflag:$0x1], $0x10, s31, s17, $0xb8;
	[tilespmem:$0xB800] =	vst v63  }
0x44: {  	_ =	swait.ge [sflag:s19], $0x500  }
0x45: {  	[sflag:s19] =	ssyncset.done $0x0  }
0x46: {  	[sflag:s19] =	ssyncadd.s32 $0xFFFFFB00  }
0x47: {  	_ =	swait.ge [sflag:s19], $0x500  }
0x48: {  	[sflag:s19] =	ssyncset.done $0x0  }
0x49: {  	[sflag:s19] =	ssyncadd.s32 $0xFFFFFB00  }
0x4a: {  	_ =	swait.ge [sflag:s19], $0x500  }
0x4b: {  	[sflag:s19] =	ssyncset.done $0x0  }
0x4c: {  	[sflag:s19] =	ssyncadd.s32 $0xFFFFFB00  }
0x4d: {  	_ =	swait.ge [sflag:s19], $0x500  }
0x4e: {  	s24 =	simm.s32 $0x1000;
	s23 =	simm.s32 $0x800;
	[sflag:s19] =	ssyncset.done $0x0  }
.LBB2_4:
0x4f: {  	s25 =	sshra.s32 s23, $0x2  }
0x50: {  	[sflag:s19] =	ssyncadd.s32 $0xFFFFFB00;
	s23 =	smov.u32 s24;
	s26 =	sadd.s32 $0x800, s24  }
0x51: {  	[spmem:s1] =	stream.indirect.scatter.add.f32 [tilespmem:s18], [sflag:$0x1], $0x10, s25, s17, $0xb8;
	[tilespmem:$0xB800] =	vst v63  }
0x52: {  	p0 =	sne.s32 s24, $0xF000;
	s24 =	sadd.s32 $0x80, s25  }
0x53: {  	[spmem:s1] =	stream.indirect.scatter.add.f32 [tilespmem:s18], [sflag:$0x1], $0x10, s24, s17, $0xb8;
	[tilespmem:$0xB800] =	vst v63  }
0x54: {  	s24 =	sadd.s32 $0x100, s25  }
0x55: {  	[spmem:s1] =	stream.indirect.scatter.add.f32 [tilespmem:s18], [sflag:$0x1], $0x10, s24, s17, $0xb8;
	[tilespmem:$0xB800] =	vst v63  }
0x56: {  	s24 =	sadd.s32 $0x180, s25  }
0x57: {  	[spmem:s1] =	stream.indirect.scatter.add.f32 [tilespmem:s18], [sflag:$0x1], $0x10, s24, s17, $0xb8;
	[tilespmem:$0xB800] =	vst v63  }
0x58: {  	_ =	swait.ge [sflag:s19], $0x500  }
0x59: {  	[sflag:s19] =	ssyncset.done $0x0  }
0x5a: {  	[sflag:s19] =	ssyncadd.s32 $0xFFFFFB00  }
0x5b: {  	_ =	swait.ge [sflag:s19], $0x500  }
0x5c: {  	[sflag:s19] =	ssyncset.done $0x0  }
0x5d: {  	[sflag:s19] =	ssyncadd.s32 $0xFFFFFB00  }
.Ltmp1:
0x5e: {  	_ =	swait.ge [sflag:s19], $0x500;
	(pc) =	sbr.rel @p0 .LBB2_4-.Ltmp1, $4  }
0x5f: {  	[sflag:s19] =	ssyncset.done $0x0  }
0x60: {  	[sflag:s19] =	ssyncadd.s32 $0xFFFFFB00  }
0x61: {  	_ =	swait.ge [sflag:s19], $0x500  }
0x62: {  	s24 =	smov.u32 s26;
	[sflag:s19] =	ssyncset.done $0x0  }
0x63: {  	s23 =	sshra.s32 s23, $0x2;
	[sflag:s19] =	ssyncadd.s32 $0xFFFFFB00  }
0x64: {  	[spmem:s1] =	stream.indirect.scatter.add.f32 [tilespmem:s18], [sflag:$0x1], $0x10, s23, s17, $0xb8;
	[tilespmem:$0xB800] =	vst v63  }
0x65: {  	s24 =	sadd.s32 $0x80, s23  }
0x66: {  	[spmem:s1] =	stream.indirect.scatter.add.f32 [tilespmem:s18], [sflag:$0x1], $0x10, s24, s17, $0xb8;
	[tilespmem:$0xB800] =	vst v63  }
0x67: {  	s31 =	sadd.s32 $0x100, s23  }
0x68: {  	[spmem:s1] =	stream.indirect.scatter.add.f32 [tilespmem:s18], [sflag:$0x1], $0x10, s31, s17, $0xb8;
	[tilespmem:$0xB800] =	vst v63  }
0x69: {  	s23 =	sadd.s32 $0x180, s23  }
0x6a: {  	[spmem:s1] =	stream.indirect.scatter.add.f32 [tilespmem:s18], [sflag:$0x1], $0x10, s23, s17, $0xb8;
	[tilespmem:$0xB800] =	vst v63  }
0x6b: {  	_ =	swait.ge [sflag:s19], $0x500  }
0x6c: {  	[sflag:s19] =	ssyncset.done $0x0  }
0x6d: {  	[sflag:s19] =	ssyncadd.s32 $0xFFFFFB00  }
0x6e: {  	_ =	swait.ge [sflag:s19], $0x500  }
0x6f: {  	[sflag:s19] =	ssyncset.done $0x0  }
0x70: {  	[sflag:s19] =	ssyncadd.s32 $0xFFFFFB00  }
0x71: {  	_ =	swait.ge [sflag:s19], $0x500  }
0x72: {  	[sflag:s19] =	ssyncset.done $0x0  }
0x73: {  	[sflag:s19] =	ssyncadd.s32 $0xFFFFFB00  }
0x74: {  	_ =	swait.ge [sflag:s19], $0x500  }
0x75: {  	[sflag:s19] =	ssyncset.done $0x0  }
0x76: {  	[sflag:s19] =	ssyncadd.s32 $0xFFFFFB00  }
0x77: {  	[spmem:s1] =	stream.indirect.scatter.add.f32 [tilespmem:s18], [sflag:$0x2], $0x10, s20, s17, $0xb8;
	[tilespmem:$0xB800] =	vst v63  }
0x78: {  	_ =	swait.ge [sflag:s16], $0x500  }
0x79: {  	s3 =	sadd.s32 $0x1, s3;
	[sflag:s16] =	ssyncset.done $0x0  }
0x7a: {  	p0 =	sne.s32 s3, s14;
	[sflag:s16] =	ssyncadd.s32 $0xFFFFFB00  }
.Ltmp2:
0x7b: {  	[bflag:$0x0] =	sbarrier.arrive $0xFFFF;
	(pc) =	sbr.rel @p0 .LBB2_1-.Ltmp2, $4  }
0x7c: {  	[hbm:s13], [sflag:s21] =	dma.local [spmem:s22], $0x2800  }
0x7d: {  	_ =	swait.ge [sflag:s16], $0x2800  }
0x7e: {  	[sflag:s16] =	ssyncset.done $0x0  }
0x7f: {  	[sflag:s16] =	ssyncadd.s32 $0xFFFFD800  }
0x80: {  	_ =	sfence.sel $0x180000  }
0x81: {  	[bflag:$0x0] =	sbarrier.arrive $0xFFFF  }
0x82: {  	p0 =	sne.s32 s2, $0x0;
	_ =	strace $0x90000047  }
0x83: {  	s0 =	sadd.s32 @!p0 $0x100000, s0;
	[bflag:$0x2] =	sbarrier.arrive $0xFFFF  }
0x84: {  	[sflag:s0] =	ssyncadd.tile.s32 @!p0 $0x1;
	_ =	shalt  }
.Lfunc_end2:
_tile_overlayer_lowered:
.L_overlay_start_2:
0x85: {  	(tag) =	ssettag $0x2  }
0x86: {  	s0 =	rddreg [dreg:$0x0];
	s2 =	stileid.u32  }
0x87: {  	s1 =	rddreg [dreg:$0x1];
	p0 =	sne.s32 s2, $0x0  }
0x88: {  	s3 =	rddreg [dreg:$0x2];
	[bflag:$0x3] =	sbarrier.arrive $0xFFFF;
	s2 =	simm.s32 @!p0 $0x1C02  }
0x89: {  	[timem:s3], [sflag:s2] =	dma.local @!p0 [hbm:s0], s1  }
0x8a: {  	s0 =	simm.s32 @!p0 $0x2  }
0x8b: {  	_ =	swait.ge @!p0 [sflag:s0], s1  }
0x8c: {  	s1 =	ssub.s32 @!p0 $0x0, s1;
	[sflag:s0] =	ssyncset.done @!p0 $0x0  }
0x8d: {  	[sflag:s0] =	ssyncadd.s32 @!p0 s1  }
0x8e: {  	[bflag:$0x3] =	sbarrier.arrive $0xFFFF  }
0x8f: {  	_ =	shalt  }

// kernel: kernel.13.cloned.1.call-start
scs
__scs_entry_jumppad:
0x0: {  	(pc) =	sbr.rel $0x88, $3  }
0x1: {  	(tag) =	ssettag $0x0;
	lr =	simm.s32 $0x1  }
0x2: {  	[smem:$0x3F94] =	sst lr;
	_ =	strace $0xD0000000  }
0x3: {  	_ = 	snop  }
0x4: {  	_ = 	snop  }
0x5: {  	_ = 	snop  }
0x6: {  	_ = 	snop  }
0x7: {  	_ = 	snop  }
__scs_overlays_trampoline_lowered:
0x8: {  	[smem:$0x3FA3] =	sst s0  }
0x9: {  	[smem:$0x3FA4] =	sst s1  }
0xa: {  	[smem:$0x3FA5] =	sst s2  }
0xb: {  	[smem:$0x3FA6] =	sst s3  }
0xc: {  	[smem:$0x3FA7] =	sst s4  }
0xd: {  	[smem:$0x3FA8] =	sst s5  }
0xe: {  	[smem:$0x3FA9] =	sst s6  }
0xf: {  	[smem:$0x3FAA] =	sst s7  }
0x10: {  	[smem:$0x3FAB] =	sst s8  }
0x11: {  	[smem:$0x3FAC] =	sst s9;
	s0 =	simm.s32 @!p0 $0x0  }
0x12: {  	s1 =	sld [smem:$0x3F92];
	s0 =	simm.s32 @p0 $0x1  }
0x13: {  	[smem:$0x3FAD] =	sst s0;
	s0 =	simm.s32 @!p1 $0x0  }
0x14: {  	s2 =	sld [smem:$0x3F91];
	s0 =	simm.s32 @p1 $0x1  }
0x15: {  	[smem:$0x3FAE] =	sst s0;
	s0 =	simm.s32 @!p2 $0x0  }
0x16: {  	s3 =	sld [smem:$0x3FDB];
	s0 =	simm.s32 @p2 $0x1  }
0x17: {  	s4 =	simm.s32 $0x1BF5;
	[smem:$0x3FB0] =	sst s0  }
0x18: {  	s0 =	sld [smem:$0x3F93];
	_ =	swait.ge [sflag:s4], $0x0  }
0x19: {  	s7 =	sld [smem:$0x3F94]  }
0x1a: {  	s8 =	sadd.s32 $0xFFFFE003, lr  }
0x1b: {  	s9 =	sadd.s32 $0xFFFFFEF7, lr;
	s5 =	simm.s32 $0xFFFFFFFF;
	p2 =	slt.u32 s8, $0xFFFFF086  }
0x1c: {  	p1 =	slt.u32 s9, $0xF7A;
	s5 =	simm.s32 @!p2 $0x0  }
0x1d: {  	s5 =	simm.s32 @p1 $0x1;
	p0 =	seq.s32 s7, s2  }
0x1e: {  	s7 =	smul.u32 @!p0 $0xF7A, s2;
	p2 =	seq.s32 @!p0 s5, $0x0  }
0x1f: {  	s9 =	smul.u32 $0xF7A, s1;
	s8 =	simm.s32 @!p0 $0x1BF5;
	p2 =	por !p2, p0  }
0x20: {  	[sflag:s8] =	ssyncset.s32 @!p0 $0xFFFFF086;
	s6 =	sadd.s32 @!p0 s3, s7;
	s7 =	simm.s32 @!p0 $0x108  }
0x21: {  	s3 =	sadd.s32 s3, s9;
	s6 =	sadd.s32 @!p0 $0x88, s6;
	s7 =	simm.s32 @p2 $0x1082  }
0x22: {  	[simem:s7], [sflag:s8] =	dma.local @!p0 [hbm:s6], $0xF7A  }
0x23: {  	s9 =	sor.u32 $0xD0000000, s2;
	s6 =	simm.s32 $0x108;
	_ =	swait.ge @!p0 [sflag:s8], $0x0  }
0x24: {  	s3 =	sadd.s32 $0x88, s3;
	s6 =	simm.s32 @!p1 $0x1082;
	[sflag:s4] =	ssyncset.s32 $0xFFFFF086  }
0x25: {  	[simem:s6], [sflag:s4] =	dma.local [hbm:s3], $0xF7A  }
0x26: {  	[smem:$0x3F94] =	sst s1;
	(tag) =	ssettag s2;
	_ =	strace s9  }
0x27: {  	s1 =	sld [smem:$0x3FA4]  }
0x28: {  	s2 =	sld [smem:$0x3FA5]  }
0x29: {  	s4 =	sld [smem:$0x3FA7]  }
0x2a: {  	p0 =	seq.s32 s5, $0x0;
	s5 =	sld [smem:$0x3FA8]  }
0x2b: {  	s6 =	sld [smem:$0x3FA9]  }
0x2c: {  	s7 =	sld [smem:$0x3FAA]  }
0x2d: {  	s3 =	simm.s32 $0x108;
	s8 =	sld [smem:$0x3FAB]  }
0x2e: {  	s3 =	simm.s32 @!p0 $0x1082;
	s9 =	sld [smem:$0x3FAC]  }
0x2f: {  	lr =	sadd.s32 s0, s3;
	s0 =	sld [smem:$0x3FA3]  }
0x30: {  	s3 =	sld [smem:$0x3FA6]  }
0x31: {  	[smem:$0x3FAF] =	sst s10  }
0x32: {  	s10 =	sld [smem:$0x3FAD];
	_ =	sdelay $0x3  }
0x33: {  	p0 =	seq.s32 s10, $0x1;
	s10 =	sld [smem:$0x3FAF];
	_ =	sdelay $0x3  }
0x34: {  	[smem:$0x3FAF] =	sst s10  }
0x35: {  	s10 =	sld [smem:$0x3FAE];
	_ =	sdelay $0x3  }
0x36: {  	p1 =	seq.s32 s10, $0x1;
	s10 =	sld [smem:$0x3FAF];
	_ =	sdelay $0x3  }
0x37: {  	[smem:$0x3FAF] =	sst s10  }
0x38: {  	s10 =	sld [smem:$0x3FB0]  }
0x39: {  	_ = 	snop;
	(pc) =	sbr.ind lr, $3  }
0x3a: {  	_ = 	snop  }
0x3b: {  	_ = 	snop  }
0x3c: {  	p2 =	seq.s32 s10, $0x1;
	s10 =	sld [smem:$0x3FAF]  }
0x3d: {  	_ =	shalt  }
0x3e: {  	_ =	shalt  }
0x3f: {  	_ =	shalt  }
0x40: {  	_ =	shalt  }
0x41: {  	_ =	shalt  }
0x42: {  	_ =	shalt  }
0x43: {  	_ =	shalt  }
0x44: {  	_ =	shalt  }
0x45: {  	_ =	shalt  }
0x46: {  	_ =	shalt  }
0x47: {  	_ =	shalt  }
0x48: {  	_ =	shalt  }
0x49: {  	_ =	shalt  }
0x4a: {  	_ =	shalt  }
0x4b: {  	_ =	shalt  }
0x4c: {  	_ =	shalt  }
0x4d: {  	_ =	shalt  }
0x4e: {  	_ =	shalt  }
0x4f: {  	_ =	shalt  }
0x50: {  	_ =	shalt  }
0x51: {  	_ =	shalt  }
0x52: {  	_ =	shalt  }
0x53: {  	_ =	shalt  }
0x54: {  	_ =	shalt  }
0x55: {  	_ =	shalt  }
0x56: {  	_ =	shalt  }
0x57: {  	_ =	shalt  }
0x58: {  	_ =	shalt  }
0x59: {  	_ =	shalt  }
0x5a: {  	_ =	shalt  }
0x5b: {  	_ =	shalt  }
0x5c: {  	_ =	shalt  }
0x5d: {  	_ =	shalt  }
0x5e: {  	_ =	shalt  }
0x5f: {  	_ =	shalt  }
0x60: {  	_ =	shalt  }
0x61: {  	_ =	shalt  }
0x62: {  	_ =	shalt  }
0x63: {  	_ =	shalt  }
0x64: {  	_ =	shalt  }
0x65: {  	_ =	shalt  }
0x66: {  	_ =	shalt  }
0x67: {  	_ =	shalt  }
0x68: {  	_ =	shalt  }
0x69: {  	_ =	shalt  }
0x6a: {  	_ =	shalt  }
0x6b: {  	_ =	shalt  }
0x6c: {  	_ =	shalt  }
0x6d: {  	_ =	shalt  }
0x6e: {  	_ =	shalt  }
0x6f: {  	_ =	shalt  }
0x70: {  	_ =	shalt  }
0x71: {  	_ =	shalt  }
0x72: {  	_ =	shalt  }
0x73: {  	_ =	shalt  }
0x74: {  	_ =	shalt  }
0x75: {  	_ =	shalt  }
0x76: {  	_ =	shalt  }
0x77: {  	_ =	shalt  }
0x78: {  	_ =	shalt  }
0x79: {  	_ =	shalt  }
0x7a: {  	_ =	shalt  }
0x7b: {  	_ =	shalt  }
0x7c: {  	_ =	shalt  }
0x7d: {  	_ =	shalt  }
0x7e: {  	_ =	shalt  }
0x7f: {  	_ =	shalt  }
0x80: {  	_ =	shalt  }
0x81: {  	_ =	shalt  }
0x82: {  	_ =	shalt  }
0x83: {  	_ =	shalt  }
0x84: {  	_ =	shalt  }
0x85: {  	_ =	shalt  }
0x86: {  	_ =	shalt  }
0x87: {  	_ =	shalt  }
.Lfunc_end0:
.L_simem_size_0:
called_computation.1_lowered:
.L_overlay_start_0:
0x88: {  	s2 =	sld [smem:$0x3FD9]  }
0x89: {  	s3 =	sld [smem:$0x3FFE];
	_ =	sdelay $0x1  }
0x8a: {  	s1 =	srdreg.scid  }
0x8b: {  	s0 =	sand.u32 $0x1, s1  }
0x8c: {  	s16 =	sshll.u32 s0, $0xA;
	s2 =	sadd.s32 s3, s2  }
0x8d: {  	s2 =	sadd.s32 s2, s16  }
0x8e: {  	[smem:$0x3FBB] =	sst s2  }
0x8f: {  	_ = 	snop  }
0x90: {  	(tm) =	ssettm $0x1  }
0x91: {  	s17 =	sld [smem:$0x3FFB];
	_ =	sdelay $0x3  }
0x92: {  	_ =	strace s17  }
0x93: {  	s2 =	sld [smem:$0x3FFC];
	_ =	sdelay $0x3  }
0x94: {  	_ =	strace s2  }
0x95: {  	s2 =	sld [smem:$0x3FFD];
	_ =	sdelay $0x3  }
0x96: {  	_ =	strace s2  }
0x97: {  	_ =	strace $0x8FFFFFFF  }
0x98: {  	s18 =	sld [smem:$0x3FDB];
	_ =	sdelay $0x1  }
0x99: {  	s19 =	simm.s32 $_scs_section_size  }
0x9a: {  	s4 =	simm.s32 $_size__tile_overlayer_lowered;
	s5 =	simm.s32 $_tile_overlayer_lowered  }
0x9b: {  	s22 =	simm.s32 $0x1BFF;
	s21 =	sshll.u32 s5, $0x1;
	s2 =	sadd.s32 s19, s18  }
0x9c: {  	s6 =	simm.s32 $0x0;
	s20 =	sshll.u32 s4, $0x1;
	s4 =	sadd.s32 s21, s2  }
0x9d: {  	[timem:s6], [sflag:s22] =	dma.local [hbm:s4], s20  }
0x9e: {  	_ =	swait.ge [sflag:s22], s20  }
0x9f: {  	s3 =	ssub.s32 $0x0, s20;
	[sflag:s22] =	ssyncset.done $0x0  }
0xa0: {  	[sflag:s22] =	ssyncadd.s32 s3;
	_ =	sdelay $0x1  }
0xa1: {  	s23 =	simm.s32 $0x1B8B  }
0xa2: {  	_ =	swait.ge [sflag:s23], $0x1  }
0xa3: {  	[sflag:s23] =	ssyncset.done $0x0  }
0xa4: {  	s25 =	simm.s32 $0x1B8E;
	s24 =	sld [smem:$0x3FFE];
	[sflag:s23] =	ssyncadd.s32 $0xFFFFFFFF  }
0xa5: {  	s26 =	simm.s32 $execute0_lowered;
	[smem:$0x3FD2] =	sst s25  }
0xa6: {  	s4 =	sshll.u32 s26, $0x1;
	_ =	strace $0x80000049;
	[dreg:$0x1] =	wrdreg $0xFFFFFFFF  }
0xa7: {  	s28 =	simm.s32 $_size_execute0_lowered;
	s2 =	sadd.s32 s2, s4;
	[dreg:$0x0] =	wrdreg $0x0  }
0xa8: {  	s4 =	sshll.u32 s28, $0x1;
	[dreg:$0x2] =	wrdreg s2  }
0xa9: {  	[dreg:$0x3] =	wrdreg s4  }
0xaa: {  	[dreg:$0x4] =	wrdreg $0xC0  }
0xab: {  	_ =	task [dreg:s6], $0x5FFFF  }
0xac: {  	[dreg:$0x1] =	wrdreg $0xFFFFFFFF  }
0xad: {  	[dreg:$0x0] =	wrdreg $0x60  }
0xae: {  	[dreg:$0x2] =	wrdreg s24  }
0xaf: {  	[dreg:$0x3] =	wrdreg $0xAA000  }
0xb0: {  	[dreg:$0x4] =	wrdreg $0x9  }
0xb1: {  	_ =	task.clear_ibuf [dreg:s6], $0x5FFFF;
	_ =	strace $0x90000049  }
0xb2: {  	s29 =	simm.s32 $0x9;
	_ =	strace $0x8000004B  }
0xb3: {  	_ =	swait.ge [sflag:s29], $0x1  }
0xb4: {  	[sflag:s29] =	ssyncadd.s32 $0xFFFFFFFF  }
0xb5: {  	_ =	strace $0x9000004B  }
0xb6: {  	_ =	sfence  }
0xb7: {  	s30 =	sld [smem:$0x0];
	_ =	sdelay $0x2  }
0xb8: {  	s31 =	sshll.u32 s1, $0xD;
	s1 =	sshrl.u32 s1, $0x2  }
0xb9: {  	s3 =	sand.u32 $0x4000, s31;
	s1 =	sadd.s32 s1, s30  }
0xba: {  	s0 =	sor.u32 s3, s0;
	s1 =	sshll.u32 s1, $0x11  }
0xbb: {  	s0 =	sor.u32 s1, s0  }
0xbc: {  	s0 =	sadd.s32 $0x8F2B, s0  }
0xbd: {  	[sflag:s0] =	ssyncadd.remote.s32 $0x1  }
0xbe: {  	_ =	sfence.sel $0xFFFF  }
0xbf: {  	[dreg:$0x0] =	wrdreg $0xFFFFFFFF;
	(pc) =	sbr.abs _section_cstart, $3  }
0xc0: {  	[dreg:$0x1] =	wrdreg $0xFFFFFFFF  }
0xc1: {  	_ =	task.clear_ibuf [dreg:s6], $0x2FFFF;
	_ =	strace $0x9FFFFFFF  }
0xc2: {  	(tm) =	ssettm $0x7FFFFFFF  }
0xc3: {  	_ =	shalt  }
tec
execute0_lowered:
.L_overlay_start_1:
0x0: {  	(tag) =	ssettag $0x1  }
0x1: {  	s0 =	srdreg.scid;
	s1 =	rddreg [dreg:$0x0]  }
0x2: {  	s11 =	stileid.u32;
	s2 =	rddreg [dreg:$0x1]  }
0x3: {  	s17 =	simm.s32 $0x2A00;
	s28 =	simm.s32 $0x4;
	s29 =	simm.s32 $0x2980  }
0x4: {  	s30 =	simm.s32 $0x10;
	s31 =	simm.s32 $0x0;
	s10 =	smul.u32 $0x14000, s11  }
0x5: {  	s0 =	sand.u32 $0x1, s0;
	s5 =	sadd.s32 $0x29E00, s1;
	s19 =	smul.u32 $0x50000, s11  }
0x6: {  	s8 =	sshll.u32 s11, $0x4;
	s3 =	sshll.u32 s0, $0x4;
	s9 =	smul.u32 $0x140000, s0  }
0x7: {  	s8 =	sand.u32 $0x70, s8;
	s0 =	ssub.s32 $0x2, s0;
	s6 =	sor.u32 s11, s3  }
0x8: {  	s3 =	simm.s32 $0x0;
	s21 =	sshrl.u32 s0, $0x1;
	s4 =	smul.u32 $0x2800, s6  }
0x9: {  	[smem:$0x7FF] =	sst s3;
	s6 =	sshll.u32 s6, $0x4;
	s20 =	sadd.s32 s10, s9  }
0xa: {  	s0 =	ssub.s32 s0, s21;
	s21 =	simm.s32 $0x6A00;
	_ =	strace $0x8000004A  }
0xb: {  	s6 =	sand.u32 $0x180, s6;
	s16 =	smax.u32 s0, $0x1;
	s7 =	sshrl.u32 s4, $0x3  }
0xc: {  	s18 =	sor.u32 s8, s6;
	s6 =	sadd.s32 $0x62600, s1;
	s8 =	sshrl.u32 s19, $0x2  }
0xd: {  	s19 =	simm.s32 $0x2800;
	s12 =	sadd.s32 s7, s1;
	s7 =	sshrl.u32 s20, $0x3  }
0xe: {  	s14 =	sadd.s32 s18, s1;
	s1 =	sadd.s32 s7, s1;
	s25 =	sadd.s32 $0x6C600, s12  }
0xf: {  	s7 =	sadd.s32 s8, s2;
	s26 =	sadd.s32 $0x62400, s14;
	[dreg:$0x7] =	wrdreg s25  }
0x10: {  	s18 =	simm.s32 $0x5;
	s8 =	sadd.s32 $0x4000, s7;
	[dreg:$0x8] =	wrdreg s26  }
0x11: {  	s20 =	simm.s32 $0x80;
	s22 =	sadd.s32 $0x8000, s7;
	[dreg:$0x3] =	wrdreg s8  }
0x12: {  	s14 =	sadd.s32 $0x62200, s14;
	s23 =	sadd.s32 $0xC000, s7;
	[dreg:$0x4] =	wrdreg s22  }
0x13: {  	s24 =	sadd.s32 $0x10000, s7;
	s15 =	sadd.s32 $0x77E00, s1;
	[dreg:$0x5] =	wrdreg s23  }
0x14: {  	s25 =	simm.s32 $0x2;
	s26 =	simm.s32 $0x3;
	[dreg:$0x6] =	wrdreg s24  }
0x15: {  	v0 =	vimm.f32 $0.0e+00;
	s22 =	simm.s32 $0x2880;
	s23 =	simm.s32 $0x2900;
	s24 =	simm.s32 $0x1  }
.LBB2_1:
0x16: {  	s0 =	simm.s32 $0x0;
	s1 =	simm.s32 $0x200  }
.LBB2_2:
0x17: {  	p0 =	sne.s32 s1, $0xFE00;
	[tilespmem:s0+$0x2A70] =	vst v0  }
0x18: {  	[tilespmem:s0+$0x2A00] =	vst v0  }
0x19: {  	[tilespmem:s0+$0x2A10] =	vst v0  }
.Ltmp0:
0x1a: {  	[tilespmem:s0+$0x2A20] =	vst v0;
	(pc) =	sbr.rel @p0 .LBB2_2-.Ltmp0, $4  }
0x1b: {  	[tilespmem:s0+$0x2A30] =	vst v0  }
0x1c: {  	[tilespmem:s0+$0x2A40] =	vst v0  }
0x1d: {  	[tilespmem:s0+$0x2A50] =	vst v0  }
0x1e: {  	[tilespmem:s0+$0x2A60] =	vst v0;
	s0 =	sshra.s32 s1, $0x2;
	s1 =	sadd.s32 $0x200, s1  }
0x1f: {  	[tilespmem:s0+$0x2A70] =	vst v0  }
0x20: {  	[tilespmem:s0+$0x2A00] =	vst v0  }
0x21: {  	[tilespmem:s0+$0x2A10] =	vst v0  }
0x22: {  	[tilespmem:s0+$0x2A20] =	vst v0  }
0x23: {  	[tilespmem:s0+$0x2A30] =	vst v0  }
0x24: {  	[tilespmem:s0+$0x2A40] =	vst v0  }
0x25: {  	[tilespmem:s0+$0x2A50] =	vst v0  }
0x26: {  	[tilespmem:s0+$0x2A60] =	vst v0  }
0x27: {  	[spmem:s7] =	stream.linear.scatter [tilespmem:s17], [sflag:$0x5], $0x4000, $0x38;
	[tilespmem:$0x1EA00] =	vst v63  }
0x28: {  	_ =	swait.ge [sflag:s18], $0x4000  }
0x29: {  	[sflag:s18] =	ssyncset.done $0x0  }
0x2a: {  	s9 =	rddreg [dreg:$0x3];
	[sflag:s18] =	ssyncadd.s32 $0xFFFFC000  }
0x2b: {  	[spmem:s9] =	stream.linear.scatter [tilespmem:s17], [sflag:$0x5], $0x4000, $0x38;
	[tilespmem:$0x1EA00] =	vst v63  }
0x2c: {  	_ =	swait.ge [sflag:s18], $0x4000  }
0x2d: {  	[sflag:s18] =	ssyncset.done $0x0  }
0x2e: {  	s10 =	rddreg [dreg:$0x4];
	[sflag:s18] =	ssyncadd.s32 $0xFFFFC000  }
0x2f: {  	[spmem:s10] =	stream.linear.scatter [tilespmem:s17], [sflag:$0x5], $0x4000, $0x38;
	[tilespmem:$0x1EA00] =	vst v63  }
0x30: {  	_ =	swait.ge [sflag:s18], $0x4000  }
0x31: {  	[sflag:s18] =	ssyncset.done $0x0  }
0x32: {  	s11 =	rddreg [dreg:$0x5];
	[sflag:s18] =	ssyncadd.s32 $0xFFFFC000  }
0x33: {  	[spmem:s11] =	stream.linear.scatter [tilespmem:s17], [sflag:$0x5], $0x4000, $0x38;
	[tilespmem:$0x1EA00] =	vst v63  }
0x34: {  	_ =	swait.ge [sflag:s18], $0x4000  }
0x35: {  	[sflag:s18] =	ssyncset.done $0x0  }
0x36: {  	s12 =	rddreg [dreg:$0x6];
	[sflag:s18] =	ssyncadd.s32 $0xFFFFC000  }
0x37: {  	[spmem:s12] =	stream.linear.scatter [tilespmem:s17], [sflag:$0x5], $0x4000, $0x38;
	[tilespmem:$0x1EA00] =	vst v63  }
0x38: {  	_ =	swait.ge [sflag:s18], $0x4000  }
0x39: {  	[sflag:s18] =	ssyncset.done $0x0  }
0x3a: {  	[sflag:s18] =	ssyncadd.s32 $0xFFFFC000  }
0x3b: {  	[bflag:$0x0] =	sbarrier.arrive $0xFFFF  }
0x3c: {  	s13 =	simm.s32 $0x0;
	s1 =	rddreg [dreg:$0x7]  }
0x3d: {  	[tilespmem:s13], [sflag:$0x5] =	stream.linear.gather [hbm4b:s1+s13], $0x2700, $0x38;
	[tilespmem:$0x1EA00] =	vst v63  }
0x3e: {  	_ =	swait.ge [sflag:s18], $0x2700  }
0x3f: {  	[sflag:s18] =	ssyncset.done $0x0  }
0x40: {  	s9 =	simm.s32 $0x0;
	s8 =	rddreg [dreg:$0x8];
	[sflag:s18] =	ssyncadd.s32 $0xFFFFD900  }
0x41: {  	[tilespmem:s19], [sflag:$0x5] =	stream.linear.gather [hbm4b:s8+s13], $0x80, $0x38;
	[tilespmem:$0x1EA00] =	vst v63  }
0x42: {  	s8 =	sand.u32 $0x3C00, s9;
	_ =	swait.ge [sflag:s18], $0x80  }
0x43: {  	s1 =	sand.u32 $0x300, s9;
	s8 =	sadd.s32 s4, s8;
	[sflag:s18] =	ssyncset.done $0x0  }
0x44: {  	s10 =	sor.u32 s1, s8;
	[sflag:s18] =	ssyncadd.s32 $0xFFFFFF80  }
0x45: {  	[tilespmem:s17], [sflag:$0x1] =	stream.indirect.gather [hbm4b:s5+s20], $0x80, s13, s20, $0xb8;
	[tilespmem:$0x1EA00] =	vst v63  }
0x46: {  	s11 =	simm.s32 $0x80;
	s12 =	simm.s32 $0x80;
	s0 =	sshrl.u32 s10, $0x3  }
0x47: {  	[tilespmem:s21], [sflag:$0x2] =	stream.indirect.gather [hbm4b:s5+s20], $0x80, s11, s20, $0xb8;
	[tilespmem:$0x1EA00] =	vst v63  }
0x48: {  	s1 =	sand.u32 $0x380, s12;
	s0 =	sadd.s32 s6, s0  }
0x49: {  	[tilespmem:s22], [sflag:$0x5] =	stream.linear.gather [hbm4b:s0+s3], $0x80, $0x38;
	[tilespmem:$0x1EA00] =	vst v63  }
0x4a: {  	s13 =	sor.u32 s8, s1;
	_ =	swait.ge [sflag:s18], $0x80  }
0x4b: {  	s0 =	sshrl.u32 s13, $0x3;
	[sflag:s18] =	ssyncset.done $0x0  }
0x4c: {  	s0 =	sadd.s32 s6, s0;
	[sflag:s18] =	ssyncadd.s32 $0xFFFFFF80  }
0x4d: {  	[tilespmem:s23], [sflag:$0x5] =	stream.linear.gather [hbm4b:s0+s3], $0x80, $0x38;
	[tilespmem:$0x1EA00] =	vst v63  }
0x4e: {  	_ =	swait.ge [sflag:s18], $0x80  }
0x4f: {  	[sflag:s18] =	ssyncset.done $0x0  }
0x50: {  	[sflag:s18] =	ssyncadd.s32 $0xFFFFFF80  }
0x51: {  	_ =	swait.ge [sflag:s24], $0x4000  }
0x52: {  	[sflag:s24] =	ssyncset.done $0x0  }
0x53: {  	[sflag:s24] =	ssyncadd.s32 $0xFFFFC000  }
0x54: {  	_ =	swait.ge [sflag:s25], $0x4000  }
0x55: {  	[sflag:s25] =	ssyncset.done $0x0  }
0x56: {  	[sflag:s25] =	ssyncadd.s32 $0xFFFFC000  }
0x57: {  	[spmem:s2] =	stream.indirect.scatter.add.f32 [tilespmem:s17], [sflag:$0x3], $0x80, s22, s20, $0xb8;
	[tilespmem:$0x1EA00] =	vst v63  }
0x58: {  	_ = 	snop  }
0x59: {  	[spmem:s2] =	stream.indirect.scatter.add.f32 [tilespmem:s21], [sflag:$0x4], $0x80, s23, s20, $0xb8;
	[tilespmem:$0x1EA00] =	vst v63  }
0x5a: {  	s8 =	simm.s32 $0x280;
	_ =	swait.ge [sflag:s26], $0x4000  }
0x5b: {  	s1 =	simm.s32 $0x100;
	s0 =	simm.s32 $0x180;
	[sflag:s26] =	ssyncset.done $0x0  }
.LBB2_4:
0x5c: {  	s10 =	sadd.s32 $0xFFFFFF80, s0  }
0x5d: {  	[sflag:s26] =	ssyncadd.s32 $0xFFFFC000;
	s11 =	smov.u32 s8;
	s9 =	sadd.s32 $0x100, s8  }
0x5e: {  	s0 =	sand.u32 $0x380, s0;
	s12 =	sand.u32 $0x3C00, s10;
	_ =	swait.ge [sflag:s28], $0x4000  }
0x5f: {  	s10 =	sand.u32 $0x300, s10;
	s12 =	sadd.s32 s4, s12;
	[sflag:s28] =	ssyncset.done $0x0  }
0x60: {  	s10 =	sor.u32 s10, s12;
	s0 =	sor.u32 s12, s0;
	[sflag:s28] =	ssyncadd.s32 $0xFFFFC000  }
0x61: {  	s12 =	sadd.s32 $0x80, s1;
	s10 =	sshrl.u32 s10, $0x3;
	s13 =	sshrl.u32 s0, $0x3  }
0x62: {  	[tilespmem:s17], [sflag:$0x1] =	stream.indirect.gather [hbm4b:s5+s20], $0x80, s1, s20, $0xb8;
	[tilespmem:$0x1EA00] =	vst v63  }
0x63: {  	p0 =	sne.s32 s8, $0x2680;
	s0 =	smov.u32 s11;
	s8 =	sadd.s32 s6, s10  }
0x64: {  	[tilespmem:s21], [sflag:$0x2] =	stream.indirect.gather [hbm4b:s5+s20], $0x80, s12, s20, $0xb8;
	[tilespmem:$0x1EA00] =	vst v63  }
0x65: {  	_ = 	snop  }
0x66: {  	[tilespmem:s22], [sflag:$0x5] =	stream.linear.gather [hbm4b:s8+s3], $0x80, $0x38;
	[tilespmem:$0x1EA00] =	vst v63  }
0x67: {  	_ =	swait.ge [sflag:s18], $0x80  }
0x68: {  	s8 =	sadd.s32 s6, s13;
	[sflag:s18] =	ssyncset.done $0x0  }
0x69: {  	[sflag:s18] =	ssyncadd.s32 $0xFFFFFF80  }
0x6a: {  	[tilespmem:s23], [sflag:$0x5] =	stream.linear.gather [hbm4b:s8+s3], $0x80, $0x38;
	[tilespmem:$0x1EA00] =	vst v63  }
0x6b: {  	_ =	swait.ge [sflag:s18], $0x80  }
0x6c: {  	[sflag:s18] =	ssyncset.done $0x0  }
0x6d: {  	[sflag:s18] =	ssyncadd.s32 $0xFFFFFF80  }
0x6e: {  	_ =	swait.ge [sflag:s24], $0x4000  }
0x6f: {  	[sflag:s24] =	ssyncset.done $0x0  }
0x70: {  	[sflag:s24] =	ssyncadd.s32 $0xFFFFC000  }
0x71: {  	_ =	swait.ge [sflag:s25], $0x4000  }
0x72: {  	[sflag:s25] =	ssyncset.done $0x0  }
0x73: {  	[sflag:s25] =	ssyncadd.s32 $0xFFFFC000  }
0x74: {  	[spmem:s2] =	stream.indirect.scatter.add.f32 [tilespmem:s17], [sflag:$0x3], $0x80, s22, s20, $0xb8;
	[tilespmem:$0x1EA00] =	vst v63  }
.Ltmp1:
0x75: {  	_ = 	snop;
	(pc) =	sbr.rel @p0 .LBB2_4-.Ltmp1, $4  }
0x76: {  	_ = 	snop  }
0x77: {  	[spmem:s2] =	stream.indirect.scatter.add.f32 [tilespmem:s21], [sflag:$0x4], $0x80, s23, s20, $0xb8;
	[tilespmem:$0x1EA00] =	vst v63  }
0x78: {  	_ =	swait.ge [sflag:s26], $0x4000  }
0x79: {  	s1 =	sadd.s32 $0x100, s1;
	s8 =	smov.u32 s9;
	[sflag:s26] =	ssyncset.done $0x0  }
0x7a: {  	[sflag:s26] =	ssyncadd.s32 $0xFFFFC000  }
0x7b: {  	_ =	swait.ge [sflag:s28], $0x4000  }
0x7c: {  	s8 =	sadd.s32 $0xFFFFFF80, s0;
	[sflag:s28] =	ssyncset.done $0x0  }
0x7d: {  	s10 =	sand.u32 $0x3C00, s8;
	[sflag:s28] =	ssyncadd.s32 $0xFFFFC000  }
0x7e: {  	[tilespmem:s17], [sflag:$0x1] =	stream.indirect.gather [hbm4b:s5+s20], $0x80, s1, s20, $0xb8;
	[tilespmem:$0x1EA00] =	vst v63  }
0x7f: {  	s9 =	sadd.s32 $0x80, s1;
	s8 =	sand.u32 $0x300, s8;
	s1 =	sadd.s32 s4, s10  }
0x80: {  	s8 =	sor.u32 s8, s1  }
0x81: {  	[tilespmem:s21], [sflag:$0x2] =	stream.indirect.gather [hbm4b:s5+s20], $0x80, s9, s20, $0xb8;
	[tilespmem:$0x1EA00] =	vst v63  }
0x82: {  	s8 =	sshrl.u32 s8, $0x3  }
0x83: {  	s11 =	sand.u32 $0x380, s0;
	s8 =	sadd.s32 s6, s8  }
0x84: {  	[tilespmem:s22], [sflag:$0x5] =	stream.linear.gather [hbm4b:s8+s3], $0x80, $0x38;
	[tilespmem:$0x1EA00] =	vst v63  }
0x85: {  	s0 =	sor.u32 s1, s11;
	_ =	swait.ge [sflag:s18], $0x80  }
0x86: {  	s0 =	sshrl.u32 s0, $0x3;
	[sflag:s18] =	ssyncset.done $0x0  }
0x87: {  	s0 =	sadd.s32 s6, s0;
	[sflag:s18] =	ssyncadd.s32 $0xFFFFFF80  }
0x88: {  	[tilespmem:s23], [sflag:$0x5] =	stream.linear.gather [hbm4b:s0+s3], $0x80, $0x38;
	[tilespmem:$0x1EA00] =	vst v63  }
0x89: {  	_ =	swait.ge [sflag:s18], $0x80  }
0x8a: {  	[sflag:s18] =	ssyncset.done $0x0  }
0x8b: {  	[sflag:s18] =	ssyncadd.s32 $0xFFFFFF80  }
0x8c: {  	_ =	swait.ge [sflag:s24], $0x4000  }
0x8d: {  	[sflag:s24] =	ssyncset.done $0x0  }
0x8e: {  	[sflag:s24] =	ssyncadd.s32 $0xFFFFC000  }
0x8f: {  	_ =	swait.ge [sflag:s25], $0x4000  }
0x90: {  	[sflag:s25] =	ssyncset.done $0x0  }
0x91: {  	[sflag:s25] =	ssyncadd.s32 $0xFFFFC000  }
0x92: {  	[spmem:s2] =	stream.indirect.scatter.add.f32 [tilespmem:s17], [sflag:$0x3], $0x80, s22, s20, $0xb8;
	[tilespmem:$0x1EA00] =	vst v63  }
0x93: {  	_ = 	snop  }
0x94: {  	[spmem:s2] =	stream.indirect.scatter.add.f32 [tilespmem:s21], [sflag:$0x4], $0x80, s23, s20, $0xb8;
	[tilespmem:$0x1EA00] =	vst v63  }
0x95: {  	_ =	swait.ge [sflag:s26], $0x4000  }
0x96: {  	[sflag:s26] =	ssyncset.done $0x0  }
0x97: {  	[sflag:s26] =	ssyncadd.s32 $0xFFFFC000  }
0x98: {  	_ =	swait.ge [sflag:s28], $0x4000  }
0x99: {  	[sflag:s28] =	ssyncset.done $0x0  }
0x9a: {  	[sflag:s28] =	ssyncadd.s32 $0xFFFFC000  }
0x9b: {  	[tilespmem:s29], [sflag:$0x5] =	stream.linear.gather [hbm4b:s14+s3], $0x80, $0x38;
	[tilespmem:$0x1EA00] =	vst v63  }
0x9c: {  	_ =	swait.ge [sflag:s18], $0x80  }
0x9d: {  	[sflag:s18] =	ssyncset.done $0x0  }
0x9e: {  	[sflag:s18] =	ssyncadd.s32 $0xFFFFFF80  }
0x9f: {  	[tilespmem:s17], [sflag:$0x1] =	stream.indirect.gather [hbm4b:s5+s30], $0x80, s19, s30, $0xb8;
	[tilespmem:$0x1EA00] =	vst v63  }
0xa0: {  	_ =	swait.ge [sflag:s24], $0x800  }
0xa1: {  	[sflag:s24] =	ssyncset.done $0x0  }
0xa2: {  	[sflag:s24] =	ssyncadd.s32 $0xFFFFF800  }
0xa3: {  	[spmem:s2] =	stream.indirect.scatter.add.f32 [tilespmem:s17], [sflag:$0x5], $0x80, s29, s30, $0xb8;
	[tilespmem:$0x1EA00] =	vst v63  }
0xa4: {  	s12 =	stileid.u32;
	_ =	swait.ge [sflag:s18], $0x800  }
0xa5: {  	s13 =	sshrl.u32 s7, $0x3;
	s31 =	sadd.s32 $0x1, s31;
	[sflag:s18] =	ssyncset.done $0x0  }
0xa6: {  	p0 =	sne.s32 s31, s16;
	s0 =	sshll.u32 s12, $0x6;
	[sflag:s18] =	ssyncadd.s32 $0xFFFFF800  }
.Ltmp2:
0xa7: {  	s0 =	sor.u32 $0x1C05, s0;
	[bflag:$0x0] =	sbarrier.arrive $0xFFFF;
	(pc) =	sbr.rel @p0 .LBB2_1-.Ltmp2, $4  }
0xa8: {  	[hbm:s15], [sflag:s0] =	dma.local [spmem:s13], $0x2800  }
0xa9: {  	_ =	swait.ge [sflag:s18], $0x2800  }
0xaa: {  	[sflag:s18] =	ssyncset.done $0x0  }
0xab: {  	[sflag:s18] =	ssyncadd.s32 $0xFFFFD800  }
0xac: {  	_ =	sfence.sel $0x180000  }
0xad: {  	[bflag:$0x0] =	sbarrier.arrive $0xFFFF  }
0xae: {  	_ =	strace $0x9000004A  }
0xaf: {  	s0 =	stileid.u32;
	[bflag:$0x2] =	sbarrier.arrive $0xFFFF  }
0xb0: {  	p0 =	sne.s32 s0, $0x0;
	s0 =	rddreg [dreg:$0x2]  }
0xb1: {  	s0 =	sadd.s32 @!p0 $0x100000, s0  }
0xb2: {  	[sflag:s0] =	ssyncadd.tile.s32 @!p0 $0x1;
	_ =	shalt  }
.Lfunc_end2:
_tile_overlayer_lowered:
.L_overlay_start_2:
0xb3: {  	(tag) =	ssettag $0x2  }
0xb4: {  	s0 =	rddreg [dreg:$0x0];
	s2 =	stileid.u32  }
0xb5: {  	s1 =	rddreg [dreg:$0x1];
	p0 =	sne.s32 s2, $0x0  }
0xb6: {  	s3 =	rddreg [dreg:$0x2];
	[bflag:$0x3] =	sbarrier.arrive $0xFFFF;
	s2 =	simm.s32 @!p0 $0x1C05  }
0xb7: {  	[timem:s3], [sflag:s2] =	dma.local @!p0 [hbm:s0], s1  }
0xb8: {  	s0 =	simm.s32 @!p0 $0x5  }
0xb9: {  	_ =	swait.ge @!p0 [sflag:s0], s1  }
0xba: {  	s1 =	ssub.s32 @!p0 $0x0, s1;
	[sflag:s0] =	ssyncset.done @!p0 $0x0  }
0xbb: {  	[sflag:s0] =	ssyncadd.s32 @!p0 s1  }
0xbc: {  	[bflag:$0x3] =	sbarrier.arrive $0xFFFF  }
0xbd: {  	_ =	shalt  }

// kernel: kernel.16.cloned.1.call-start
scs
__scs_entry_jumppad:
0x0: {  	(pc) =	sbr.rel $0x88, $3  }
0x1: {  	(tag) =	ssettag $0x0;
	lr =	simm.s32 $0x1  }
0x2: {  	[smem:$0x3F94] =	sst lr;
	_ =	strace $0xD0000000  }
0x3: {  	_ = 	snop  }
0x4: {  	_ = 	snop  }
0x5: {  	_ = 	snop  }
0x6: {  	_ = 	snop  }
0x7: {  	_ = 	snop  }
__scs_overlays_trampoline_lowered:
0x8: {  	[smem:$0x3FA3] =	sst s0  }
0x9: {  	[smem:$0x3FA4] =	sst s1  }
0xa: {  	[smem:$0x3FA5] =	sst s2  }
0xb: {  	[smem:$0x3FA6] =	sst s3  }
0xc: {  	[smem:$0x3FA7] =	sst s4  }
0xd: {  	[smem:$0x3FA8] =	sst s5  }
0xe: {  	[smem:$0x3FA9] =	sst s6  }
0xf: {  	[smem:$0x3FAA] =	sst s7  }
0x10: {  	[smem:$0x3FAB] =	sst s8  }
0x11: {  	[smem:$0x3FAC] =	sst s9;
	s0 =	simm.s32 @!p0 $0x0  }
0x12: {  	s1 =	sld [smem:$0x3F92];
	s0 =	simm.s32 @p0 $0x1  }
0x13: {  	[smem:$0x3FAD] =	sst s0;
	s0 =	simm.s32 @!p1 $0x0  }
0x14: {  	s2 =	sld [smem:$0x3F91];
	s0 =	simm.s32 @p1 $0x1  }
0x15: {  	[smem:$0x3FAE] =	sst s0;
	s0 =	simm.s32 @!p2 $0x0  }
0x16: {  	s3 =	sld [smem:$0x3FDB];
	s0 =	simm.s32 @p2 $0x1  }
0x17: {  	s4 =	simm.s32 $0x1BF5;
	[smem:$0x3FB0] =	sst s0  }
0x18: {  	s0 =	sld [smem:$0x3F93];
	_ =	swait.ge [sflag:s4], $0x0  }
0x19: {  	s7 =	sld [smem:$0x3F94]  }
0x1a: {  	s8 =	sadd.s32 $0xFFFFE003, lr  }
0x1b: {  	s9 =	sadd.s32 $0xFFFFFEF7, lr;
	s5 =	simm.s32 $0xFFFFFFFF;
	p2 =	slt.u32 s8, $0xFFFFF086  }
0x1c: {  	p1 =	slt.u32 s9, $0xF7A;
	s5 =	simm.s32 @!p2 $0x0  }
0x1d: {  	s5 =	simm.s32 @p1 $0x1;
	p0 =	seq.s32 s7, s2  }
0x1e: {  	s7 =	smul.u32 @!p0 $0xF7A, s2;
	p2 =	seq.s32 @!p0 s5, $0x0  }
0x1f: {  	s9 =	smul.u32 $0xF7A, s1;
	s8 =	simm.s32 @!p0 $0x1BF5;
	p2 =	por !p2, p0  }
0x20: {  	[sflag:s8] =	ssyncset.s32 @!p0 $0xFFFFF086;
	s6 =	sadd.s32 @!p0 s3, s7;
	s7 =	simm.s32 @!p0 $0x108  }
0x21: {  	s3 =	sadd.s32 s3, s9;
	s6 =	sadd.s32 @!p0 $0x88, s6;
	s7 =	simm.s32 @p2 $0x1082  }
0x22: {  	[simem:s7], [sflag:s8] =	dma.local @!p0 [hbm:s6], $0xF7A  }
0x23: {  	s9 =	sor.u32 $0xD0000000, s2;
	s6 =	simm.s32 $0x108;
	_ =	swait.ge @!p0 [sflag:s8], $0x0  }
0x24: {  	s3 =	sadd.s32 $0x88, s3;
	s6 =	simm.s32 @!p1 $0x1082;
	[sflag:s4] =	ssyncset.s32 $0xFFFFF086  }
0x25: {  	[simem:s6], [sflag:s4] =	dma.local [hbm:s3], $0xF7A  }
0x26: {  	[smem:$0x3F94] =	sst s1;
	(tag) =	ssettag s2;
	_ =	strace s9  }
0x27: {  	s1 =	sld [smem:$0x3FA4]  }
0x28: {  	s2 =	sld [smem:$0x3FA5]  }
0x29: {  	s4 =	sld [smem:$0x3FA7]  }
0x2a: {  	p0 =	seq.s32 s5, $0x0;
	s5 =	sld [smem:$0x3FA8]  }
0x2b: {  	s6 =	sld [smem:$0x3FA9]  }
0x2c: {  	s7 =	sld [smem:$0x3FAA]  }
0x2d: {  	s3 =	simm.s32 $0x108;
	s8 =	sld [smem:$0x3FAB]  }
0x2e: {  	s3 =	simm.s32 @!p0 $0x1082;
	s9 =	sld [smem:$0x3FAC]  }
0x2f: {  	lr =	sadd.s32 s0, s3;
	s0 =	sld [smem:$0x3FA3]  }
0x30: {  	s3 =	sld [smem:$0x3FA6]  }
0x31: {  	[smem:$0x3FAF] =	sst s10  }
0x32: {  	s10 =	sld [smem:$0x3FAD];
	_ =	sdelay $0x3  }
0x33: {  	p0 =	seq.s32 s10, $0x1;
	s10 =	sld [smem:$0x3FAF];
	_ =	sdelay $0x3  }
0x34: {  	[smem:$0x3FAF] =	sst s10  }
0x35: {  	s10 =	sld [smem:$0x3FAE];
	_ =	sdelay $0x3  }
0x36: {  	p1 =	seq.s32 s10, $0x1;
	s10 =	sld [smem:$0x3FAF];
	_ =	sdelay $0x3  }
0x37: {  	[smem:$0x3FAF] =	sst s10  }
0x38: {  	s10 =	sld [smem:$0x3FB0]  }
0x39: {  	_ = 	snop;
	(pc) =	sbr.ind lr, $3  }
0x3a: {  	_ = 	snop  }
0x3b: {  	_ = 	snop  }
0x3c: {  	p2 =	seq.s32 s10, $0x1;
	s10 =	sld [smem:$0x3FAF]  }
0x3d: {  	_ =	shalt  }
0x3e: {  	_ =	shalt  }
0x3f: {  	_ =	shalt  }
0x40: {  	_ =	shalt  }
0x41: {  	_ =	shalt  }
0x42: {  	_ =	shalt  }
0x43: {  	_ =	shalt  }
0x44: {  	_ =	shalt  }
0x45: {  	_ =	shalt  }
0x46: {  	_ =	shalt  }
0x47: {  	_ =	shalt  }
0x48: {  	_ =	shalt  }
0x49: {  	_ =	shalt  }
0x4a: {  	_ =	shalt  }
0x4b: {  	_ =	shalt  }
0x4c: {  	_ =	shalt  }
0x4d: {  	_ =	shalt  }
0x4e: {  	_ =	shalt  }
0x4f: {  	_ =	shalt  }
0x50: {  	_ =	shalt  }
0x51: {  	_ =	shalt  }
0x52: {  	_ =	shalt  }
0x53: {  	_ =	shalt  }
0x54: {  	_ =	shalt  }
0x55: {  	_ =	shalt  }
0x56: {  	_ =	shalt  }
0x57: {  	_ =	shalt  }
0x58: {  	_ =	shalt  }
0x59: {  	_ =	shalt  }
0x5a: {  	_ =	shalt  }
0x5b: {  	_ =	shalt  }
0x5c: {  	_ =	shalt  }
0x5d: {  	_ =	shalt  }
0x5e: {  	_ =	shalt  }
0x5f: {  	_ =	shalt  }
0x60: {  	_ =	shalt  }
0x61: {  	_ =	shalt  }
0x62: {  	_ =	shalt  }
0x63: {  	_ =	shalt  }
0x64: {  	_ =	shalt  }
0x65: {  	_ =	shalt  }
0x66: {  	_ =	shalt  }
0x67: {  	_ =	shalt  }
0x68: {  	_ =	shalt  }
0x69: {  	_ =	shalt  }
0x6a: {  	_ =	shalt  }
0x6b: {  	_ =	shalt  }
0x6c: {  	_ =	shalt  }
0x6d: {  	_ =	shalt  }
0x6e: {  	_ =	shalt  }
0x6f: {  	_ =	shalt  }
0x70: {  	_ =	shalt  }
0x71: {  	_ =	shalt  }
0x72: {  	_ =	shalt  }
0x73: {  	_ =	shalt  }
0x74: {  	_ =	shalt  }
0x75: {  	_ =	shalt  }
0x76: {  	_ =	shalt  }
0x77: {  	_ =	shalt  }
0x78: {  	_ =	shalt  }
0x79: {  	_ =	shalt  }
0x7a: {  	_ =	shalt  }
0x7b: {  	_ =	shalt  }
0x7c: {  	_ =	shalt  }
0x7d: {  	_ =	shalt  }
0x7e: {  	_ =	shalt  }
0x7f: {  	_ =	shalt  }
0x80: {  	_ =	shalt  }
0x81: {  	_ =	shalt  }
0x82: {  	_ =	shalt  }
0x83: {  	_ =	shalt  }
0x84: {  	_ =	shalt  }
0x85: {  	_ =	shalt  }
0x86: {  	_ =	shalt  }
0x87: {  	_ =	shalt  }
.Lfunc_end0:
.L_simem_size_0:
called_computation.2_lowered:
.L_overlay_start_0:
0x88: {  	s2 =	sld [smem:$0x3FD9]  }
0x89: {  	s3 =	sld [smem:$0x3FFE];
	_ =	sdelay $0x1  }
0x8a: {  	s1 =	srdreg.scid  }
0x8b: {  	s0 =	sand.u32 $0x1, s1  }
0x8c: {  	s16 =	sshll.u32 s0, $0xA;
	s2 =	sadd.s32 s3, s2  }
0x8d: {  	s2 =	sadd.s32 s2, s16  }
0x8e: {  	[smem:$0x3FBB] =	sst s2  }
0x8f: {  	_ = 	snop  }
0x90: {  	(tm) =	ssettm $0x1  }
0x91: {  	s17 =	sld [smem:$0x3FFB];
	_ =	sdelay $0x3  }
0x92: {  	_ =	strace s17  }
0x93: {  	s2 =	sld [smem:$0x3FFC];
	_ =	sdelay $0x3  }
0x94: {  	_ =	strace s2  }
0x95: {  	s2 =	sld [smem:$0x3FFD];
	_ =	sdelay $0x3  }
0x96: {  	_ =	strace s2  }
0x97: {  	_ =	strace $0x8FFFFFFF  }
0x98: {  	s18 =	sld [smem:$0x3FDB];
	_ =	sdelay $0x1  }
0x99: {  	s19 =	simm.s32 $_scs_section_size  }
0x9a: {  	s4 =	simm.s32 $_size__tile_overlayer_lowered;
	s5 =	simm.s32 $_tile_overlayer_lowered  }
0x9b: {  	s22 =	simm.s32 $0x1BFF;
	s21 =	sshll.u32 s5, $0x1;
	s2 =	sadd.s32 s19, s18  }
0x9c: {  	s6 =	simm.s32 $0x0;
	s20 =	sshll.u32 s4, $0x1;
	s4 =	sadd.s32 s21, s2  }
0x9d: {  	[timem:s6], [sflag:s22] =	dma.local [hbm:s4], s20  }
0x9e: {  	_ =	swait.ge [sflag:s22], s20  }
0x9f: {  	s3 =	ssub.s32 $0x0, s20;
	[sflag:s22] =	ssyncset.done $0x0  }
0xa0: {  	[sflag:s22] =	ssyncadd.s32 s3;
	_ =	sdelay $0x1  }
0xa1: {  	s23 =	simm.s32 $0x1B8B  }
0xa2: {  	_ =	swait.ge [sflag:s23], $0x1  }
0xa3: {  	[sflag:s23] =	ssyncset.done $0x0  }
0xa4: {  	s25 =	simm.s32 $0x1B8E;
	s24 =	sld [smem:$0x3FFE];
	[sflag:s23] =	ssyncadd.s32 $0xFFFFFFFF  }
0xa5: {  	s26 =	simm.s32 $execute0_lowered;
	[smem:$0x3FD2] =	sst s25  }
0xa6: {  	s4 =	sshll.u32 s26, $0x1;
	_ =	strace $0x8000004C;
	[dreg:$0x1] =	wrdreg $0xFFFFFFFF  }
0xa7: {  	s28 =	simm.s32 $_size_execute0_lowered;
	s2 =	sadd.s32 s2, s4;
	[dreg:$0x0] =	wrdreg $0x0  }
0xa8: {  	s4 =	sshll.u32 s28, $0x1;
	[dreg:$0x2] =	wrdreg s2  }
0xa9: {  	[dreg:$0x3] =	wrdreg s4  }
0xaa: {  	[dreg:$0x4] =	wrdreg $0xC0  }
0xab: {  	_ =	task [dreg:s6], $0x5FFFF  }
0xac: {  	[dreg:$0x1] =	wrdreg $0xFFFFFFFF  }
0xad: {  	[dreg:$0x0] =	wrdreg $0x60  }
0xae: {  	[dreg:$0x2] =	wrdreg s24  }
0xaf: {  	[dreg:$0x3] =	wrdreg $0xAA000  }
0xb0: {  	[dreg:$0x4] =	wrdreg $0x9  }
0xb1: {  	_ =	task.clear_ibuf [dreg:s6], $0x5FFFF;
	_ =	strace $0x9000004C  }
0xb2: {  	s29 =	simm.s32 $0x9;
	_ =	strace $0x8000004E  }
0xb3: {  	_ =	swait.ge [sflag:s29], $0x1  }
0xb4: {  	[sflag:s29] =	ssyncadd.s32 $0xFFFFFFFF  }
0xb5: {  	_ =	strace $0x9000004E  }
0xb6: {  	_ =	sfence  }
0xb7: {  	s30 =	sld [smem:$0x0];
	_ =	sdelay $0x2  }
0xb8: {  	s31 =	sshll.u32 s1, $0xD;
	s1 =	sshrl.u32 s1, $0x2  }
0xb9: {  	s3 =	sand.u32 $0x4000, s31;
	s1 =	sadd.s32 s1, s30  }
0xba: {  	s0 =	sor.u32 s3, s0;
	s1 =	sshll.u32 s1, $0x11  }
0xbb: {  	s0 =	sor.u32 s1, s0  }
0xbc: {  	s0 =	sadd.s32 $0x8F2B, s0  }
0xbd: {  	[sflag:s0] =	ssyncadd.remote.s32 $0x1  }
0xbe: {  	_ =	sfence.sel $0xFFFF  }
0xbf: {  	[dreg:$0x0] =	wrdreg $0xFFFFFFFF;
	(pc) =	sbr.abs _section_cstart, $3  }
0xc0: {  	[dreg:$0x1] =	wrdreg $0xFFFFFFFF  }
0xc1: {  	_ =	task.clear_ibuf [dreg:s6], $0x2FFFF;
	_ =	strace $0x9FFFFFFF  }
0xc2: {  	(tm) =	ssettm $0x7FFFFFFF  }
0xc3: {  	_ =	shalt  }
tec
execute0_lowered:
.L_overlay_start_1:
0x0: {  	(tag) =	ssettag $0x1  }
0x1: {  	s0 =	srdreg.scid;
	s1 =	rddreg [dreg:$0x0]  }
0x2: {  	s11 =	stileid.u32;
	s2 =	rddreg [dreg:$0x1]  }
0x3: {  	s17 =	simm.s32 $0x2A00;
	s28 =	simm.s32 $0x4;
	s29 =	simm.s32 $0x2980  }
0x4: {  	s30 =	simm.s32 $0x10;
	s31 =	simm.s32 $0x0;
	s10 =	smul.u32 $0x14000, s11  }
0x5: {  	s0 =	sand.u32 $0x1, s0;
	s5 =	sadd.s32 $0xEF000, s1;
	s19 =	smul.u32 $0x50000, s11  }
0x6: {  	s8 =	sshll.u32 s11, $0x4;
	s3 =	sshll.u32 s0, $0x4;
	s9 =	smul.u32 $0x140000, s0  }
0x7: {  	s8 =	sand.u32 $0x70, s8;
	s0 =	ssub.s32 $0x2, s0;
	s6 =	sor.u32 s11, s3  }
0x8: {  	s3 =	simm.s32 $0x0;
	s21 =	sshrl.u32 s0, $0x1;
	s4 =	smul.u32 $0x2800, s6  }
0x9: {  	[smem:$0x7FF] =	sst s3;
	s6 =	sshll.u32 s6, $0x4;
	s20 =	sadd.s32 s10, s9  }
0xa: {  	s0 =	ssub.s32 s0, s21;
	s21 =	simm.s32 $0x6A00;
	_ =	strace $0x8000004D  }
0xb: {  	s6 =	sand.u32 $0x180, s6;
	s16 =	smax.u32 s0, $0x1;
	s7 =	sshrl.u32 s4, $0x3  }
0xc: {  	s18 =	sor.u32 s8, s6;
	s6 =	sadd.s32 $0x62600, s1;
	s8 =	sshrl.u32 s19, $0x2  }
0xd: {  	s19 =	simm.s32 $0x2800;
	s12 =	sadd.s32 s7, s1;
	s7 =	sshrl.u32 s20, $0x3  }
0xe: {  	s14 =	sadd.s32 s18, s1;
	s1 =	sadd.s32 s7, s1;
	s25 =	sadd.s32 $0x6C600, s12  }
0xf: {  	s7 =	sadd.s32 s8, s2;
	s26 =	sadd.s32 $0x62400, s14;
	[dreg:$0x7] =	wrdreg s25  }
0x10: {  	s18 =	simm.s32 $0x5;
	s8 =	sadd.s32 $0x4000, s7;
	[dreg:$0x8] =	wrdreg s26  }
0x11: {  	s20 =	simm.s32 $0x80;
	s22 =	sadd.s32 $0x8000, s7;
	[dreg:$0x3] =	wrdreg s8  }
0x12: {  	s14 =	sadd.s32 $0x62200, s14;
	s23 =	sadd.s32 $0xC000, s7;
	[dreg:$0x4] =	wrdreg s22  }
0x13: {  	s24 =	sadd.s32 $0x10000, s7;
	s15 =	sadd.s32 $0x77E00, s1;
	[dreg:$0x5] =	wrdreg s23  }
0x14: {  	s25 =	simm.s32 $0x2;
	s26 =	simm.s32 $0x3;
	[dreg:$0x6] =	wrdreg s24  }
0x15: {  	v0 =	vimm.f32 $0.0e+00;
	s22 =	simm.s32 $0x2880;
	s23 =	simm.s32 $0x2900;
	s24 =	simm.s32 $0x1  }
.LBB2_1:
0x16: {  	s0 =	simm.s32 $0x0;
	s1 =	simm.s32 $0x200  }
.LBB2_2:
0x17: {  	p0 =	sne.s32 s1, $0xFE00;
	[tilespmem:s0+$0x2A70] =	vst v0  }
0x18: {  	[tilespmem:s0+$0x2A00] =	vst v0  }
0x19: {  	[tilespmem:s0+$0x2A10] =	vst v0  }
.Ltmp0:
0x1a: {  	[tilespmem:s0+$0x2A20] =	vst v0;
	(pc) =	sbr.rel @p0 .LBB2_2-.Ltmp0, $4  }
0x1b: {  	[tilespmem:s0+$0x2A30] =	vst v0  }
0x1c: {  	[tilespmem:s0+$0x2A40] =	vst v0  }
0x1d: {  	[tilespmem:s0+$0x2A50] =	vst v0  }
0x1e: {  	[tilespmem:s0+$0x2A60] =	vst v0;
	s0 =	sshra.s32 s1, $0x2;
	s1 =	sadd.s32 $0x200, s1  }
0x1f: {  	[tilespmem:s0+$0x2A70] =	vst v0  }
0x20: {  	[tilespmem:s0+$0x2A00] =	vst v0  }
0x21: {  	[tilespmem:s0+$0x2A10] =	vst v0  }
0x22: {  	[tilespmem:s0+$0x2A20] =	vst v0  }
0x23: {  	[tilespmem:s0+$0x2A30] =	vst v0  }
0x24: {  	[tilespmem:s0+$0x2A40] =	vst v0  }
0x25: {  	[tilespmem:s0+$0x2A50] =	vst v0  }
0x26: {  	[tilespmem:s0+$0x2A60] =	vst v0  }
0x27: {  	[spmem:s7] =	stream.linear.scatter [tilespmem:s17], [sflag:$0x5], $0x4000, $0x38;
	[tilespmem:$0x1EA00] =	vst v63  }
0x28: {  	_ =	swait.ge [sflag:s18], $0x4000  }
0x29: {  	[sflag:s18] =	ssyncset.done $0x0  }
0x2a: {  	s9 =	rddreg [dreg:$0x3];
	[sflag:s18] =	ssyncadd.s32 $0xFFFFC000  }
0x2b: {  	[spmem:s9] =	stream.linear.scatter [tilespmem:s17], [sflag:$0x5], $0x4000, $0x38;
	[tilespmem:$0x1EA00] =	vst v63  }
0x2c: {  	_ =	swait.ge [sflag:s18], $0x4000  }
0x2d: {  	[sflag:s18] =	ssyncset.done $0x0  }
0x2e: {  	s10 =	rddreg [dreg:$0x4];
	[sflag:s18] =	ssyncadd.s32 $0xFFFFC000  }
0x2f: {  	[spmem:s10] =	stream.linear.scatter [tilespmem:s17], [sflag:$0x5], $0x4000, $0x38;
	[tilespmem:$0x1EA00] =	vst v63  }
0x30: {  	_ =	swait.ge [sflag:s18], $0x4000  }
0x31: {  	[sflag:s18] =	ssyncset.done $0x0  }
0x32: {  	s11 =	rddreg [dreg:$0x5];
	[sflag:s18] =	ssyncadd.s32 $0xFFFFC000  }
0x33: {  	[spmem:s11] =	stream.linear.scatter [tilespmem:s17], [sflag:$0x5], $0x4000, $0x38;
	[tilespmem:$0x1EA00] =	vst v63  }
0x34: {  	_ =	swait.ge [sflag:s18], $0x4000  }
0x35: {  	[sflag:s18] =	ssyncset.done $0x0  }
0x36: {  	s12 =	rddreg [dreg:$0x6];
	[sflag:s18] =	ssyncadd.s32 $0xFFFFC000  }
0x37: {  	[spmem:s12] =	stream.linear.scatter [tilespmem:s17], [sflag:$0x5], $0x4000, $0x38;
	[tilespmem:$0x1EA00] =	vst v63  }
0x38: {  	_ =	swait.ge [sflag:s18], $0x4000  }
0x39: {  	[sflag:s18] =	ssyncset.done $0x0  }
0x3a: {  	[sflag:s18] =	ssyncadd.s32 $0xFFFFC000  }
0x3b: {  	[bflag:$0x0] =	sbarrier.arrive $0xFFFF  }
0x3c: {  	s13 =	simm.s32 $0x0;
	s1 =	rddreg [dreg:$0x7]  }
0x3d: {  	[tilespmem:s13], [sflag:$0x5] =	stream.linear.gather [hbm4b:s1+s13], $0x2700, $0x38;
	[tilespmem:$0x1EA00] =	vst v63  }
0x3e: {  	_ =	swait.ge [sflag:s18], $0x2700  }
0x3f: {  	[sflag:s18] =	ssyncset.done $0x0  }
0x40: {  	s9 =	simm.s32 $0x0;
	s8 =	rddreg [dreg:$0x8];
	[sflag:s18] =	ssyncadd.s32 $0xFFFFD900  }
0x41: {  	[tilespmem:s19], [sflag:$0x5] =	stream.linear.gather [hbm4b:s8+s13], $0x80, $0x38;
	[tilespmem:$0x1EA00] =	vst v63  }
0x42: {  	s8 =	sand.u32 $0x3C00, s9;
	_ =	swait.ge [sflag:s18], $0x80  }
0x43: {  	s1 =	sand.u32 $0x300, s9;
	s8 =	sadd.s32 s4, s8;
	[sflag:s18] =	ssyncset.done $0x0  }
0x44: {  	s10 =	sor.u32 s1, s8;
	[sflag:s18] =	ssyncadd.s32 $0xFFFFFF80  }
0x45: {  	[tilespmem:s17], [sflag:$0x1] =	stream.indirect.gather [hbm4b:s5+s20], $0x80, s13, s20, $0xb8;
	[tilespmem:$0x1EA00] =	vst v63  }
0x46: {  	s11 =	simm.s32 $0x80;
	s12 =	simm.s32 $0x80;
	s0 =	sshrl.u32 s10, $0x3  }
0x47: {  	[tilespmem:s21], [sflag:$0x2] =	stream.indirect.gather [hbm4b:s5+s20], $0x80, s11, s20, $0xb8;
	[tilespmem:$0x1EA00] =	vst v63  }
0x48: {  	s1 =	sand.u32 $0x380, s12;
	s0 =	sadd.s32 s6, s0  }
0x49: {  	[tilespmem:s22], [sflag:$0x5] =	stream.linear.gather [hbm4b:s0+s3], $0x80, $0x38;
	[tilespmem:$0x1EA00] =	vst v63  }
0x4a: {  	s13 =	sor.u32 s8, s1;
	_ =	swait.ge [sflag:s18], $0x80  }
0x4b: {  	s0 =	sshrl.u32 s13, $0x3;
	[sflag:s18] =	ssyncset.done $0x0  }
0x4c: {  	s0 =	sadd.s32 s6, s0;
	[sflag:s18] =	ssyncadd.s32 $0xFFFFFF80  }
0x4d: {  	[tilespmem:s23], [sflag:$0x5] =	stream.linear.gather [hbm4b:s0+s3], $0x80, $0x38;
	[tilespmem:$0x1EA00] =	vst v63  }
0x4e: {  	_ =	swait.ge [sflag:s18], $0x80  }
0x4f: {  	[sflag:s18] =	ssyncset.done $0x0  }
0x50: {  	[sflag:s18] =	ssyncadd.s32 $0xFFFFFF80  }
0x51: {  	_ =	swait.ge [sflag:s24], $0x4000  }
0x52: {  	[sflag:s24] =	ssyncset.done $0x0  }
0x53: {  	[sflag:s24] =	ssyncadd.s32 $0xFFFFC000  }
0x54: {  	_ =	swait.ge [sflag:s25], $0x4000  }
0x55: {  	[sflag:s25] =	ssyncset.done $0x0  }
0x56: {  	[sflag:s25] =	ssyncadd.s32 $0xFFFFC000  }
0x57: {  	[spmem:s2] =	stream.indirect.scatter.add.f32 [tilespmem:s17], [sflag:$0x3], $0x80, s22, s20, $0xb8;
	[tilespmem:$0x1EA00] =	vst v63  }
0x58: {  	_ = 	snop  }
0x59: {  	[spmem:s2] =	stream.indirect.scatter.add.f32 [tilespmem:s21], [sflag:$0x4], $0x80, s23, s20, $0xb8;
	[tilespmem:$0x1EA00] =	vst v63  }
0x5a: {  	s8 =	simm.s32 $0x280;
	_ =	swait.ge [sflag:s26], $0x4000  }
0x5b: {  	s1 =	simm.s32 $0x100;
	s0 =	simm.s32 $0x180;
	[sflag:s26] =	ssyncset.done $0x0  }
.LBB2_4:
0x5c: {  	s10 =	sadd.s32 $0xFFFFFF80, s0  }
0x5d: {  	[sflag:s26] =	ssyncadd.s32 $0xFFFFC000;
	s11 =	smov.u32 s8;
	s9 =	sadd.s32 $0x100, s8  }
0x5e: {  	s0 =	sand.u32 $0x380, s0;
	s12 =	sand.u32 $0x3C00, s10;
	_ =	swait.ge [sflag:s28], $0x4000  }
0x5f: {  	s10 =	sand.u32 $0x300, s10;
	s12 =	sadd.s32 s4, s12;
	[sflag:s28] =	ssyncset.done $0x0  }
0x60: {  	s10 =	sor.u32 s10, s12;
	s0 =	sor.u32 s12, s0;
	[sflag:s28] =	ssyncadd.s32 $0xFFFFC000  }
0x61: {  	s12 =	sadd.s32 $0x80, s1;
	s10 =	sshrl.u32 s10, $0x3;
	s13 =	sshrl.u32 s0, $0x3  }
0x62: {  	[tilespmem:s17], [sflag:$0x1] =	stream.indirect.gather [hbm4b:s5+s20], $0x80, s1, s20, $0xb8;
	[tilespmem:$0x1EA00] =	vst v63  }
0x63: {  	p0 =	sne.s32 s8, $0x2680;
	s0 =	smov.u32 s11;
	s8 =	sadd.s32 s6, s10  }
0x64: {  	[tilespmem:s21], [sflag:$0x2] =	stream.indirect.gather [hbm4b:s5+s20], $0x80, s12, s20, $0xb8;
	[tilespmem:$0x1EA00] =	vst v63  }
0x65: {  	_ = 	snop  }
0x66: {  	[tilespmem:s22], [sflag:$0x5] =	stream.linear.gather [hbm4b:s8+s3], $0x80, $0x38;
	[tilespmem:$0x1EA00] =	vst v63  }
0x67: {  	_ =	swait.ge [sflag:s18], $0x80  }
0x68: {  	s8 =	sadd.s32 s6, s13;
	[sflag:s18] =	ssyncset.done $0x0  }
0x69: {  	[sflag:s18] =	ssyncadd.s32 $0xFFFFFF80  }
0x6a: {  	[tilespmem:s23], [sflag:$0x5] =	stream.linear.gather [hbm4b:s8+s3], $0x80, $0x38;
	[tilespmem:$0x1EA00] =	vst v63  }
0x6b: {  	_ =	swait.ge [sflag:s18], $0x80  }
0x6c: {  	[sflag:s18] =	ssyncset.done $0x0  }
0x6d: {  	[sflag:s18] =	ssyncadd.s32 $0xFFFFFF80  }
0x6e: {  	_ =	swait.ge [sflag:s24], $0x4000  }
0x6f: {  	[sflag:s24] =	ssyncset.done $0x0  }
0x70: {  	[sflag:s24] =	ssyncadd.s32 $0xFFFFC000  }
0x71: {  	_ =	swait.ge [sflag:s25], $0x4000  }
0x72: {  	[sflag:s25] =	ssyncset.done $0x0  }
0x73: {  	[sflag:s25] =	ssyncadd.s32 $0xFFFFC000  }
0x74: {  	[spmem:s2] =	stream.indirect.scatter.add.f32 [tilespmem:s17], [sflag:$0x3], $0x80, s22, s20, $0xb8;
	[tilespmem:$0x1EA00] =	vst v63  }
.Ltmp1:
0x75: {  	_ = 	snop;
	(pc) =	sbr.rel @p0 .LBB2_4-.Ltmp1, $4  }
0x76: {  	_ = 	snop  }
0x77: {  	[spmem:s2] =	stream.indirect.scatter.add.f32 [tilespmem:s21], [sflag:$0x4], $0x80, s23, s20, $0xb8;
	[tilespmem:$0x1EA00] =	vst v63  }
0x78: {  	_ =	swait.ge [sflag:s26], $0x4000  }
0x79: {  	s1 =	sadd.s32 $0x100, s1;
	s8 =	smov.u32 s9;
	[sflag:s26] =	ssyncset.done $0x0  }
0x7a: {  	[sflag:s26] =	ssyncadd.s32 $0xFFFFC000  }
0x7b: {  	_ =	swait.ge [sflag:s28], $0x4000  }
0x7c: {  	s8 =	sadd.s32 $0xFFFFFF80, s0;
	[sflag:s28] =	ssyncset.done $0x0  }
0x7d: {  	s10 =	sand.u32 $0x3C00, s8;
	[sflag:s28] =	ssyncadd.s32 $0xFFFFC000  }
0x7e: {  	[tilespmem:s17], [sflag:$0x1] =	stream.indirect.gather [hbm4b:s5+s20], $0x80, s1, s20, $0xb8;
	[tilespmem:$0x1EA00] =	vst v63  }
0x7f: {  	s9 =	sadd.s32 $0x80, s1;
	s8 =	sand.u32 $0x300, s8;
	s1 =	sadd.s32 s4, s10  }
0x80: {  	s8 =	sor.u32 s8, s1  }
0x81: {  	[tilespmem:s21], [sflag:$0x2] =	stream.indirect.gather [hbm4b:s5+s20], $0x80, s9, s20, $0xb8;
	[tilespmem:$0x1EA00] =	vst v63  }
0x82: {  	s8 =	sshrl.u32 s8, $0x3  }
0x83: {  	s11 =	sand.u32 $0x380, s0;
	s8 =	sadd.s32 s6, s8  }
0x84: {  	[tilespmem:s22], [sflag:$0x5] =	stream.linear.gather [hbm4b:s8+s3], $0x80, $0x38;
	[tilespmem:$0x1EA00] =	vst v63  }
0x85: {  	s0 =	sor.u32 s1, s11;
	_ =	swait.ge [sflag:s18], $0x80  }
0x86: {  	s0 =	sshrl.u32 s0, $0x3;
	[sflag:s18] =	ssyncset.done $0x0  }
0x87: {  	s0 =	sadd.s32 s6, s0;
	[sflag:s18] =	ssyncadd.s32 $0xFFFFFF80  }
0x88: {  	[tilespmem:s23], [sflag:$0x5] =	stream.linear.gather [hbm4b:s0+s3], $0x80, $0x38;
	[tilespmem:$0x1EA00] =	vst v63  }
0x89: {  	_ =	swait.ge [sflag:s18], $0x80  }
0x8a: {  	[sflag:s18] =	ssyncset.done $0x0  }
0x8b: {  	[sflag:s18] =	ssyncadd.s32 $0xFFFFFF80  }
0x8c: {  	_ =	swait.ge [sflag:s24], $0x4000  }
0x8d: {  	[sflag:s24] =	ssyncset.done $0x0  }
0x8e: {  	[sflag:s24] =	ssyncadd.s32 $0xFFFFC000  }
0x8f: {  	_ =	swait.ge [sflag:s25], $0x4000  }
0x90: {  	[sflag:s25] =	ssyncset.done $0x0  }
0x91: {  	[sflag:s25] =	ssyncadd.s32 $0xFFFFC000  }
0x92: {  	[spmem:s2] =	stream.indirect.scatter.add.f32 [tilespmem:s17], [sflag:$0x3], $0x80, s22, s20, $0xb8;
	[tilespmem:$0x1EA00] =	vst v63  }
0x93: {  	_ = 	snop  }
0x94: {  	[spmem:s2] =	stream.indirect.scatter.add.f32 [tilespmem:s21], [sflag:$0x4], $0x80, s23, s20, $0xb8;
	[tilespmem:$0x1EA00] =	vst v63  }
0x95: {  	_ =	swait.ge [sflag:s26], $0x4000  }
0x96: {  	[sflag:s26] =	ssyncset.done $0x0  }
0x97: {  	[sflag:s26] =	ssyncadd.s32 $0xFFFFC000  }
0x98: {  	_ =	swait.ge [sflag:s28], $0x4000  }
0x99: {  	[sflag:s28] =	ssyncset.done $0x0  }
0x9a: {  	[sflag:s28] =	ssyncadd.s32 $0xFFFFC000  }
0x9b: {  	[tilespmem:s29], [sflag:$0x5] =	stream.linear.gather [hbm4b:s14+s3], $0x80, $0x38;
	[tilespmem:$0x1EA00] =	vst v63  }
0x9c: {  	_ =	swait.ge [sflag:s18], $0x80  }
0x9d: {  	[sflag:s18] =	ssyncset.done $0x0  }
0x9e: {  	[sflag:s18] =	ssyncadd.s32 $0xFFFFFF80  }
0x9f: {  	[tilespmem:s17], [sflag:$0x1] =	stream.indirect.gather [hbm4b:s5+s30], $0x80, s19, s30, $0xb8;
	[tilespmem:$0x1EA00] =	vst v63  }
0xa0: {  	_ =	swait.ge [sflag:s24], $0x800  }
0xa1: {  	[sflag:s24] =	ssyncset.done $0x0  }
0xa2: {  	[sflag:s24] =	ssyncadd.s32 $0xFFFFF800  }
0xa3: {  	[spmem:s2] =	stream.indirect.scatter.add.f32 [tilespmem:s17], [sflag:$0x5], $0x80, s29, s30, $0xb8;
	[tilespmem:$0x1EA00] =	vst v63  }
0xa4: {  	s12 =	stileid.u32;
	_ =	swait.ge [sflag:s18], $0x800  }
0xa5: {  	s13 =	sshrl.u32 s7, $0x3;
	s31 =	sadd.s32 $0x1, s31;
	[sflag:s18] =	ssyncset.done $0x0  }
0xa6: {  	p0 =	sne.s32 s31, s16;
	s0 =	sshll.u32 s12, $0x6;
	[sflag:s18] =	ssyncadd.s32 $0xFFFFF800  }
.Ltmp2:
0xa7: {  	s0 =	sor.u32 $0x1C05, s0;
	[bflag:$0x0] =	sbarrier.arrive $0xFFFF;
	(pc) =	sbr.rel @p0 .LBB2_1-.Ltmp2, $4  }
0xa8: {  	[hbm:s15], [sflag:s0] =	dma.local [spmem:s13], $0x2800  }
0xa9: {  	_ =	swait.ge [sflag:s18], $0x2800  }
0xaa: {  	[sflag:s18] =	ssyncset.done $0x0  }
0xab: {  	[sflag:s18] =	ssyncadd.s32 $0xFFFFD800  }
0xac: {  	_ =	sfence.sel $0x180000  }
0xad: {  	[bflag:$0x0] =	sbarrier.arrive $0xFFFF  }
0xae: {  	_ =	strace $0x9000004D  }
0xaf: {  	s0 =	stileid.u32;
	[bflag:$0x2] =	sbarrier.arrive $0xFFFF  }
0xb0: {  	p0 =	sne.s32 s0, $0x0;
	s0 =	rddreg [dreg:$0x2]  }
0xb1: {  	s0 =	sadd.s32 @!p0 $0x100000, s0  }
0xb2: {  	[sflag:s0] =	ssyncadd.tile.s32 @!p0 $0x1;
	_ =	shalt  }
.Lfunc_end2:
_tile_overlayer_lowered:
.L_overlay_start_2:
0xb3: {  	(tag) =	ssettag $0x2  }
0xb4: {  	s0 =	rddreg [dreg:$0x0];
	s2 =	stileid.u32  }
0xb5: {  	s1 =	rddreg [dreg:$0x1];
	p0 =	sne.s32 s2, $0x0  }
0xb6: {  	s3 =	rddreg [dreg:$0x2];
	[bflag:$0x3] =	sbarrier.arrive $0xFFFF;
	s2 =	simm.s32 @!p0 $0x1C05  }
0xb7: {  	[timem:s3], [sflag:s2] =	dma.local @!p0 [hbm:s0], s1  }
0xb8: {  	s0 =	simm.s32 @!p0 $0x5  }
0xb9: {  	_ =	swait.ge @!p0 [sflag:s0], s1  }
0xba: {  	s1 =	ssub.s32 @!p0 $0x0, s1;
	[sflag:s0] =	ssyncset.done @!p0 $0x0  }
0xbb: {  	[sflag:s0] =	ssyncadd.s32 @!p0 s1  }
0xbc: {  	[bflag:$0x3] =	sbarrier.arrive $0xFFFF  }
0xbd: {  	_ =	shalt  }

// kernel: kernel.19.cloned.1.call-start
scs
__scs_entry_jumppad:
0x0: {  	(pc) =	sbr.rel $0x88, $3  }
0x1: {  	(tag) =	ssettag $0x0;
	lr =	simm.s32 $0x1  }
0x2: {  	[smem:$0x3F94] =	sst lr;
	_ =	strace $0xD0000000  }
0x3: {  	_ = 	snop  }
0x4: {  	_ = 	snop  }
0x5: {  	_ = 	snop  }
0x6: {  	_ = 	snop  }
0x7: {  	_ = 	snop  }
__scs_overlays_trampoline_lowered:
0x8: {  	[smem:$0x3FA3] =	sst s0  }
0x9: {  	[smem:$0x3FA4] =	sst s1  }
0xa: {  	[smem:$0x3FA5] =	sst s2  }
0xb: {  	[smem:$0x3FA6] =	sst s3  }
0xc: {  	[smem:$0x3FA7] =	sst s4  }
0xd: {  	[smem:$0x3FA8] =	sst s5  }
0xe: {  	[smem:$0x3FA9] =	sst s6  }
0xf: {  	[smem:$0x3FAA] =	sst s7  }
0x10: {  	[smem:$0x3FAB] =	sst s8  }
0x11: {  	[smem:$0x3FAC] =	sst s9;
	s0 =	simm.s32 @!p0 $0x0  }
0x12: {  	s1 =	sld [smem:$0x3F92];
	s0 =	simm.s32 @p0 $0x1  }
0x13: {  	[smem:$0x3FAD] =	sst s0;
	s0 =	simm.s32 @!p1 $0x0  }
0x14: {  	s2 =	sld [smem:$0x3F91];
	s0 =	simm.s32 @p1 $0x1  }
0x15: {  	[smem:$0x3FAE] =	sst s0;
	s0 =	simm.s32 @!p2 $0x0  }
0x16: {  	s3 =	sld [smem:$0x3FDB];
	s0 =	simm.s32 @p2 $0x1  }
0x17: {  	s4 =	simm.s32 $0x1BF5;
	[smem:$0x3FB0] =	sst s0  }
0x18: {  	s0 =	sld [smem:$0x3F93];
	_ =	swait.ge [sflag:s4], $0x0  }
0x19: {  	s7 =	sld [smem:$0x3F94]  }
0x1a: {  	s8 =	sadd.s32 $0xFFFFE003, lr  }
0x1b: {  	s9 =	sadd.s32 $0xFFFFFEF7, lr;
	s5 =	simm.s32 $0xFFFFFFFF;
	p2 =	slt.u32 s8, $0xFFFFF086  }
0x1c: {  	p1 =	slt.u32 s9, $0xF7A;
	s5 =	simm.s32 @!p2 $0x0  }
0x1d: {  	s5 =	simm.s32 @p1 $0x1;
	p0 =	seq.s32 s7, s2  }
0x1e: {  	s7 =	smul.u32 @!p0 $0xF7A, s2;
	p2 =	seq.s32 @!p0 s5, $0x0  }
0x1f: {  	s9 =	smul.u32 $0xF7A, s1;
	s8 =	simm.s32 @!p0 $0x1BF5;
	p2 =	por !p2, p0  }
0x20: {  	[sflag:s8] =	ssyncset.s32 @!p0 $0xFFFFF086;
	s6 =	sadd.s32 @!p0 s3, s7;
	s7 =	simm.s32 @!p0 $0x108  }
0x21: {  	s3 =	sadd.s32 s3, s9;
	s6 =	sadd.s32 @!p0 $0x88, s6;
	s7 =	simm.s32 @p2 $0x1082  }
0x22: {  	[simem:s7], [sflag:s8] =	dma.local @!p0 [hbm:s6], $0xF7A  }
0x23: {  	s9 =	sor.u32 $0xD0000000, s2;
	s6 =	simm.s32 $0x108;
	_ =	swait.ge @!p0 [sflag:s8], $0x0  }
0x24: {  	s3 =	sadd.s32 $0x88, s3;
	s6 =	simm.s32 @!p1 $0x1082;
	[sflag:s4] =	ssyncset.s32 $0xFFFFF086  }
0x25: {  	[simem:s6], [sflag:s4] =	dma.local [hbm:s3], $0xF7A  }
0x26: {  	[smem:$0x3F94] =	sst s1;
	(tag) =	ssettag s2;
	_ =	strace s9  }
0x27: {  	s1 =	sld [smem:$0x3FA4]  }
0x28: {  	s2 =	sld [smem:$0x3FA5]  }
0x29: {  	s4 =	sld [smem:$0x3FA7]  }
0x2a: {  	p0 =	seq.s32 s5, $0x0;
	s5 =	sld [smem:$0x3FA8]  }
0x2b: {  	s6 =	sld [smem:$0x3FA9]  }
0x2c: {  	s7 =	sld [smem:$0x3FAA]  }
0x2d: {  	s3 =	simm.s32 $0x108;
	s8 =	sld [smem:$0x3FAB]  }
0x2e: {  	s3 =	simm.s32 @!p0 $0x1082;
	s9 =	sld [smem:$0x3FAC]  }
0x2f: {  	lr =	sadd.s32 s0, s3;
	s0 =	sld [smem:$0x3FA3]  }
0x30: {  	s3 =	sld [smem:$0x3FA6]  }
0x31: {  	[smem:$0x3FAF] =	sst s10  }
0x32: {  	s10 =	sld [smem:$0x3FAD];
	_ =	sdelay $0x3  }
0x33: {  	p0 =	seq.s32 s10, $0x1;
	s10 =	sld [smem:$0x3FAF];
	_ =	sdelay $0x3  }
0x34: {  	[smem:$0x3FAF] =	sst s10  }
0x35: {  	s10 =	sld [smem:$0x3FAE];
	_ =	sdelay $0x3  }
0x36: {  	p1 =	seq.s32 s10, $0x1;
	s10 =	sld [smem:$0x3FAF];
	_ =	sdelay $0x3  }
0x37: {  	[smem:$0x3FAF] =	sst s10  }
0x38: {  	s10 =	sld [smem:$0x3FB0]  }
0x39: {  	_ = 	snop;
	(pc) =	sbr.ind lr, $3  }
0x3a: {  	_ = 	snop  }
0x3b: {  	_ = 	snop  }
0x3c: {  	p2 =	seq.s32 s10, $0x1;
	s10 =	sld [smem:$0x3FAF]  }
0x3d: {  	_ =	shalt  }
0x3e: {  	_ =	shalt  }
0x3f: {  	_ =	shalt  }
0x40: {  	_ =	shalt  }
0x41: {  	_ =	shalt  }
0x42: {  	_ =	shalt  }
0x43: {  	_ =	shalt  }
0x44: {  	_ =	shalt  }
0x45: {  	_ =	shalt  }
0x46: {  	_ =	shalt  }
0x47: {  	_ =	shalt  }
0x48: {  	_ =	shalt  }
0x49: {  	_ =	shalt  }
0x4a: {  	_ =	shalt  }
0x4b: {  	_ =	shalt  }
0x4c: {  	_ =	shalt  }
0x4d: {  	_ =	shalt  }
0x4e: {  	_ =	shalt  }
0x4f: {  	_ =	shalt  }
0x50: {  	_ =	shalt  }
0x51: {  	_ =	shalt  }
0x52: {  	_ =	shalt  }
0x53: {  	_ =	shalt  }
0x54: {  	_ =	shalt  }
0x55: {  	_ =	shalt  }
0x56: {  	_ =	shalt  }
0x57: {  	_ =	shalt  }
0x58: {  	_ =	shalt  }
0x59: {  	_ =	shalt  }
0x5a: {  	_ =	shalt  }
0x5b: {  	_ =	shalt  }
0x5c: {  	_ =	shalt  }
0x5d: {  	_ =	shalt  }
0x5e: {  	_ =	shalt  }
0x5f: {  	_ =	shalt  }
0x60: {  	_ =	shalt  }
0x61: {  	_ =	shalt  }
0x62: {  	_ =	shalt  }
0x63: {  	_ =	shalt  }
0x64: {  	_ =	shalt  }
0x65: {  	_ =	shalt  }
0x66: {  	_ =	shalt  }
0x67: {  	_ =	shalt  }
0x68: {  	_ =	shalt  }
0x69: {  	_ =	shalt  }
0x6a: {  	_ =	shalt  }
0x6b: {  	_ =	shalt  }
0x6c: {  	_ =	shalt  }
0x6d: {  	_ =	shalt  }
0x6e: {  	_ =	shalt  }
0x6f: {  	_ =	shalt  }
0x70: {  	_ =	shalt  }
0x71: {  	_ =	shalt  }
0x72: {  	_ =	shalt  }
0x73: {  	_ =	shalt  }
0x74: {  	_ =	shalt  }
0x75: {  	_ =	shalt  }
0x76: {  	_ =	shalt  }
0x77: {  	_ =	shalt  }
0x78: {  	_ =	shalt  }
0x79: {  	_ =	shalt  }
0x7a: {  	_ =	shalt  }
0x7b: {  	_ =	shalt  }
0x7c: {  	_ =	shalt  }
0x7d: {  	_ =	shalt  }
0x7e: {  	_ =	shalt  }
0x7f: {  	_ =	shalt  }
0x80: {  	_ =	shalt  }
0x81: {  	_ =	shalt  }
0x82: {  	_ =	shalt  }
0x83: {  	_ =	shalt  }
0x84: {  	_ =	shalt  }
0x85: {  	_ =	shalt  }
0x86: {  	_ =	shalt  }
0x87: {  	_ =	shalt  }
.Lfunc_end0:
.L_simem_size_0:
called_computation.3_lowered:
.L_overlay_start_0:
0x88: {  	s2 =	sld [smem:$0x3FD9]  }
0x89: {  	s3 =	sld [smem:$0x3FFE];
	_ =	sdelay $0x1  }
0x8a: {  	s1 =	srdreg.scid  }
0x8b: {  	s0 =	sand.u32 $0x1, s1  }
0x8c: {  	s16 =	sshll.u32 s0, $0xA;
	s2 =	sadd.s32 s3, s2  }
0x8d: {  	s2 =	sadd.s32 s2, s16  }
0x8e: {  	[smem:$0x3FBB] =	sst s2  }
0x8f: {  	_ = 	snop  }
0x90: {  	(tm) =	ssettm $0x1  }
0x91: {  	s17 =	sld [smem:$0x3FFB];
	_ =	sdelay $0x3  }
0x92: {  	_ =	strace s17  }
0x93: {  	s2 =	sld [smem:$0x3FFC];
	_ =	sdelay $0x3  }
0x94: {  	_ =	strace s2  }
0x95: {  	s2 =	sld [smem:$0x3FFD];
	_ =	sdelay $0x3  }
0x96: {  	_ =	strace s2  }
0x97: {  	_ =	strace $0x8FFFFFFF  }
0x98: {  	s18 =	sld [smem:$0x3FDB];
	_ =	sdelay $0x1  }
0x99: {  	s19 =	simm.s32 $_scs_section_size  }
0x9a: {  	s4 =	simm.s32 $_size__tile_overlayer_lowered;
	s5 =	simm.s32 $_tile_overlayer_lowered  }
0x9b: {  	s22 =	simm.s32 $0x1BFF;
	s21 =	sshll.u32 s5, $0x1;
	s2 =	sadd.s32 s19, s18  }
0x9c: {  	s6 =	simm.s32 $0x0;
	s20 =	sshll.u32 s4, $0x1;
	s4 =	sadd.s32 s21, s2  }
0x9d: {  	[timem:s6], [sflag:s22] =	dma.local [hbm:s4], s20  }
0x9e: {  	_ =	swait.ge [sflag:s22], s20  }
0x9f: {  	s3 =	ssub.s32 $0x0, s20;
	[sflag:s22] =	ssyncset.done $0x0  }
0xa0: {  	[sflag:s22] =	ssyncadd.s32 s3;
	_ =	sdelay $0x1  }
0xa1: {  	s23 =	simm.s32 $0x1B8B  }
0xa2: {  	_ =	swait.ge [sflag:s23], $0x1  }
0xa3: {  	[sflag:s23] =	ssyncset.done $0x0  }
0xa4: {  	s25 =	simm.s32 $0x1B8E;
	s24 =	sld [smem:$0x3FFE];
	[sflag:s23] =	ssyncadd.s32 $0xFFFFFFFF  }
0xa5: {  	s26 =	simm.s32 $execute0_lowered;
	[smem:$0x3FD2] =	sst s25  }
0xa6: {  	s4 =	sshll.u32 s26, $0x1;
	_ =	strace $0x8000004F;
	[dreg:$0x1] =	wrdreg $0xFFFFFFFF  }
0xa7: {  	s28 =	simm.s32 $_size_execute0_lowered;
	s2 =	sadd.s32 s2, s4;
	[dreg:$0x0] =	wrdreg $0x0  }
0xa8: {  	s4 =	sshll.u32 s28, $0x1;
	[dreg:$0x2] =	wrdreg s2  }
0xa9: {  	[dreg:$0x3] =	wrdreg s4  }
0xaa: {  	[dreg:$0x4] =	wrdreg $0xC0  }
0xab: {  	_ =	task [dreg:s6], $0x5FFFF  }
0xac: {  	[dreg:$0x1] =	wrdreg $0xFFFFFFFF  }
0xad: {  	[dreg:$0x0] =	wrdreg $0x60  }
0xae: {  	[dreg:$0x2] =	wrdreg s24  }
0xaf: {  	[dreg:$0x3] =	wrdreg $0xAA000  }
0xb0: {  	[dreg:$0x4] =	wrdreg $0x9  }
0xb1: {  	_ =	task.clear_ibuf [dreg:s6], $0x5FFFF;
	_ =	strace $0x9000004F  }
0xb2: {  	s29 =	simm.s32 $0x9;
	_ =	strace $0x80000051  }
0xb3: {  	_ =	swait.ge [sflag:s29], $0x1  }
0xb4: {  	[sflag:s29] =	ssyncadd.s32 $0xFFFFFFFF  }
0xb5: {  	_ =	strace $0x90000051  }
0xb6: {  	_ =	sfence  }
0xb7: {  	s30 =	sld [smem:$0x0];
	_ =	sdelay $0x2  }
0xb8: {  	s31 =	sshll.u32 s1, $0xD;
	s1 =	sshrl.u32 s1, $0x2  }
0xb9: {  	s3 =	sand.u32 $0x4000, s31;
	s1 =	sadd.s32 s1, s30  }
0xba: {  	s0 =	sor.u32 s3, s0;
	s1 =	sshll.u32 s1, $0x11  }
0xbb: {  	s0 =	sor.u32 s1, s0  }
0xbc: {  	s0 =	sadd.s32 $0x8F2B, s0  }
0xbd: {  	[sflag:s0] =	ssyncadd.remote.s32 $0x1  }
0xbe: {  	_ =	sfence.sel $0xFFFF  }
0xbf: {  	[dreg:$0x0] =	wrdreg $0xFFFFFFFF;
	(pc) =	sbr.abs _section_cstart, $3  }
0xc0: {  	[dreg:$0x1] =	wrdreg $0xFFFFFFFF  }
0xc1: {  	_ =	task.clear_ibuf [dreg:s6], $0x2FFFF;
	_ =	strace $0x9FFFFFFF  }
0xc2: {  	(tm) =	ssettm $0x7FFFFFFF  }
0xc3: {  	_ =	shalt  }
tec
execute0_lowered:
.L_overlay_start_1:
0x0: {  	(tag) =	ssettag $0x1  }
0x1: {  	s0 =	srdreg.scid;
	s1 =	rddreg [dreg:$0x0]  }
0x2: {  	s11 =	stileid.u32;
	s2 =	rddreg [dreg:$0x1]  }
0x3: {  	s17 =	simm.s32 $0x2A00;
	s28 =	simm.s32 $0x4;
	s29 =	simm.s32 $0x2980  }
0x4: {  	s30 =	simm.s32 $0x10;
	s31 =	simm.s32 $0x0;
	s10 =	smul.u32 $0x14000, s11  }
0x5: {  	s0 =	sand.u32 $0x1, s0;
	s5 =	sadd.s32 $0x29E00, s1;
	s19 =	smul.u32 $0x50000, s11  }
0x6: {  	s8 =	sshll.u32 s11, $0x4;
	s3 =	sshll.u32 s0, $0x4;
	s9 =	smul.u32 $0x140000, s0  }
0x7: {  	s8 =	sand.u32 $0x70, s8;
	s0 =	ssub.s32 $0x2, s0;
	s6 =	sor.u32 s11, s3  }
0x8: {  	s3 =	simm.s32 $0x0;
	s21 =	sshrl.u32 s0, $0x1;
	s4 =	smul.u32 $0x2800, s6  }
0x9: {  	[smem:$0x7FF] =	sst s3;
	s6 =	sshll.u32 s6, $0x4;
	s20 =	sadd.s32 s10, s9  }
0xa: {  	s0 =	ssub.s32 s0, s21;
	s21 =	simm.s32 $0x6A00;
	_ =	strace $0x80000050  }
0xb: {  	s6 =	sand.u32 $0x180, s6;
	s16 =	smax.u32 s0, $0x1;
	s7 =	sshrl.u32 s4, $0x3  }
0xc: {  	s18 =	sor.u32 s8, s6;
	s6 =	sadd.s32 $0x62600, s1;
	s8 =	sshrl.u32 s19, $0x2  }
0xd: {  	s19 =	simm.s32 $0x2800;
	s12 =	sadd.s32 s7, s1;
	s7 =	sshrl.u32 s20, $0x3  }
0xe: {  	s14 =	sadd.s32 s18, s1;
	s1 =	sadd.s32 s7, s1;
	s25 =	sadd.s32 $0x6C600, s12  }
0xf: {  	s7 =	sadd.s32 s8, s2;
	s26 =	sadd.s32 $0x62400, s14;
	[dreg:$0x7] =	wrdreg s25  }
0x10: {  	s18 =	simm.s32 $0x5;
	s8 =	sadd.s32 $0x4000, s7;
	[dreg:$0x8] =	wrdreg s26  }
0x11: {  	s20 =	simm.s32 $0x80;
	s22 =	sadd.s32 $0x8000, s7;
	[dreg:$0x3] =	wrdreg s8  }
0x12: {  	s14 =	sadd.s32 $0x62200, s14;
	s23 =	sadd.s32 $0xC000, s7;
	[dreg:$0x4] =	wrdreg s22  }
0x13: {  	s24 =	sadd.s32 $0x10000, s7;
	s15 =	sadd.s32 $0x76600, s1;
	[dreg:$0x5] =	wrdreg s23  }
0x14: {  	s25 =	simm.s32 $0x2;
	s26 =	simm.s32 $0x3;
	[dreg:$0x6] =	wrdreg s24  }
0x15: {  	v0 =	vimm.f32 $0.0e+00;
	s22 =	simm.s32 $0x2880;
	s23 =	simm.s32 $0x2900;
	s24 =	simm.s32 $0x1  }
.LBB2_1:
0x16: {  	s0 =	simm.s32 $0x0;
	s1 =	simm.s32 $0x200  }
.LBB2_2:
0x17: {  	p0 =	sne.s32 s1, $0xFE00;
	[tilespmem:s0+$0x2A70] =	vst v0  }
0x18: {  	[tilespmem:s0+$0x2A00] =	vst v0  }
0x19: {  	[tilespmem:s0+$0x2A10] =	vst v0  }
.Ltmp0:
0x1a: {  	[tilespmem:s0+$0x2A20] =	vst v0;
	(pc) =	sbr.rel @p0 .LBB2_2-.Ltmp0, $4  }
0x1b: {  	[tilespmem:s0+$0x2A30] =	vst v0  }
0x1c: {  	[tilespmem:s0+$0x2A40] =	vst v0  }
0x1d: {  	[tilespmem:s0+$0x2A50] =	vst v0  }
0x1e: {  	[tilespmem:s0+$0x2A60] =	vst v0;
	s0 =	sshra.s32 s1, $0x2;
	s1 =	sadd.s32 $0x200, s1  }
0x1f: {  	[tilespmem:s0+$0x2A70] =	vst v0  }
0x20: {  	[tilespmem:s0+$0x2A00] =	vst v0  }
0x21: {  	[tilespmem:s0+$0x2A10] =	vst v0  }
0x22: {  	[tilespmem:s0+$0x2A20] =	vst v0  }
0x23: {  	[tilespmem:s0+$0x2A30] =	vst v0  }
0x24: {  	[tilespmem:s0+$0x2A40] =	vst v0  }
0x25: {  	[tilespmem:s0+$0x2A50] =	vst v0  }
0x26: {  	[tilespmem:s0+$0x2A60] =	vst v0  }
0x27: {  	[spmem:s7] =	stream.linear.scatter [tilespmem:s17], [sflag:$0x5], $0x4000, $0x38;
	[tilespmem:$0x1EA00] =	vst v63  }
0x28: {  	_ =	swait.ge [sflag:s18], $0x4000  }
0x29: {  	[sflag:s18] =	ssyncset.done $0x0  }
0x2a: {  	s9 =	rddreg [dreg:$0x3];
	[sflag:s18] =	ssyncadd.s32 $0xFFFFC000  }
0x2b: {  	[spmem:s9] =	stream.linear.scatter [tilespmem:s17], [sflag:$0x5], $0x4000, $0x38;
	[tilespmem:$0x1EA00] =	vst v63  }
0x2c: {  	_ =	swait.ge [sflag:s18], $0x4000  }
0x2d: {  	[sflag:s18] =	ssyncset.done $0x0  }
0x2e: {  	s10 =	rddreg [dreg:$0x4];
	[sflag:s18] =	ssyncadd.s32 $0xFFFFC000  }
0x2f: {  	[spmem:s10] =	stream.linear.scatter [tilespmem:s17], [sflag:$0x5], $0x4000, $0x38;
	[tilespmem:$0x1EA00] =	vst v63  }
0x30: {  	_ =	swait.ge [sflag:s18], $0x4000  }
0x31: {  	[sflag:s18] =	ssyncset.done $0x0  }
0x32: {  	s11 =	rddreg [dreg:$0x5];
	[sflag:s18] =	ssyncadd.s32 $0xFFFFC000  }
0x33: {  	[spmem:s11] =	stream.linear.scatter [tilespmem:s17], [sflag:$0x5], $0x4000, $0x38;
	[tilespmem:$0x1EA00] =	vst v63  }
0x34: {  	_ =	swait.ge [sflag:s18], $0x4000  }
0x35: {  	[sflag:s18] =	ssyncset.done $0x0  }
0x36: {  	s12 =	rddreg [dreg:$0x6];
	[sflag:s18] =	ssyncadd.s32 $0xFFFFC000  }
0x37: {  	[spmem:s12] =	stream.linear.scatter [tilespmem:s17], [sflag:$0x5], $0x4000, $0x38;
	[tilespmem:$0x1EA00] =	vst v63  }
0x38: {  	_ =	swait.ge [sflag:s18], $0x4000  }
0x39: {  	[sflag:s18] =	ssyncset.done $0x0  }
0x3a: {  	[sflag:s18] =	ssyncadd.s32 $0xFFFFC000  }
0x3b: {  	[bflag:$0x0] =	sbarrier.arrive $0xFFFF  }
0x3c: {  	s13 =	simm.s32 $0x0;
	s1 =	rddreg [dreg:$0x7]  }
0x3d: {  	[tilespmem:s13], [sflag:$0x5] =	stream.linear.gather [hbm4b:s1+s13], $0x2700, $0x38;
	[tilespmem:$0x1EA00] =	vst v63  }
0x3e: {  	_ =	swait.ge [sflag:s18], $0x2700  }
0x3f: {  	[sflag:s18] =	ssyncset.done $0x0  }
0x40: {  	s9 =	simm.s32 $0x0;
	s8 =	rddreg [dreg:$0x8];
	[sflag:s18] =	ssyncadd.s32 $0xFFFFD900  }
0x41: {  	[tilespmem:s19], [sflag:$0x5] =	stream.linear.gather [hbm4b:s8+s13], $0x80, $0x38;
	[tilespmem:$0x1EA00] =	vst v63  }
0x42: {  	s8 =	sand.u32 $0x3C00, s9;
	_ =	swait.ge [sflag:s18], $0x80  }
0x43: {  	s1 =	sand.u32 $0x300, s9;
	s8 =	sadd.s32 s4, s8;
	[sflag:s18] =	ssyncset.done $0x0  }
0x44: {  	s10 =	sor.u32 s1, s8;
	[sflag:s18] =	ssyncadd.s32 $0xFFFFFF80  }
0x45: {  	[tilespmem:s17], [sflag:$0x1] =	stream.indirect.gather [hbm4b:s5+s20], $0x80, s13, s20, $0xb8;
	[tilespmem:$0x1EA00] =	vst v63  }
0x46: {  	s11 =	simm.s32 $0x80;
	s12 =	simm.s32 $0x80;
	s0 =	sshrl.u32 s10, $0x3  }
0x47: {  	[tilespmem:s21], [sflag:$0x2] =	stream.indirect.gather [hbm4b:s5+s20], $0x80, s11, s20, $0xb8;
	[tilespmem:$0x1EA00] =	vst v63  }
0x48: {  	s1 =	sand.u32 $0x380, s12;
	s0 =	sadd.s32 s6, s0  }
0x49: {  	[tilespmem:s22], [sflag:$0x5] =	stream.linear.gather [hbm4b:s0+s3], $0x80, $0x38;
	[tilespmem:$0x1EA00] =	vst v63  }
0x4a: {  	s13 =	sor.u32 s8, s1;
	_ =	swait.ge [sflag:s18], $0x80  }
0x4b: {  	s0 =	sshrl.u32 s13, $0x3;
	[sflag:s18] =	ssyncset.done $0x0  }
0x4c: {  	s0 =	sadd.s32 s6, s0;
	[sflag:s18] =	ssyncadd.s32 $0xFFFFFF80  }
0x4d: {  	[tilespmem:s23], [sflag:$0x5] =	stream.linear.gather [hbm4b:s0+s3], $0x80, $0x38;
	[tilespmem:$0x1EA00] =	vst v63  }
0x4e: {  	_ =	swait.ge [sflag:s18], $0x80  }
0x4f: {  	[sflag:s18] =	ssyncset.done $0x0  }
0x50: {  	[sflag:s18] =	ssyncadd.s32 $0xFFFFFF80  }
0x51: {  	_ =	swait.ge [sflag:s24], $0x4000  }
0x52: {  	[sflag:s24] =	ssyncset.done $0x0  }
0x53: {  	[sflag:s24] =	ssyncadd.s32 $0xFFFFC000  }
0x54: {  	_ =	swait.ge [sflag:s25], $0x4000  }
0x55: {  	[sflag:s25] =	ssyncset.done $0x0  }
0x56: {  	[sflag:s25] =	ssyncadd.s32 $0xFFFFC000  }
0x57: {  	[spmem:s2] =	stream.indirect.scatter.add.f32 [tilespmem:s17], [sflag:$0x3], $0x80, s22, s20, $0xb8;
	[tilespmem:$0x1EA00] =	vst v63  }
0x58: {  	_ = 	snop  }
0x59: {  	[spmem:s2] =	stream.indirect.scatter.add.f32 [tilespmem:s21], [sflag:$0x4], $0x80, s23, s20, $0xb8;
	[tilespmem:$0x1EA00] =	vst v63  }
0x5a: {  	s8 =	simm.s32 $0x280;
	_ =	swait.ge [sflag:s26], $0x4000  }
0x5b: {  	s1 =	simm.s32 $0x100;
	s0 =	simm.s32 $0x180;
	[sflag:s26] =	ssyncset.done $0x0  }
.LBB2_4:
0x5c: {  	s10 =	sadd.s32 $0xFFFFFF80, s0  }
0x5d: {  	[sflag:s26] =	ssyncadd.s32 $0xFFFFC000;
	s11 =	smov.u32 s8;
	s9 =	sadd.s32 $0x100, s8  }
0x5e: {  	s0 =	sand.u32 $0x380, s0;
	s12 =	sand.u32 $0x3C00, s10;
	_ =	swait.ge [sflag:s28], $0x4000  }
0x5f: {  	s10 =	sand.u32 $0x300, s10;
	s12 =	sadd.s32 s4, s12;
	[sflag:s28] =	ssyncset.done $0x0  }
0x60: {  	s10 =	sor.u32 s10, s12;
	s0 =	sor.u32 s12, s0;
	[sflag:s28] =	ssyncadd.s32 $0xFFFFC000  }
0x61: {  	s12 =	sadd.s32 $0x80, s1;
	s10 =	sshrl.u32 s10, $0x3;
	s13 =	sshrl.u32 s0, $0x3  }
0x62: {  	[tilespmem:s17], [sflag:$0x1] =	stream.indirect.gather [hbm4b:s5+s20], $0x80, s1, s20, $0xb8;
	[tilespmem:$0x1EA00] =	vst v63  }
0x63: {  	p0 =	sne.s32 s8, $0x2680;
	s0 =	smov.u32 s11;
	s8 =	sadd.s32 s6, s10  }
0x64: {  	[tilespmem:s21], [sflag:$0x2] =	stream.indirect.gather [hbm4b:s5+s20], $0x80, s12, s20, $0xb8;
	[tilespmem:$0x1EA00] =	vst v63  }
0x65: {  	_ = 	snop  }
0x66: {  	[tilespmem:s22], [sflag:$0x5] =	stream.linear.gather [hbm4b:s8+s3], $0x80, $0x38;
	[tilespmem:$0x1EA00] =	vst v63  }
0x67: {  	_ =	swait.ge [sflag:s18], $0x80  }
0x68: {  	s8 =	sadd.s32 s6, s13;
	[sflag:s18] =	ssyncset.done $0x0  }
0x69: {  	[sflag:s18] =	ssyncadd.s32 $0xFFFFFF80  }
0x6a: {  	[tilespmem:s23], [sflag:$0x5] =	stream.linear.gather [hbm4b:s8+s3], $0x80, $0x38;
	[tilespmem:$0x1EA00] =	vst v63  }
0x6b: {  	_ =	swait.ge [sflag:s18], $0x80  }
0x6c: {  	[sflag:s18] =	ssyncset.done $0x0  }
0x6d: {  	[sflag:s18] =	ssyncadd.s32 $0xFFFFFF80  }
0x6e: {  	_ =	swait.ge [sflag:s24], $0x4000  }
0x6f: {  	[sflag:s24] =	ssyncset.done $0x0  }
0x70: {  	[sflag:s24] =	ssyncadd.s32 $0xFFFFC000  }
0x71: {  	_ =	swait.ge [sflag:s25], $0x4000  }
0x72: {  	[sflag:s25] =	ssyncset.done $0x0  }
0x73: {  	[sflag:s25] =	ssyncadd.s32 $0xFFFFC000  }
0x74: {  	[spmem:s2] =	stream.indirect.scatter.add.f32 [tilespmem:s17], [sflag:$0x3], $0x80, s22, s20, $0xb8;
	[tilespmem:$0x1EA00] =	vst v63  }
.Ltmp1:
0x75: {  	_ = 	snop;
	(pc) =	sbr.rel @p0 .LBB2_4-.Ltmp1, $4  }
0x76: {  	_ = 	snop  }
0x77: {  	[spmem:s2] =	stream.indirect.scatter.add.f32 [tilespmem:s21], [sflag:$0x4], $0x80, s23, s20, $0xb8;
	[tilespmem:$0x1EA00] =	vst v63  }
0x78: {  	_ =	swait.ge [sflag:s26], $0x4000  }
0x79: {  	s1 =	sadd.s32 $0x100, s1;
	s8 =	smov.u32 s9;
	[sflag:s26] =	ssyncset.done $0x0  }
0x7a: {  	[sflag:s26] =	ssyncadd.s32 $0xFFFFC000  }
0x7b: {  	_ =	swait.ge [sflag:s28], $0x4000  }
0x7c: {  	s8 =	sadd.s32 $0xFFFFFF80, s0;
	[sflag:s28] =	ssyncset.done $0x0  }
0x7d: {  	s10 =	sand.u32 $0x3C00, s8;
	[sflag:s28] =	ssyncadd.s32 $0xFFFFC000  }
0x7e: {  	[tilespmem:s17], [sflag:$0x1] =	stream.indirect.gather [hbm4b:s5+s20], $0x80, s1, s20, $0xb8;
	[tilespmem:$0x1EA00] =	vst v63  }
0x7f: {  	s9 =	sadd.s32 $0x80, s1;
	s8 =	sand.u32 $0x300, s8;
	s1 =	sadd.s32 s4, s10  }
0x80: {  	s8 =	sor.u32 s8, s1  }
0x81: {  	[tilespmem:s21], [sflag:$0x2] =	stream.indirect.gather [hbm4b:s5+s20], $0x80, s9, s20, $0xb8;
	[tilespmem:$0x1EA00] =	vst v63  }
0x82: {  	s8 =	sshrl.u32 s8, $0x3  }
0x83: {  	s11 =	sand.u32 $0x380, s0;
	s8 =	sadd.s32 s6, s8  }
0x84: {  	[tilespmem:s22], [sflag:$0x5] =	stream.linear.gather [hbm4b:s8+s3], $0x80, $0x38;
	[tilespmem:$0x1EA00] =	vst v63  }
0x85: {  	s0 =	sor.u32 s1, s11;
	_ =	swait.ge [sflag:s18], $0x80  }
0x86: {  	s0 =	sshrl.u32 s0, $0x3;
	[sflag:s18] =	ssyncset.done $0x0  }
0x87: {  	s0 =	sadd.s32 s6, s0;
	[sflag:s18] =	ssyncadd.s32 $0xFFFFFF80  }
0x88: {  	[tilespmem:s23], [sflag:$0x5] =	stream.linear.gather [hbm4b:s0+s3], $0x80, $0x38;
	[tilespmem:$0x1EA00] =	vst v63  }
0x89: {  	_ =	swait.ge [sflag:s18], $0x80  }
0x8a: {  	[sflag:s18] =	ssyncset.done $0x0  }
0x8b: {  	[sflag:s18] =	ssyncadd.s32 $0xFFFFFF80  }
0x8c: {  	_ =	swait.ge [sflag:s24], $0x4000  }
0x8d: {  	[sflag:s24] =	ssyncset.done $0x0  }
0x8e: {  	[sflag:s24] =	ssyncadd.s32 $0xFFFFC000  }
0x8f: {  	_ =	swait.ge [sflag:s25], $0x4000  }
0x90: {  	[sflag:s25] =	ssyncset.done $0x0  }
0x91: {  	[sflag:s25] =	ssyncadd.s32 $0xFFFFC000  }
0x92: {  	[spmem:s2] =	stream.indirect.scatter.add.f32 [tilespmem:s17], [sflag:$0x3], $0x80, s22, s20, $0xb8;
	[tilespmem:$0x1EA00] =	vst v63  }
0x93: {  	_ = 	snop  }
0x94: {  	[spmem:s2] =	stream.indirect.scatter.add.f32 [tilespmem:s21], [sflag:$0x4], $0x80, s23, s20, $0xb8;
	[tilespmem:$0x1EA00] =	vst v63  }
0x95: {  	_ =	swait.ge [sflag:s26], $0x4000  }
0x96: {  	[sflag:s26] =	ssyncset.done $0x0  }
0x97: {  	[sflag:s26] =	ssyncadd.s32 $0xFFFFC000  }
0x98: {  	_ =	swait.ge [sflag:s28], $0x4000  }
0x99: {  	[sflag:s28] =	ssyncset.done $0x0  }
0x9a: {  	[sflag:s28] =	ssyncadd.s32 $0xFFFFC000  }
0x9b: {  	[tilespmem:s29], [sflag:$0x5] =	stream.linear.gather [hbm4b:s14+s3], $0x80, $0x38;
	[tilespmem:$0x1EA00] =	vst v63  }
0x9c: {  	_ =	swait.ge [sflag:s18], $0x80  }
0x9d: {  	[sflag:s18] =	ssyncset.done $0x0  }
0x9e: {  	[sflag:s18] =	ssyncadd.s32 $0xFFFFFF80  }
0x9f: {  	[tilespmem:s17], [sflag:$0x1] =	stream.indirect.gather [hbm4b:s5+s30], $0x80, s19, s30, $0xb8;
	[tilespmem:$0x1EA00] =	vst v63  }
0xa0: {  	_ =	swait.ge [sflag:s24], $0x800  }
0xa1: {  	[sflag:s24] =	ssyncset.done $0x0  }
0xa2: {  	[sflag:s24] =	ssyncadd.s32 $0xFFFFF800  }
0xa3: {  	[spmem:s2] =	stream.indirect.scatter.add.f32 [tilespmem:s17], [sflag:$0x5], $0x80, s29, s30, $0xb8;
	[tilespmem:$0x1EA00] =	vst v63  }
0xa4: {  	s12 =	stileid.u32;
	_ =	swait.ge [sflag:s18], $0x800  }
0xa5: {  	s13 =	sshrl.u32 s7, $0x3;
	s31 =	sadd.s32 $0x1, s31;
	[sflag:s18] =	ssyncset.done $0x0  }
0xa6: {  	p0 =	sne.s32 s31, s16;
	s0 =	sshll.u32 s12, $0x6;
	[sflag:s18] =	ssyncadd.s32 $0xFFFFF800  }
.Ltmp2:
0xa7: {  	s0 =	sor.u32 $0x1C05, s0;
	[bflag:$0x0] =	sbarrier.arrive $0xFFFF;
	(pc) =	sbr.rel @p0 .LBB2_1-.Ltmp2, $4  }
0xa8: {  	[hbm:s15], [sflag:s0] =	dma.local [spmem:s13], $0x2800  }
0xa9: {  	_ =	swait.ge [sflag:s18], $0x2800  }
0xaa: {  	[sflag:s18] =	ssyncset.done $0x0  }
0xab: {  	[sflag:s18] =	ssyncadd.s32 $0xFFFFD800  }
0xac: {  	_ =	sfence.sel $0x180000  }
0xad: {  	[bflag:$0x0] =	sbarrier.arrive $0xFFFF  }
0xae: {  	_ =	strace $0x90000050  }
0xaf: {  	s0 =	stileid.u32;
	[bflag:$0x2] =	sbarrier.arrive $0xFFFF  }
0xb0: {  	p0 =	sne.s32 s0, $0x0;
	s0 =	rddreg [dreg:$0x2]  }
0xb1: {  	s0 =	sadd.s32 @!p0 $0x100000, s0  }
0xb2: {  	[sflag:s0] =	ssyncadd.tile.s32 @!p0 $0x1;
	_ =	shalt  }
.Lfunc_end2:
_tile_overlayer_lowered:
.L_overlay_start_2:
0xb3: {  	(tag) =	ssettag $0x2  }
0xb4: {  	s0 =	rddreg [dreg:$0x0];
	s2 =	stileid.u32  }
0xb5: {  	s1 =	rddreg [dreg:$0x1];
	p0 =	sne.s32 s2, $0x0  }
0xb6: {  	s3 =	rddreg [dreg:$0x2];
	[bflag:$0x3] =	sbarrier.arrive $0xFFFF;
	s2 =	simm.s32 @!p0 $0x1C05  }
0xb7: {  	[timem:s3], [sflag:s2] =	dma.local @!p0 [hbm:s0], s1  }
0xb8: {  	s0 =	simm.s32 @!p0 $0x5  }
0xb9: {  	_ =	swait.ge @!p0 [sflag:s0], s1  }
0xba: {  	s1 =	ssub.s32 @!p0 $0x0, s1;
	[sflag:s0] =	ssyncset.done @!p0 $0x0  }
0xbb: {  	[sflag:s0] =	ssyncadd.s32 @!p0 s1  }
0xbc: {  	[bflag:$0x3] =	sbarrier.arrive $0xFFFF  }
0xbd: {  	_ =	shalt  }

</sc_bundles>
